<compile_context>
chip_gen: v7x
topology: tpu7x:2x2x1
jax: 0.10.2.dev20260603
libtpu: 0.0.44.dev20260713+nightly
codegen_flags: <defaults>
</compile_context>

<pallas_src>
import functools

import numpy as np
import jax
import jax.numpy as jnp
from jax import lax
from jax.experimental import pallas as pl
from jax.experimental.pallas import tpu as pltpu
from jax.experimental.pallas import tpu_sc as plsc

G = 64
K = 16
D = 128
NSEG = 8
NC, NS, L = 2, 16, 16
NW = NC * NS
GPW = G // NW


def _sc_embed_body(idx_hbm, emb_hbm, embed_out, idx_v, w_v, rows_v, out_v, sem):
    wid = lax.axis_index("s") * NC + lax.axis_index("c")
    base = wid * (GPW * K)
    pltpu.sync_copy(idx_hbm.at[pl.ds(base, GPW * K)], idx_v)

    lane = lax.iota(jnp.int32, K)
    for t in range(GPW):
        idx = idx_v[pl.ds(t * K, K)]
        dup = lane < 0
        for s in range(1, K):
            sel = ((lane - s) & (K - 1)) + (t * K)
            shifted = plsc.load_gather(idx_v, [sel])
            dup = jnp.logical_or(
                dup, jnp.logical_and(idx == shifted, lane >= s)
            )
        uniq = jnp.logical_not(dup)
        cnt = plsc.all_reduce_population_count(uniq)
        inv = 1.0 / cnt.astype(jnp.float32)
        w_v[pl.ds(t * K, K)] = jnp.where(uniq, inv, 0.0)

    pltpu.async_copy(emb_hbm.at[idx_v], rows_v, sem).wait()

    lane0 = lane * 0
    for t in range(GPW):
        wj = [plsc.load_gather(w_v, [lane0 + (t * K + j)]) for j in range(K)]
        for dc in range(D // L):
            acc = wj[0] * rows_v[t * K, pl.ds(dc * L, L)]
            for j in range(1, K):
                acc = acc + wj[j] * rows_v[t * K + j, pl.ds(dc * L, L)]
            out_v[t, pl.ds(dc * L, L)] = acc

    pltpu.sync_copy(out_v, embed_out.at[pl.ds(wid * GPW, GPW)])


def _sc_embed(idx_flat, n_emb):
    mesh = plsc.VectorSubcoreMesh(
        core_axis_name="c", subcore_axis_name="s", num_cores=NC, num_subcores=NS
    )
    f = pl.kernel(
        _sc_embed_body,
        out_type=jax.ShapeDtypeStruct((G, D), jnp.float32),
        mesh=mesh,
        scratch_types=[
            pltpu.VMEM((GPW * K,), jnp.int32),
            pltpu.VMEM((GPW * K,), jnp.float32),
            pltpu.VMEM((GPW * K, D), jnp.float32),
            pltpu.VMEM((GPW, D), jnp.float32),
            pltpu.SemaphoreType.DMA,
        ],
        compiler_params=pltpu.CompilerParams(needs_layout_passes=False),
    )
    return f(idx_flat, n_emb)


def _tc_dense_body(embed_ref, att_ref, batch_ref, a_ref, mp_ref, ab_ref, aib_ref):
    embed = embed_ref[...]
    att = att_ref[...]
    logits = jnp.sum(embed * att, axis=1, keepdims=True) / 10.0
    z = logits - jnp.max(logits)
    e = jnp.exp(z)
    a = e / jnp.sum(e)
    c = 1.0 / (1.0 + jnp.exp(-1000.0 * (a - 0.1)))
    inv_a = 1.0 - a

    batch = batch_ref[...]
    seg = lax.broadcasted_iota(jnp.int32, (NSEG, G), 0)
    onehot = (seg == batch).astype(jnp.float32)
    counts = jnp.sum(onehot, axis=1, keepdims=True)

    dot = functools.partial(
        jnp.dot, precision=lax.Precision.HIGHEST,
        preferred_element_type=jnp.float32,
    )
    mp_ref[...] = dot(onehot, embed * c) / jnp.maximum(counts, 1.0)
    ab_ref[...] = dot(onehot, embed * a)
    aib_ref[...] = dot(onehot, embed * inv_a)
    a_ref[...] = a


def _tc_dense(embed, att2d, batch2d):
    return pl.pallas_call(
        _tc_dense_body,
        out_shape=(
            jax.ShapeDtypeStruct((G, 1), jnp.float32),
            jax.ShapeDtypeStruct((NSEG, D), jnp.float32),
            jax.ShapeDtypeStruct((NSEG, D), jnp.float32),
            jax.ShapeDtypeStruct((NSEG, D), jnp.float32),
        ),
    )(embed, att2d, batch2d)


def kernel(node_id, n_emb, batch, step, att_embedding):
    groups = node_id[step]
    idx_flat = groups.reshape(-1).astype(jnp.int32)
    embed = _sc_embed(idx_flat, n_emb)
    a, mean_pool, add_b, add_inv_b = _tc_dense(
        embed,
        att_embedding.reshape(1, D),
        batch.reshape(1, G).astype(jnp.int32),
    )
    return (a.reshape(G), embed, mean_pool, add_b, add_inv_b)

# --- scband reference (transcript-rebuilt; emitter-appended) ---
"""Pipeline reference for scband-att-explainer-6528350290215 (READ-ONLY COPY).

The authoritative reference and input builder live on the scoring server;
editing this copy changes nothing except your own understanding.
"""

import jax, jax.numpy as jnp
import numpy as np


def setup_inputs(seed: int = 0) -> dict:
    key = jax.random.key(seed)
    k1, k2, k3, k4 = jax.random.split(key, 4)
    N, D, G, K = 100000, 128, 64, 16
    node_id = jax.random.randint(k1, (1, G, K), 0, N)
    n_emb = jax.random.normal(k2, (N, D), dtype=jnp.float32)
    batch = jnp.sort(jax.random.randint(k3, (G,), 0, 8))
    att_embedding = jax.random.normal(k4, (D,), dtype=jnp.float32)
    return {"node_id": node_id, "n_emb": n_emb, "batch": batch, "step": 0, "att_embedding": att_embedding}


def reference(node_id, n_emb, batch, step, att_embedding):
    groups = node_id[step]  # [G, K]
    N = n_emb.shape[0]
    G = groups.shape[0]
    embed_list = []
    for i in range(G):
        # torch builds a boolean mask per group (duplicates collapse), then mean over masked rows
        mask = jnp.zeros((N,), dtype=bool).at[groups[i]].set(True)
        m = mask.astype(n_emb.dtype)
        mean = (n_emb * m[:, None]).sum(axis=0) / m.sum()
        embed_list.append(mean[None, :])
    embed = jnp.concatenate(embed_list, axis=0)  # [G, D]
    a = embed @ att_embedding  # [G]
    a = jax.nn.softmax(a / 10.0, axis=0)
    inv_a = 1.0 - a
    c = jax.nn.sigmoid(1000.0 * (a - 0.1))
    b = embed * a[:, None]
    inv_b = embed * inv_a[:, None]
    new_emb = embed * c[:, None]
    num_seg = 8
    counts = jax.ops.segment_sum(jnp.ones((G,), dtype=n_emb.dtype), batch, num_segments=num_seg)
    mean_pool = jax.ops.segment_sum(new_emb, batch, num_segments=num_seg) / jnp.clip(counts, 1.0)[:, None]
    add_b = jax.ops.segment_sum(b, batch, num_segments=num_seg)
    add_inv_b = jax.ops.segment_sum(inv_b, batch, num_segments=num_seg)
    return (a, embed, mean_pool, add_b, add_inv_b)

if __name__ == "__main__":
    import jax
    _d = setup_inputs()
    print(jax.jit(kernel)(*tuple(_d.values())))

</pallas_src>

<mosaic_0001>
#map = affine_map<(d0, d1) -> (0)>
#map1 = affine_map<(d0, d1) -> (0, 0)>
module attributes {stable_mosaic.version = 14 : i64} {
  func.func @_sc_embed_body(%arg0: i32, %arg1: i32, %arg2: memref<1024xi32, #tpu.memory_space<hbm>>, %arg3: memref<100000x128xf32, #tpu.memory_space<hbm>>, %arg4: memref<64x128xf32, #tpu.memory_space<hbm>>, %arg5: memref<32xi32, #tpu.memory_space<vmem>>, %arg6: memref<32xf32, #tpu.memory_space<vmem>>, %arg7: memref<32x128xf32, #tpu.memory_space<vmem>>, %arg8: memref<2x128xf32, #tpu.memory_space<vmem>>, %arg9: memref<!tpu.dma_semaphore, #tpu.memory_space<semaphore_mem>>) attributes {dimension_semantics = [#tpu.dimension_semantics<core_parallel>, #tpu.dimension_semantics<subcore_parallel>], iteration_bounds = array<i64: 2, 16>, scalar_prefetch = 0 : i64, scratch_operands = 5 : i64, tpu.core_type = #tpu.core_type<sc_vector_subcore>, window_params = [{transform_indices = #map}, {transform_indices = #map1}, {transform_indices = #map1}]} {
    %mul3A = arith.constant 2 : i32
    %mul3A_0 = arith.muli %arg1, %mul3A : i32
    %add3A = arith.addi %mul3A_0, %arg0 : i32
    %mul3A_1 = arith.constant 32 : i32
    %mul3A_2 = arith.muli %add3A, %mul3A_1 : i32
    "tpu.region"() ({
      %run_scoped3A = tpu.sem_alloc : memref<!tpu.dma_semaphore, #tpu.memory_space<semaphore_mem>>
      %dma_start3A_2222 = tpu.memref_slice %arg2[%mul3A_2] : memref<1024xi32, #tpu.memory_space<hbm>> -> memref<32xi32, #tpu.memory_space<hbm>>
      %dma_start3A_2223 = tpu.memref_slice %arg2[%mul3A_2] : memref<1024xi32, #tpu.memory_space<hbm>> -> memref<32xi32, #tpu.memory_space<hbm>>
      tpu.enqueue_dma source(%dma_start3A_2223 : memref<32xi32, #tpu.memory_space<hbm>>) target(%arg5 : memref<32xi32, #tpu.memory_space<vmem>>) target_semaphore(%run_scoped3A : memref<!tpu.dma_semaphore, #tpu.memory_space<semaphore_mem>>)
      %dma_wait3A_2224 = tpu.memref_slice %arg2[%mul3A_2] : memref<1024xi32, #tpu.memory_space<hbm>> -> memref<32xi32, #tpu.memory_space<hbm>>
      %dma_wait3A_2225 = tpu.memref_slice %arg2[%mul3A_2] : memref<1024xi32, #tpu.memory_space<hbm>> -> memref<32xi32, #tpu.memory_space<hbm>>
      tpu.wait_dma2 semaphore(%run_scoped3A : memref<!tpu.dma_semaphore, #tpu.memory_space<semaphore_mem>>) src(%dma_wait3A_2225 : memref<32xi32, #tpu.memory_space<hbm>>) dst(%arg5 : memref<32xi32, #tpu.memory_space<vmem>>)
      tpu.yield
    }) : () -> ()
    %iota3A = tpu.iota {dimensions = array<i32: 0>} : vector<16xi32>
    %get3A = arith.constant 0 : index
    %get3A_3 = tpu.vector_load %arg5[%get3A] {strides = array<i32>} : memref<32xi32, #tpu.memory_space<vmem>>, vector<16xi32>,
    %lt3A = arith.constant 0 : i32
    %lt3A_4 = vector.broadcast %lt3A : i32 to vector<16xi32>
    %lt3A_5 = arith.cmpi slt, %iota3A, %lt3A_4 : vector<16xi32>
    %sub3A = arith.constant 1 : i32
    %sub3A_6 = vector.broadcast %sub3A : i32 to vector<16xi32>
    %sub3A_7 = arith.subi %iota3A, %sub3A_6 : vector<16xi32>
    %and3A = arith.constant 15 : i32
    %and3A_8 = vector.broadcast %and3A : i32 to vector<16xi32>
    %and3A_9 = arith.andi %sub3A_7, %and3A_8 : vector<16xi32>
    %add3A_10 = arith.constant 0 : i32
    %add3A_11 = vector.broadcast %add3A_10 : i32 to vector<16xi32>
    %add3A_12 = arith.addi %and3A_9, %add3A_11 : vector<16xi32>
    %gather3A = tpu.vector_load_idx %arg5[%add3A_12] : memref<32xi32, #tpu.memory_space<vmem>>[vector<16xi32>], vector<16xi32>,
    %eq3A = arith.cmpi eq, %get3A_3, %gather3A : vector<16xi32>
    %ge3A = arith.constant 1 : i32
    %ge3A_13 = vector.broadcast %ge3A : i32 to vector<16xi32>
    %ge3A_14 = arith.cmpi sge, %iota3A, %ge3A_13 : vector<16xi32>
    %and3A_15 = arith.andi %eq3A, %ge3A_14 : vector<16xi1>
    %or3A = arith.ori %lt3A_5, %and3A_15 : vector<16xi1>
    %sub3A_16 = arith.constant 2 : i32
    %sub3A_17 = vector.broadcast %sub3A_16 : i32 to vector<16xi32>
    %sub3A_18 = arith.subi %iota3A, %sub3A_17 : vector<16xi32>
    %and3A_19 = arith.constant 15 : i32
    %and3A_20 = vector.broadcast %and3A_19 : i32 to vector<16xi32>
    %and3A_21 = arith.andi %sub3A_18, %and3A_20 : vector<16xi32>
    %add3A_22 = arith.constant 0 : i32
    %add3A_23 = vector.broadcast %add3A_22 : i32 to vector<16xi32>
    %add3A_24 = arith.addi %and3A_21, %add3A_23 : vector<16xi32>
    %gather3A_25 = tpu.vector_load_idx %arg5[%add3A_24] : memref<32xi32, #tpu.memory_space<vmem>>[vector<16xi32>], vector<16xi32>,
    %eq3A_26 = arith.cmpi eq, %get3A_3, %gather3A_25 : vector<16xi32>
    %ge3A_27 = arith.constant 2 : i32
    %ge3A_28 = vector.broadcast %ge3A_27 : i32 to vector<16xi32>
    %ge3A_29 = arith.cmpi sge, %iota3A, %ge3A_28 : vector<16xi32>
    %and3A_30 = arith.andi %eq3A_26, %ge3A_29 : vector<16xi1>
    %or3A_31 = arith.ori %or3A, %and3A_30 : vector<16xi1>
    %sub3A_32 = arith.constant 3 : i32
    %sub3A_33 = vector.broadcast %sub3A_32 : i32 to vector<16xi32>
    %sub3A_34 = arith.subi %iota3A, %sub3A_33 : vector<16xi32>
    %and3A_35 = arith.constant 15 : i32
    %and3A_36 = vector.broadcast %and3A_35 : i32 to vector<16xi32>
    %and3A_37 = arith.andi %sub3A_34, %and3A_36 : vector<16xi32>
    %add3A_38 = arith.constant 0 : i32
    %add3A_39 = vector.broadcast %add3A_38 : i32 to vector<16xi32>
    %add3A_40 = arith.addi %and3A_37, %add3A_39 : vector<16xi32>
    %gather3A_41 = tpu.vector_load_idx %arg5[%add3A_40] : memref<32xi32, #tpu.memory_space<vmem>>[vector<16xi32>], vector<16xi32>,
    %eq3A_42 = arith.cmpi eq, %get3A_3, %gather3A_41 : vector<16xi32>
    %ge3A_43 = arith.constant 3 : i32
    %ge3A_44 = vector.broadcast %ge3A_43 : i32 to vector<16xi32>
    %ge3A_45 = arith.cmpi sge, %iota3A, %ge3A_44 : vector<16xi32>
    %and3A_46 = arith.andi %eq3A_42, %ge3A_45 : vector<16xi1>
    %or3A_47 = arith.ori %or3A_31, %and3A_46 : vector<16xi1>
    %sub3A_48 = arith.constant 4 : i32
    %sub3A_49 = vector.broadcast %sub3A_48 : i32 to vector<16xi32>
    %sub3A_50 = arith.subi %iota3A, %sub3A_49 : vector<16xi32>
    %and3A_51 = arith.constant 15 : i32
    %and3A_52 = vector.broadcast %and3A_51 : i32 to vector<16xi32>
    %and3A_53 = arith.andi %sub3A_50, %and3A_52 : vector<16xi32>
    %add3A_54 = arith.constant 0 : i32
    %add3A_55 = vector.broadcast %add3A_54 : i32 to vector<16xi32>
    %add3A_56 = arith.addi %and3A_53, %add3A_55 : vector<16xi32>
    %gather3A_57 = tpu.vector_load_idx %arg5[%add3A_56] : memref<32xi32, #tpu.memory_space<vmem>>[vector<16xi32>], vector<16xi32>,
    %eq3A_58 = arith.cmpi eq, %get3A_3, %gather3A_57 : vector<16xi32>
    %ge3A_59 = arith.constant 4 : i32
    %ge3A_60 = vector.broadcast %ge3A_59 : i32 to vector<16xi32>
    %ge3A_61 = arith.cmpi sge, %iota3A, %ge3A_60 : vector<16xi32>
    %and3A_62 = arith.andi %eq3A_58, %ge3A_61 : vector<16xi1>
    %or3A_63 = arith.ori %or3A_47, %and3A_62 : vector<16xi1>
    %sub3A_64 = arith.constant 5 : i32
    %sub3A_65 = vector.broadcast %sub3A_64 : i32 to vector<16xi32>
    %sub3A_66 = arith.subi %iota3A, %sub3A_65 : vector<16xi32>
    %and3A_67 = arith.constant 15 : i32
    %and3A_68 = vector.broadcast %and3A_67 : i32 to vector<16xi32>
    %and3A_69 = arith.andi %sub3A_66, %and3A_68 : vector<16xi32>
    %add3A_70 = arith.constant 0 : i32
    %add3A_71 = vector.broadcast %add3A_70 : i32 to vector<16xi32>
    %add3A_72 = arith.addi %and3A_69, %add3A_71 : vector<16xi32>
    %gather3A_73 = tpu.vector_load_idx %arg5[%add3A_72] : memref<32xi32, #tpu.memory_space<vmem>>[vector<16xi32>], vector<16xi32>,
    %eq3A_74 = arith.cmpi eq, %get3A_3, %gather3A_73 : vector<16xi32>
    %ge3A_75 = arith.constant 5 : i32
    %ge3A_76 = vector.broadcast %ge3A_75 : i32 to vector<16xi32>
    %ge3A_77 = arith.cmpi sge, %iota3A, %ge3A_76 : vector<16xi32>
    %and3A_78 = arith.andi %eq3A_74, %ge3A_77 : vector<16xi1>
    %or3A_79 = arith.ori %or3A_63, %and3A_78 : vector<16xi1>
    %sub3A_80 = arith.constant 6 : i32
    %sub3A_81 = vector.broadcast %sub3A_80 : i32 to vector<16xi32>
    %sub3A_82 = arith.subi %iota3A, %sub3A_81 : vector<16xi32>
    %and3A_83 = arith.constant 15 : i32
    %and3A_84 = vector.broadcast %and3A_83 : i32 to vector<16xi32>
    %and3A_85 = arith.andi %sub3A_82, %and3A_84 : vector<16xi32>
    %add3A_86 = arith.constant 0 : i32
    %add3A_87 = vector.broadcast %add3A_86 : i32 to vector<16xi32>
    %add3A_88 = arith.addi %and3A_85, %add3A_87 : vector<16xi32>
    %gather3A_89 = tpu.vector_load_idx %arg5[%add3A_88] : memref<32xi32, #tpu.memory_space<vmem>>[vector<16xi32>], vector<16xi32>,
    %eq3A_90 = arith.cmpi eq, %get3A_3, %gather3A_89 : vector<16xi32>
    %ge3A_91 = arith.constant 6 : i32
    %ge3A_92 = vector.broadcast %ge3A_91 : i32 to vector<16xi32>
    %ge3A_93 = arith.cmpi sge, %iota3A, %ge3A_92 : vector<16xi32>
    %and3A_94 = arith.andi %eq3A_90, %ge3A_93 : vector<16xi1>
    %or3A_95 = arith.ori %or3A_79, %and3A_94 : vector<16xi1>
    %sub3A_96 = arith.constant 7 : i32
    %sub3A_97 = vector.broadcast %sub3A_96 : i32 to vector<16xi32>
    %sub3A_98 = arith.subi %iota3A, %sub3A_97 : vector<16xi32>
    %and3A_99 = arith.constant 15 : i32
    %and3A_100 = vector.broadcast %and3A_99 : i32 to vector<16xi32>
    %and3A_101 = arith.andi %sub3A_98, %and3A_100 : vector<16xi32>
    %add3A_102 = arith.constant 0 : i32
    %add3A_103 = vector.broadcast %add3A_102 : i32 to vector<16xi32>
    %add3A_104 = arith.addi %and3A_101, %add3A_103 : vector<16xi32>
    %gather3A_105 = tpu.vector_load_idx %arg5[%add3A_104] : memref<32xi32, #tpu.memory_space<vmem>>[vector<16xi32>], vector<16xi32>,
    %eq3A_106 = arith.cmpi eq, %get3A_3, %gather3A_105 : vector<16xi32>
    %ge3A_107 = arith.constant 7 : i32
    %ge3A_108 = vector.broadcast %ge3A_107 : i32 to vector<16xi32>
    %ge3A_109 = arith.cmpi sge, %iota3A, %ge3A_108 : vector<16xi32>
    %and3A_110 = arith.andi %eq3A_106, %ge3A_109 : vector<16xi1>
    %or3A_111 = arith.ori %or3A_95, %and3A_110 : vector<16xi1>
    %sub3A_112 = arith.constant 8 : i32
    %sub3A_113 = vector.broadcast %sub3A_112 : i32 to vector<16xi32>
    %sub3A_114 = arith.subi %iota3A, %sub3A_113 : vector<16xi32>
    %and3A_115 = arith.constant 15 : i32
    %and3A_116 = vector.broadcast %and3A_115 : i32 to vector<16xi32>
    %and3A_117 = arith.andi %sub3A_114, %and3A_116 : vector<16xi32>
    %add3A_118 = arith.constant 0 : i32
    %add3A_119 = vector.broadcast %add3A_118 : i32 to vector<16xi32>
    %add3A_120 = arith.addi %and3A_117, %add3A_119 : vector<16xi32>
    %gather3A_121 = tpu.vector_load_idx %arg5[%add3A_120] : memref<32xi32, #tpu.memory_space<vmem>>[vector<16xi32>], vector<16xi32>,
    %eq3A_122 = arith.cmpi eq, %get3A_3, %gather3A_121 : vector<16xi32>
    %ge3A_123 = arith.constant 8 : i32
    %ge3A_124 = vector.broadcast %ge3A_123 : i32 to vector<16xi32>
    %ge3A_125 = arith.cmpi sge, %iota3A, %ge3A_124 : vector<16xi32>
    %and3A_126 = arith.andi %eq3A_122, %ge3A_125 : vector<16xi1>
    %or3A_127 = arith.ori %or3A_111, %and3A_126 : vector<16xi1>
    %sub3A_128 = arith.constant 9 : i32
    %sub3A_129 = vector.broadcast %sub3A_128 : i32 to vector<16xi32>
    %sub3A_130 = arith.subi %iota3A, %sub3A_129 : vector<16xi32>
    %and3A_131 = arith.constant 15 : i32
    %and3A_132 = vector.broadcast %and3A_131 : i32 to vector<16xi32>
    %and3A_133 = arith.andi %sub3A_130, %and3A_132 : vector<16xi32>
    %add3A_134 = arith.constant 0 : i32
    %add3A_135 = vector.broadcast %add3A_134 : i32 to vector<16xi32>
    %add3A_136 = arith.addi %and3A_133, %add3A_135 : vector<16xi32>
    %gather3A_137 = tpu.vector_load_idx %arg5[%add3A_136] : memref<32xi32, #tpu.memory_space<vmem>>[vector<16xi32>], vector<16xi32>,
    %eq3A_138 = arith.cmpi eq, %get3A_3, %gather3A_137 : vector<16xi32>
    %ge3A_139 = arith.constant 9 : i32
    %ge3A_140 = vector.broadcast %ge3A_139 : i32 to vector<16xi32>
    %ge3A_141 = arith.cmpi sge, %iota3A, %ge3A_140 : vector<16xi32>
    %and3A_142 = arith.andi %eq3A_138, %ge3A_141 : vector<16xi1>
    %or3A_143 = arith.ori %or3A_127, %and3A_142 : vector<16xi1>
    %sub3A_144 = arith.constant 10 : i32
    %sub3A_145 = vector.broadcast %sub3A_144 : i32 to vector<16xi32>
    %sub3A_146 = arith.subi %iota3A, %sub3A_145 : vector<16xi32>
    %and3A_147 = arith.constant 15 : i32
    %and3A_148 = vector.broadcast %and3A_147 : i32 to vector<16xi32>
    %and3A_149 = arith.andi %sub3A_146, %and3A_148 : vector<16xi32>
    %add3A_150 = arith.constant 0 : i32
    %add3A_151 = vector.broadcast %add3A_150 : i32 to vector<16xi32>
    %add3A_152 = arith.addi %and3A_149, %add3A_151 : vector<16xi32>
    %gather3A_153 = tpu.vector_load_idx %arg5[%add3A_152] : memref<32xi32, #tpu.memory_space<vmem>>[vector<16xi32>], vector<16xi32>,
    %eq3A_154 = arith.cmpi eq, %get3A_3, %gather3A_153 : vector<16xi32>
    %ge3A_155 = arith.constant 10 : i32
    %ge3A_156 = vector.broadcast %ge3A_155 : i32 to vector<16xi32>
    %ge3A_157 = arith.cmpi sge, %iota3A, %ge3A_156 : vector<16xi32>
    %and3A_158 = arith.andi %eq3A_154, %ge3A_157 : vector<16xi1>
    %or3A_159 = arith.ori %or3A_143, %and3A_158 : vector<16xi1>
    %sub3A_160 = arith.constant 11 : i32
    %sub3A_161 = vector.broadcast %sub3A_160 : i32 to vector<16xi32>
    %sub3A_162 = arith.subi %iota3A, %sub3A_161 : vector<16xi32>
    %and3A_163 = arith.constant 15 : i32
    %and3A_164 = vector.broadcast %and3A_163 : i32 to vector<16xi32>
    %and3A_165 = arith.andi %sub3A_162, %and3A_164 : vector<16xi32>
    %add3A_166 = arith.constant 0 : i32
    %add3A_167 = vector.broadcast %add3A_166 : i32 to vector<16xi32>
    %add3A_168 = arith.addi %and3A_165, %add3A_167 : vector<16xi32>
    %gather3A_169 = tpu.vector_load_idx %arg5[%add3A_168] : memref<32xi32, #tpu.memory_space<vmem>>[vector<16xi32>], vector<16xi32>,
    %eq3A_170 = arith.cmpi eq, %get3A_3, %gather3A_169 : vector<16xi32>
    %ge3A_171 = arith.constant 11 : i32
    %ge3A_172 = vector.broadcast %ge3A_171 : i32 to vector<16xi32>
    %ge3A_173 = arith.cmpi sge, %iota3A, %ge3A_172 : vector<16xi32>
    %and3A_174 = arith.andi %eq3A_170, %ge3A_173 : vector<16xi1>
    %or3A_175 = arith.ori %or3A_159, %and3A_174 : vector<16xi1>
    %sub3A_176 = arith.constant 12 : i32
    %sub3A_177 = vector.broadcast %sub3A_176 : i32 to vector<16xi32>
    %sub3A_178 = arith.subi %iota3A, %sub3A_177 : vector<16xi32>
    %and3A_179 = arith.constant 15 : i32
    %and3A_180 = vector.broadcast %and3A_179 : i32 to vector<16xi32>
    %and3A_181 = arith.andi %sub3A_178, %and3A_180 : vector<16xi32>
    %add3A_182 = arith.constant 0 : i32
    %add3A_183 = vector.broadcast %add3A_182 : i32 to vector<16xi32>
    %add3A_184 = arith.addi %and3A_181, %add3A_183 : vector<16xi32>
    %gather3A_185 = tpu.vector_load_idx %arg5[%add3A_184] : memref<32xi32, #tpu.memory_space<vmem>>[vector<16xi32>], vector<16xi32>,
    %eq3A_186 = arith.cmpi eq, %get3A_3, %gather3A_185 : vector<16xi32>
    %ge3A_187 = arith.constant 12 : i32
    %ge3A_188 = vector.broadcast %ge3A_187 : i32 to vector<16xi32>
    %ge3A_189 = arith.cmpi sge, %iota3A, %ge3A_188 : vector<16xi32>
    %and3A_190 = arith.andi %eq3A_186, %ge3A_189 : vector<16xi1>
    %or3A_191 = arith.ori %or3A_175, %and3A_190 : vector<16xi1>
    %sub3A_192 = arith.constant 13 : i32
    %sub3A_193 = vector.broadcast %sub3A_192 : i32 to vector<16xi32>
    %sub3A_194 = arith.subi %iota3A, %sub3A_193 : vector<16xi32>
    %and3A_195 = arith.constant 15 : i32
    %and3A_196 = vector.broadcast %and3A_195 : i32 to vector<16xi32>
    %and3A_197 = arith.andi %sub3A_194, %and3A_196 : vector<16xi32>
    %add3A_198 = arith.constant 0 : i32
    %add3A_199 = vector.broadcast %add3A_198 : i32 to vector<16xi32>
    %add3A_200 = arith.addi %and3A_197, %add3A_199 : vector<16xi32>
    %gather3A_201 = tpu.vector_load_idx %arg5[%add3A_200] : memref<32xi32, #tpu.memory_space<vmem>>[vector<16xi32>], vector<16xi32>,
    %eq3A_202 = arith.cmpi eq, %get3A_3, %gather3A_201 : vector<16xi32>
    %ge3A_203 = arith.constant 13 : i32
    %ge3A_204 = vector.broadcast %ge3A_203 : i32 to vector<16xi32>
    %ge3A_205 = arith.cmpi sge, %iota3A, %ge3A_204 : vector<16xi32>
    %and3A_206 = arith.andi %eq3A_202, %ge3A_205 : vector<16xi1>
    %or3A_207 = arith.ori %or3A_191, %and3A_206 : vector<16xi1>
    %sub3A_208 = arith.constant 14 : i32
    %sub3A_209 = vector.broadcast %sub3A_208 : i32 to vector<16xi32>
    %sub3A_210 = arith.subi %iota3A, %sub3A_209 : vector<16xi32>
    %and3A_211 = arith.constant 15 : i32
    %and3A_212 = vector.broadcast %and3A_211 : i32 to vector<16xi32>
    %and3A_213 = arith.andi %sub3A_210, %and3A_212 : vector<16xi32>
    %add3A_214 = arith.constant 0 : i32
    %add3A_215 = vector.broadcast %add3A_214 : i32 to vector<16xi32>
    %add3A_216 = arith.addi %and3A_213, %add3A_215 : vector<16xi32>
    %gather3A_217 = tpu.vector_load_idx %arg5[%add3A_216] : memref<32xi32, #tpu.memory_space<vmem>>[vector<16xi32>], vector<16xi32>,
    %eq3A_218 = arith.cmpi eq, %get3A_3, %gather3A_217 : vector<16xi32>
    %ge3A_219 = arith.constant 14 : i32
    %ge3A_220 = vector.broadcast %ge3A_219 : i32 to vector<16xi32>
    %ge3A_221 = arith.cmpi sge, %iota3A, %ge3A_220 : vector<16xi32>
    %and3A_222 = arith.andi %eq3A_218, %ge3A_221 : vector<16xi1>
    %or3A_223 = arith.ori %or3A_207, %and3A_222 : vector<16xi1>
    %sub3A_224 = arith.constant 15 : i32
    %sub3A_225 = vector.broadcast %sub3A_224 : i32 to vector<16xi32>
    %sub3A_226 = arith.subi %iota3A, %sub3A_225 : vector<16xi32>
    %and3A_227 = arith.constant 15 : i32
    %and3A_228 = vector.broadcast %and3A_227 : i32 to vector<16xi32>
    %and3A_229 = arith.andi %sub3A_226, %and3A_228 : vector<16xi32>
    %add3A_230 = arith.constant 0 : i32
    %add3A_231 = vector.broadcast %add3A_230 : i32 to vector<16xi32>
    %add3A_232 = arith.addi %and3A_229, %add3A_231 : vector<16xi32>
    %gather3A_233 = tpu.vector_load_idx %arg5[%add3A_232] : memref<32xi32, #tpu.memory_space<vmem>>[vector<16xi32>], vector<16xi32>,
    %eq3A_234 = arith.cmpi eq, %get3A_3, %gather3A_233 : vector<16xi32>
    %ge3A_235 = arith.constant 15 : i32
    %ge3A_236 = vector.broadcast %ge3A_235 : i32 to vector<16xi32>
    %ge3A_237 = arith.cmpi sge, %iota3A, %ge3A_236 : vector<16xi32>
    %and3A_238 = arith.andi %eq3A_234, %ge3A_237 : vector<16xi1>
    %or3A_239 = arith.ori %or3A_223, %and3A_238 : vector<16xi1>
    %not3A = arith.constant dense<true> : vector<16xi1>
    %not3A_240 = arith.xori %or3A_239, %not3A : vector<16xi1>
    %all_reduce_population_count3A = tpu.all_reduce %not3A_240 {dim = 0 : i64, kind = #tpu.reduction_kind<sum>} : vector<16xi1> -> vector<16xi32>
    %convert_element_type3A = arith.sitofp %all_reduce_population_count3A : vector<16xi32> to vector<16xf32>
    %div3A = arith.constant 1.000000e+00 : f32
    %div3A_241 = vector.broadcast %div3A : f32 to vector<16xf32>
    %div3A_242 = arith.divf %div3A_241, %convert_element_type3A : vector<16xf32>
    %jit3A = arith.constant 0.000000e+00 : f32
    %broadcast_in_dim3A = vector.broadcast %jit3A : f32 to vector<16xf32>
    %select_n3A = arith.select %not3A_240, %div3A_242, %broadcast_in_dim3A : vector<16xi1>, vector<16xf32>
    %swap3A = arith.constant 0 : index
    %swap3A_243 = tpu.vector_load %arg6[%swap3A] {strides = array<i32>} : memref<32xf32, #tpu.memory_space<vmem>>, vector<16xf32>,
    tpu.vector_store %arg6[%swap3A], %select_n3A {strides = array<i32>} : memref<32xf32, #tpu.memory_space<vmem>>, vector<16xf32>,
    %get3A_244 = arith.constant 16 : index
    %get3A_245 = tpu.vector_load %arg5[%get3A_244] {strides = array<i32>} : memref<32xi32, #tpu.memory_space<vmem>>, vector<16xi32>,
    %lt3A_246 = arith.constant 0 : i32
    %lt3A_247 = vector.broadcast %lt3A_246 : i32 to vector<16xi32>
    %lt3A_248 = arith.cmpi slt, %iota3A, %lt3A_247 : vector<16xi32>
    %sub3A_249 = arith.constant 1 : i32
    %sub3A_250 = vector.broadcast %sub3A_249 : i32 to vector<16xi32>
    %sub3A_251 = arith.subi %iota3A, %sub3A_250 : vector<16xi32>
    %and3A_252 = arith.constant 15 : i32
    %and3A_253 = vector.broadcast %and3A_252 : i32 to vector<16xi32>
    %and3A_254 = arith.andi %sub3A_251, %and3A_253 : vector<16xi32>
    %add3A_255 = arith.constant 16 : i32
    %add3A_256 = vector.broadcast %add3A_255 : i32 to vector<16xi32>
    %add3A_257 = arith.addi %and3A_254, %add3A_256 : vector<16xi32>
    %gather3A_258 = tpu.vector_load_idx %arg5[%add3A_257] : memref<32xi32, #tpu.memory_space<vmem>>[vector<16xi32>], vector<16xi32>,
    %eq3A_259 = arith.cmpi eq, %get3A_245, %gather3A_258 : vector<16xi32>
    %ge3A_260 = arith.constant 1 : i32
    %ge3A_261 = vector.broadcast %ge3A_260 : i32 to vector<16xi32>
    %ge3A_262 = arith.cmpi sge, %iota3A, %ge3A_261 : vector<16xi32>
    %and3A_263 = arith.andi %eq3A_259, %ge3A_262 : vector<16xi1>
    %or3A_264 = arith.ori %lt3A_248, %and3A_263 : vector<16xi1>
    %sub3A_265 = arith.constant 2 : i32
    %sub3A_266 = vector.broadcast %sub3A_265 : i32 to vector<16xi32>
    %sub3A_267 = arith.subi %iota3A, %sub3A_266 : vector<16xi32>
    %and3A_268 = arith.constant 15 : i32
    %and3A_269 = vector.broadcast %and3A_268 : i32 to vector<16xi32>
    %and3A_270 = arith.andi %sub3A_267, %and3A_269 : vector<16xi32>
    %add3A_271 = arith.constant 16 : i32
    %add3A_272 = vector.broadcast %add3A_271 : i32 to vector<16xi32>
    %add3A_273 = arith.addi %and3A_270, %add3A_272 : vector<16xi32>
    %gather3A_274 = tpu.vector_load_idx %arg5[%add3A_273] : memref<32xi32, #tpu.memory_space<vmem>>[vector<16xi32>], vector<16xi32>,
    %eq3A_275 = arith.cmpi eq, %get3A_245, %gather3A_274 : vector<16xi32>
    %ge3A_276 = arith.constant 2 : i32
    %ge3A_277 = vector.broadcast %ge3A_276 : i32 to vector<16xi32>
    %ge3A_278 = arith.cmpi sge, %iota3A, %ge3A_277 : vector<16xi32>
    %and3A_279 = arith.andi %eq3A_275, %ge3A_278 : vector<16xi1>
    %or3A_280 = arith.ori %or3A_264, %and3A_279 : vector<16xi1>
    %sub3A_281 = arith.constant 3 : i32
    %sub3A_282 = vector.broadcast %sub3A_281 : i32 to vector<16xi32>
    %sub3A_283 = arith.subi %iota3A, %sub3A_282 : vector<16xi32>
    %and3A_284 = arith.constant 15 : i32
    %and3A_285 = vector.broadcast %and3A_284 : i32 to vector<16xi32>
    %and3A_286 = arith.andi %sub3A_283, %and3A_285 : vector<16xi32>
    %add3A_287 = arith.constant 16 : i32
    %add3A_288 = vector.broadcast %add3A_287 : i32 to vector<16xi32>
    %add3A_289 = arith.addi %and3A_286, %add3A_288 : vector<16xi32>
    %gather3A_290 = tpu.vector_load_idx %arg5[%add3A_289] : memref<32xi32, #tpu.memory_space<vmem>>[vector<16xi32>], vector<16xi32>,
    %eq3A_291 = arith.cmpi eq, %get3A_245, %gather3A_290 : vector<16xi32>
    %ge3A_292 = arith.constant 3 : i32
    %ge3A_293 = vector.broadcast %ge3A_292 : i32 to vector<16xi32>
    %ge3A_294 = arith.cmpi sge, %iota3A, %ge3A_293 : vector<16xi32>
    %and3A_295 = arith.andi %eq3A_291, %ge3A_294 : vector<16xi1>
    %or3A_296 = arith.ori %or3A_280, %and3A_295 : vector<16xi1>
    %sub3A_297 = arith.constant 4 : i32
    %sub3A_298 = vector.broadcast %sub3A_297 : i32 to vector<16xi32>
    %sub3A_299 = arith.subi %iota3A, %sub3A_298 : vector<16xi32>
    %and3A_300 = arith.constant 15 : i32
    %and3A_301 = vector.broadcast %and3A_300 : i32 to vector<16xi32>
    %and3A_302 = arith.andi %sub3A_299, %and3A_301 : vector<16xi32>
    %add3A_303 = arith.constant 16 : i32
    %add3A_304 = vector.broadcast %add3A_303 : i32 to vector<16xi32>
    %add3A_305 = arith.addi %and3A_302, %add3A_304 : vector<16xi32>
    %gather3A_306 = tpu.vector_load_idx %arg5[%add3A_305] : memref<32xi32, #tpu.memory_space<vmem>>[vector<16xi32>], vector<16xi32>,
    %eq3A_307 = arith.cmpi eq, %get3A_245, %gather3A_306 : vector<16xi32>
    %ge3A_308 = arith.constant 4 : i32
    %ge3A_309 = vector.broadcast %ge3A_308 : i32 to vector<16xi32>
    %ge3A_310 = arith.cmpi sge, %iota3A, %ge3A_309 : vector<16xi32>
    %and3A_311 = arith.andi %eq3A_307, %ge3A_310 : vector<16xi1>
    %or3A_312 = arith.ori %or3A_296, %and3A_311 : vector<16xi1>
    %sub3A_313 = arith.constant 5 : i32
    %sub3A_314 = vector.broadcast %sub3A_313 : i32 to vector<16xi32>
    %sub3A_315 = arith.subi %iota3A, %sub3A_314 : vector<16xi32>
    %and3A_316 = arith.constant 15 : i32
    %and3A_317 = vector.broadcast %and3A_316 : i32 to vector<16xi32>
    %and3A_318 = arith.andi %sub3A_315, %and3A_317 : vector<16xi32>
    %add3A_319 = arith.constant 16 : i32
    %add3A_320 = vector.broadcast %add3A_319 : i32 to vector<16xi32>
    %add3A_321 = arith.addi %and3A_318, %add3A_320 : vector<16xi32>
    %gather3A_322 = tpu.vector_load_idx %arg5[%add3A_321] : memref<32xi32, #tpu.memory_space<vmem>>[vector<16xi32>], vector<16xi32>,
    %eq3A_323 = arith.cmpi eq, %get3A_245, %gather3A_322 : vector<16xi32>
    %ge3A_324 = arith.constant 5 : i32
    %ge3A_325 = vector.broadcast %ge3A_324 : i32 to vector<16xi32>
    %ge3A_326 = arith.cmpi sge, %iota3A, %ge3A_325 : vector<16xi32>
    %and3A_327 = arith.andi %eq3A_323, %ge3A_326 : vector<16xi1>
    %or3A_328 = arith.ori %or3A_312, %and3A_327 : vector<16xi1>
    %sub3A_329 = arith.constant 6 : i32
    %sub3A_330 = vector.broadcast %sub3A_329 : i32 to vector<16xi32>
    %sub3A_331 = arith.subi %iota3A, %sub3A_330 : vector<16xi32>
    %and3A_332 = arith.constant 15 : i32
    %and3A_333 = vector.broadcast %and3A_332 : i32 to vector<16xi32>
    %and3A_334 = arith.andi %sub3A_331, %and3A_333 : vector<16xi32>
    %add3A_335 = arith.constant 16 : i32
    %add3A_336 = vector.broadcast %add3A_335 : i32 to vector<16xi32>
    %add3A_337 = arith.addi %and3A_334, %add3A_336 : vector<16xi32>
    %gather3A_338 = tpu.vector_load_idx %arg5[%add3A_337] : memref<32xi32, #tpu.memory_space<vmem>>[vector<16xi32>], vector<16xi32>,
    %eq3A_339 = arith.cmpi eq, %get3A_245, %gather3A_338 : vector<16xi32>
    %ge3A_340 = arith.constant 6 : i32
    %ge3A_341 = vector.broadcast %ge3A_340 : i32 to vector<16xi32>
    %ge3A_342 = arith.cmpi sge, %iota3A, %ge3A_341 : vector<16xi32>
    %and3A_343 = arith.andi %eq3A_339, %ge3A_342 : vector<16xi1>
    %or3A_344 = arith.ori %or3A_328, %and3A_343 : vector<16xi1>
    %sub3A_345 = arith.constant 7 : i32
    %sub3A_346 = vector.broadcast %sub3A_345 : i32 to vector<16xi32>
    %sub3A_347 = arith.subi %iota3A, %sub3A_346 : vector<16xi32>
    %and3A_348 = arith.constant 15 : i32
    %and3A_349 = vector.broadcast %and3A_348 : i32 to vector<16xi32>
    %and3A_350 = arith.andi %sub3A_347, %and3A_349 : vector<16xi32>
    %add3A_351 = arith.constant 16 : i32
    %add3A_352 = vector.broadcast %add3A_351 : i32 to vector<16xi32>
    %add3A_353 = arith.addi %and3A_350, %add3A_352 : vector<16xi32>
    %gather3A_354 = tpu.vector_load_idx %arg5[%add3A_353] : memref<32xi32, #tpu.memory_space<vmem>>[vector<16xi32>], vector<16xi32>,
    %eq3A_355 = arith.cmpi eq, %get3A_245, %gather3A_354 : vector<16xi32>
    %ge3A_356 = arith.constant 7 : i32
    %ge3A_357 = vector.broadcast %ge3A_356 : i32 to vector<16xi32>
    %ge3A_358 = arith.cmpi sge, %iota3A, %ge3A_357 : vector<16xi32>
    %and3A_359 = arith.andi %eq3A_355, %ge3A_358 : vector<16xi1>
    %or3A_360 = arith.ori %or3A_344, %and3A_359 : vector<16xi1>
    %sub3A_361 = arith.constant 8 : i32
    %sub3A_362 = vector.broadcast %sub3A_361 : i32 to vector<16xi32>
    %sub3A_363 = arith.subi %iota3A, %sub3A_362 : vector<16xi32>
    %and3A_364 = arith.constant 15 : i32
    %and3A_365 = vector.broadcast %and3A_364 : i32 to vector<16xi32>
    %and3A_366 = arith.andi %sub3A_363, %and3A_365 : vector<16xi32>
    %add3A_367 = arith.constant 16 : i32
    %add3A_368 = vector.broadcast %add3A_367 : i32 to vector<16xi32>
    %add3A_369 = arith.addi %and3A_366, %add3A_368 : vector<16xi32>
    %gather3A_370 = tpu.vector_load_idx %arg5[%add3A_369] : memref<32xi32, #tpu.memory_space<vmem>>[vector<16xi32>], vector<16xi32>,
    %eq3A_371 = arith.cmpi eq, %get3A_245, %gather3A_370 : vector<16xi32>
    %ge3A_372 = arith.constant 8 : i32
    %ge3A_373 = vector.broadcast %ge3A_372 : i32 to vector<16xi32>
    %ge3A_374 = arith.cmpi sge, %iota3A, %ge3A_373 : vector<16xi32>
    %and3A_375 = arith.andi %eq3A_371, %ge3A_374 : vector<16xi1>
    %or3A_376 = arith.ori %or3A_360, %and3A_375 : vector<16xi1>
    %sub3A_377 = arith.constant 9 : i32
    %sub3A_378 = vector.broadcast %sub3A_377 : i32 to vector<16xi32>
    %sub3A_379 = arith.subi %iota3A, %sub3A_378 : vector<16xi32>
    %and3A_380 = arith.constant 15 : i32
    %and3A_381 = vector.broadcast %and3A_380 : i32 to vector<16xi32>
    %and3A_382 = arith.andi %sub3A_379, %and3A_381 : vector<16xi32>
    %add3A_383 = arith.constant 16 : i32
    %add3A_384 = vector.broadcast %add3A_383 : i32 to vector<16xi32>
    %add3A_385 = arith.addi %and3A_382, %add3A_384 : vector<16xi32>
    %gather3A_386 = tpu.vector_load_idx %arg5[%add3A_385] : memref<32xi32, #tpu.memory_space<vmem>>[vector<16xi32>], vector<16xi32>,
    %eq3A_387 = arith.cmpi eq, %get3A_245, %gather3A_386 : vector<16xi32>
    %ge3A_388 = arith.constant 9 : i32
    %ge3A_389 = vector.broadcast %ge3A_388 : i32 to vector<16xi32>
    %ge3A_390 = arith.cmpi sge, %iota3A, %ge3A_389 : vector<16xi32>
    %and3A_391 = arith.andi %eq3A_387, %ge3A_390 : vector<16xi1>
    %or3A_392 = arith.ori %or3A_376, %and3A_391 : vector<16xi1>
    %sub3A_393 = arith.constant 10 : i32
    %sub3A_394 = vector.broadcast %sub3A_393 : i32 to vector<16xi32>
    %sub3A_395 = arith.subi %iota3A, %sub3A_394 : vector<16xi32>
    %and3A_396 = arith.constant 15 : i32
    %and3A_397 = vector.broadcast %and3A_396 : i32 to vector<16xi32>
    %and3A_398 = arith.andi %sub3A_395, %and3A_397 : vector<16xi32>
    %add3A_399 = arith.constant 16 : i32
    %add3A_400 = vector.broadcast %add3A_399 : i32 to vector<16xi32>
    %add3A_401 = arith.addi %and3A_398, %add3A_400 : vector<16xi32>
    %gather3A_402 = tpu.vector_load_idx %arg5[%add3A_401] : memref<32xi32, #tpu.memory_space<vmem>>[vector<16xi32>], vector<16xi32>,
    %eq3A_403 = arith.cmpi eq, %get3A_245, %gather3A_402 : vector<16xi32>
    %ge3A_404 = arith.constant 10 : i32
    %ge3A_405 = vector.broadcast %ge3A_404 : i32 to vector<16xi32>
    %ge3A_406 = arith.cmpi sge, %iota3A, %ge3A_405 : vector<16xi32>
    %and3A_407 = arith.andi %eq3A_403, %ge3A_406 : vector<16xi1>
    %or3A_408 = arith.ori %or3A_392, %and3A_407 : vector<16xi1>
    %sub3A_409 = arith.constant 11 : i32
    %sub3A_410 = vector.broadcast %sub3A_409 : i32 to vector<16xi32>
    %sub3A_411 = arith.subi %iota3A, %sub3A_410 : vector<16xi32>
    %and3A_412 = arith.constant 15 : i32
    %and3A_413 = vector.broadcast %and3A_412 : i32 to vector<16xi32>
    %and3A_414 = arith.andi %sub3A_411, %and3A_413 : vector<16xi32>
    %add3A_415 = arith.constant 16 : i32
    %add3A_416 = vector.broadcast %add3A_415 : i32 to vector<16xi32>
    %add3A_417 = arith.addi %and3A_414, %add3A_416 : vector<16xi32>
    %gather3A_418 = tpu.vector_load_idx %arg5[%add3A_417] : memref<32xi32, #tpu.memory_space<vmem>>[vector<16xi32>], vector<16xi32>,
    %eq3A_419 = arith.cmpi eq, %get3A_245, %gather3A_418 : vector<16xi32>
    %ge3A_420 = arith.constant 11 : i32
    %ge3A_421 = vector.broadcast %ge3A_420 : i32 to vector<16xi32>
    %ge3A_422 = arith.cmpi sge, %iota3A, %ge3A_421 : vector<16xi32>
    %and3A_423 = arith.andi %eq3A_419, %ge3A_422 : vector<16xi1>
    %or3A_424 = arith.ori %or3A_408, %and3A_423 : vector<16xi1>
    %sub3A_425 = arith.constant 12 : i32
    %sub3A_426 = vector.broadcast %sub3A_425 : i32 to vector<16xi32>
    %sub3A_427 = arith.subi %iota3A, %sub3A_426 : vector<16xi32>
    %and3A_428 = arith.constant 15 : i32
    %and3A_429 = vector.broadcast %and3A_428 : i32 to vector<16xi32>
    %and3A_430 = arith.andi %sub3A_427, %and3A_429 : vector<16xi32>
    %add3A_431 = arith.constant 16 : i32
    %add3A_432 = vector.broadcast %add3A_431 : i32 to vector<16xi32>
    %add3A_433 = arith.addi %and3A_430, %add3A_432 : vector<16xi32>
    %gather3A_434 = tpu.vector_load_idx %arg5[%add3A_433] : memref<32xi32, #tpu.memory_space<vmem>>[vector<16xi32>], vector<16xi32>,
    %eq3A_435 = arith.cmpi eq, %get3A_245, %gather3A_434 : vector<16xi32>
    %ge3A_436 = arith.constant 12 : i32
    %ge3A_437 = vector.broadcast %ge3A_436 : i32 to vector<16xi32>
    %ge3A_438 = arith.cmpi sge, %iota3A, %ge3A_437 : vector<16xi32>
    %and3A_439 = arith.andi %eq3A_435, %ge3A_438 : vector<16xi1>
    %or3A_440 = arith.ori %or3A_424, %and3A_439 : vector<16xi1>
    %sub3A_441 = arith.constant 13 : i32
    %sub3A_442 = vector.broadcast %sub3A_441 : i32 to vector<16xi32>
    %sub3A_443 = arith.subi %iota3A, %sub3A_442 : vector<16xi32>
    %and3A_444 = arith.constant 15 : i32
    %and3A_445 = vector.broadcast %and3A_444 : i32 to vector<16xi32>
    %and3A_446 = arith.andi %sub3A_443, %and3A_445 : vector<16xi32>
    %add3A_447 = arith.constant 16 : i32
    %add3A_448 = vector.broadcast %add3A_447 : i32 to vector<16xi32>
    %add3A_449 = arith.addi %and3A_446, %add3A_448 : vector<16xi32>
    %gather3A_450 = tpu.vector_load_idx %arg5[%add3A_449] : memref<32xi32, #tpu.memory_space<vmem>>[vector<16xi32>], vector<16xi32>,
    %eq3A_451 = arith.cmpi eq, %get3A_245, %gather3A_450 : vector<16xi32>
    %ge3A_452 = arith.constant 13 : i32
    %ge3A_453 = vector.broadcast %ge3A_452 : i32 to vector<16xi32>
    %ge3A_454 = arith.cmpi sge, %iota3A, %ge3A_453 : vector<16xi32>
    %and3A_455 = arith.andi %eq3A_451, %ge3A_454 : vector<16xi1>
    %or3A_456 = arith.ori %or3A_440, %and3A_455 : vector<16xi1>
    %sub3A_457 = arith.constant 14 : i32
    %sub3A_458 = vector.broadcast %sub3A_457 : i32 to vector<16xi32>
    %sub3A_459 = arith.subi %iota3A, %sub3A_458 : vector<16xi32>
    %and3A_460 = arith.constant 15 : i32
    %and3A_461 = vector.broadcast %and3A_460 : i32 to vector<16xi32>
    %and3A_462 = arith.andi %sub3A_459, %and3A_461 : vector<16xi32>
    %add3A_463 = arith.constant 16 : i32
    %add3A_464 = vector.broadcast %add3A_463 : i32 to vector<16xi32>
    %add3A_465 = arith.addi %and3A_462, %add3A_464 : vector<16xi32>
    %gather3A_466 = tpu.vector_load_idx %arg5[%add3A_465] : memref<32xi32, #tpu.memory_space<vmem>>[vector<16xi32>], vector<16xi32>,
    %eq3A_467 = arith.cmpi eq, %get3A_245, %gather3A_466 : vector<16xi32>
    %ge3A_468 = arith.constant 14 : i32
    %ge3A_469 = vector.broadcast %ge3A_468 : i32 to vector<16xi32>
    %ge3A_470 = arith.cmpi sge, %iota3A, %ge3A_469 : vector<16xi32>
    %and3A_471 = arith.andi %eq3A_467, %ge3A_470 : vector<16xi1>
    %or3A_472 = arith.ori %or3A_456, %and3A_471 : vector<16xi1>
    %sub3A_473 = arith.constant 15 : i32
    %sub3A_474 = vector.broadcast %sub3A_473 : i32 to vector<16xi32>
    %sub3A_475 = arith.subi %iota3A, %sub3A_474 : vector<16xi32>
    %and3A_476 = arith.constant 15 : i32
    %and3A_477 = vector.broadcast %and3A_476 : i32 to vector<16xi32>
    %and3A_478 = arith.andi %sub3A_475, %and3A_477 : vector<16xi32>
    %add3A_479 = arith.constant 16 : i32
    %add3A_480 = vector.broadcast %add3A_479 : i32 to vector<16xi32>
    %add3A_481 = arith.addi %and3A_478, %add3A_480 : vector<16xi32>
    %gather3A_482 = tpu.vector_load_idx %arg5[%add3A_481] : memref<32xi32, #tpu.memory_space<vmem>>[vector<16xi32>], vector<16xi32>,
    %eq3A_483 = arith.cmpi eq, %get3A_245, %gather3A_482 : vector<16xi32>
    %ge3A_484 = arith.constant 15 : i32
    %ge3A_485 = vector.broadcast %ge3A_484 : i32 to vector<16xi32>
    %ge3A_486 = arith.cmpi sge, %iota3A, %ge3A_485 : vector<16xi32>
    %and3A_487 = arith.andi %eq3A_483, %ge3A_486 : vector<16xi1>
    %or3A_488 = arith.ori %or3A_472, %and3A_487 : vector<16xi1>
    %not3A_489 = arith.constant dense<true> : vector<16xi1>
    %not3A_490 = arith.xori %or3A_488, %not3A_489 : vector<16xi1>
    %all_reduce_population_count3A_491 = tpu.all_reduce %not3A_490 {dim = 0 : i64, kind = #tpu.reduction_kind<sum>} : vector<16xi1> -> vector<16xi32>
    %convert_element_type3A_492 = arith.sitofp %all_reduce_population_count3A_491 : vector<16xi32> to vector<16xf32>
    %div3A_493 = arith.constant 1.000000e+00 : f32
    %div3A_494 = vector.broadcast %div3A_493 : f32 to vector<16xf32>
    %div3A_495 = arith.divf %div3A_494, %convert_element_type3A_492 : vector<16xf32>
    %jit3A_496 = arith.constant 0.000000e+00 : f32
    %broadcast_in_dim3A_497 = vector.broadcast %jit3A_496 : f32 to vector<16xf32>
    %select_n3A_498 = arith.select %not3A_490, %div3A_495, %broadcast_in_dim3A_497 : vector<16xi1>, vector<16xf32>
    %swap3A_499 = arith.constant 16 : index
    %swap3A_500 = tpu.vector_load %arg6[%swap3A_499] {strides = array<i32>} : memref<32xf32, #tpu.memory_space<vmem>>, vector<16xf32>,
    tpu.vector_store %arg6[%swap3A_499], %select_n3A_498 {strides = array<i32>} : memref<32xf32, #tpu.memory_space<vmem>>, vector<16xf32>,
    %dma_start3A = arith.constant 0 : i32
    %dma_start3A_501 = arith.constant 0 : i32
    %dma_start3A_502 = tpu.memref_slice %arg3[%dma_start3A, %dma_start3A_501] : memref<100000x128xf32, #tpu.memory_space<hbm>> -> memref<100000x128xf32, #tpu.memory_space<hbm>>
    tpu.enqueue_indirect_dma source(%dma_start3A_502 : memref<100000x128xf32, #tpu.memory_space<hbm>>) target(%arg7 : memref<32x128xf32, #tpu.memory_space<vmem>>) offsets(%arg5 : memref<32xi32, #tpu.memory_space<vmem>>) semaphore(%arg9 : memref<!tpu.dma_semaphore, #tpu.memory_space<semaphore_mem>>)
    %dma_wait3A = arith.constant 0 : i32
    %dma_wait3A_503 = arith.constant 0 : i32
    %dma_wait3A_504 = tpu.memref_slice %arg3[%dma_wait3A, %dma_wait3A_503] : memref<100000x128xf32, #tpu.memory_space<hbm>> -> memref<100000x128xf32, #tpu.memory_space<hbm>>
    tpu.wait_indirect_dma semaphore(%arg9 : memref<!tpu.dma_semaphore, #tpu.memory_space<semaphore_mem>>) src(%dma_wait3A_504 : memref<100000x128xf32, #tpu.memory_space<hbm>>) dst(%arg7 : memref<32x128xf32, #tpu.memory_space<vmem>>)
    %mul3A_505 = arith.constant 0 : i32
    %mul3A_506 = vector.broadcast %mul3A_505 : i32 to vector<16xi32>
    %mul3A_507 = arith.muli %iota3A, %mul3A_506 : vector<16xi32>
    %add3A_508 = arith.constant 0 : i32
    %add3A_509 = vector.broadcast %add3A_508 : i32 to vector<16xi32>
    %add3A_510 = arith.addi %mul3A_507, %add3A_509 : vector<16xi32>
    %gather3A_511 = tpu.vector_load_idx %arg6[%add3A_510] : memref<32xf32, #tpu.memory_space<vmem>>[vector<16xi32>], vector<16xf32>,
    %add3A_512 = arith.constant 1 : i32
    %add3A_513 = vector.broadcast %add3A_512 : i32 to vector<16xi32>
    %add3A_514 = arith.addi %mul3A_507, %add3A_513 : vector<16xi32>
    %gather3A_515 = tpu.vector_load_idx %arg6[%add3A_514] : memref<32xf32, #tpu.memory_space<vmem>>[vector<16xi32>], vector<16xf32>,
    %add3A_516 = arith.constant 2 : i32
    %add3A_517 = vector.broadcast %add3A_516 : i32 to vector<16xi32>
    %add3A_518 = arith.addi %mul3A_507, %add3A_517 : vector<16xi32>
    %gather3A_519 = tpu.vector_load_idx %arg6[%add3A_518] : memref<32xf32, #tpu.memory_space<vmem>>[vector<16xi32>], vector<16xf32>,
    %add3A_520 = arith.constant 3 : i32
    %add3A_521 = vector.broadcast %add3A_520 : i32 to vector<16xi32>
    %add3A_522 = arith.addi %mul3A_507, %add3A_521 : vector<16xi32>
    %gather3A_523 = tpu.vector_load_idx %arg6[%add3A_522] : memref<32xf32, #tpu.memory_space<vmem>>[vector<16xi32>], vector<16xf32>,
    %add3A_524 = arith.constant 4 : i32
    %add3A_525 = vector.broadcast %add3A_524 : i32 to vector<16xi32>
    %add3A_526 = arith.addi %mul3A_507, %add3A_525 : vector<16xi32>
    %gather3A_527 = tpu.vector_load_idx %arg6[%add3A_526] : memref<32xf32, #tpu.memory_space<vmem>>[vector<16xi32>], vector<16xf32>,
    %add3A_528 = arith.constant 5 : i32
    %add3A_529 = vector.broadcast %add3A_528 : i32 to vector<16xi32>
    %add3A_530 = arith.addi %mul3A_507, %add3A_529 : vector<16xi32>
    %gather3A_531 = tpu.vector_load_idx %arg6[%add3A_530] : memref<32xf32, #tpu.memory_space<vmem>>[vector<16xi32>], vector<16xf32>,
    %add3A_532 = arith.constant 6 : i32
    %add3A_533 = vector.broadcast %add3A_532 : i32 to vector<16xi32>
    %add3A_534 = arith.addi %mul3A_507, %add3A_533 : vector<16xi32>
    %gather3A_535 = tpu.vector_load_idx %arg6[%add3A_534] : memref<32xf32, #tpu.memory_space<vmem>>[vector<16xi32>], vector<16xf32>,
    %add3A_536 = arith.constant 7 : i32
    %add3A_537 = vector.broadcast %add3A_536 : i32 to vector<16xi32>
    %add3A_538 = arith.addi %mul3A_507, %add3A_537 : vector<16xi32>
    %gather3A_539 = tpu.vector_load_idx %arg6[%add3A_538] : memref<32xf32, #tpu.memory_space<vmem>>[vector<16xi32>], vector<16xf32>,
    %add3A_540 = arith.constant 8 : i32
    %add3A_541 = vector.broadcast %add3A_540 : i32 to vector<16xi32>
    %add3A_542 = arith.addi %mul3A_507, %add3A_541 : vector<16xi32>
    %gather3A_543 = tpu.vector_load_idx %arg6[%add3A_542] : memref<32xf32, #tpu.memory_space<vmem>>[vector<16xi32>], vector<16xf32>,
    %add3A_544 = arith.constant 9 : i32
    %add3A_545 = vector.broadcast %add3A_544 : i32 to vector<16xi32>
    %add3A_546 = arith.addi %mul3A_507, %add3A_545 : vector<16xi32>
    %gather3A_547 = tpu.vector_load_idx %arg6[%add3A_546] : memref<32xf32, #tpu.memory_space<vmem>>[vector<16xi32>], vector<16xf32>,
    %add3A_548 = arith.constant 10 : i32
    %add3A_549 = vector.broadcast %add3A_548 : i32 to vector<16xi32>
    %add3A_550 = arith.addi %mul3A_507, %add3A_549 : vector<16xi32>
    %gather3A_551 = tpu.vector_load_idx %arg6[%add3A_550] : memref<32xf32, #tpu.memory_space<vmem>>[vector<16xi32>], vector<16xf32>,
    %add3A_552 = arith.constant 11 : i32
    %add3A_553 = vector.broadcast %add3A_552 : i32 to vector<16xi32>
    %add3A_554 = arith.addi %mul3A_507, %add3A_553 : vector<16xi32>
    %gather3A_555 = tpu.vector_load_idx %arg6[%add3A_554] : memref<32xf32, #tpu.memory_space<vmem>>[vector<16xi32>], vector<16xf32>,
    %add3A_556 = arith.constant 12 : i32
    %add3A_557 = vector.broadcast %add3A_556 : i32 to vector<16xi32>
    %add3A_558 = arith.addi %mul3A_507, %add3A_557 : vector<16xi32>
    %gather3A_559 = tpu.vector_load_idx %arg6[%add3A_558] : memref<32xf32, #tpu.memory_space<vmem>>[vector<16xi32>], vector<16xf32>,
    %add3A_560 = arith.constant 13 : i32
    %add3A_561 = vector.broadcast %add3A_560 : i32 to vector<16xi32>
    %add3A_562 = arith.addi %mul3A_507, %add3A_561 : vector<16xi32>
    %gather3A_563 = tpu.vector_load_idx %arg6[%add3A_562] : memref<32xf32, #tpu.memory_space<vmem>>[vector<16xi32>], vector<16xf32>,
    %add3A_564 = arith.constant 14 : i32
    %add3A_565 = vector.broadcast %add3A_564 : i32 to vector<16xi32>
    %add3A_566 = arith.addi %mul3A_507, %add3A_565 : vector<16xi32>
    %gather3A_567 = tpu.vector_load_idx %arg6[%add3A_566] : memref<32xf32, #tpu.memory_space<vmem>>[vector<16xi32>], vector<16xf32>,
    %add3A_568 = arith.constant 15 : i32
    %add3A_569 = vector.broadcast %add3A_568 : i32 to vector<16xi32>
    %add3A_570 = arith.addi %mul3A_507, %add3A_569 : vector<16xi32>
    %gather3A_571 = tpu.vector_load_idx %arg6[%add3A_570] : memref<32xf32, #tpu.memory_space<vmem>>[vector<16xi32>], vector<16xf32>,
    %get3A_572 = arith.constant 0 : i32
    %get3A_573 = arith.index_cast %get3A_572 : i32 to index
    %get3A_574 = arith.constant 0 : index
    %get3A_575 = tpu.vector_load %arg7[%get3A_573, %get3A_574] {strides = array<i32>} : memref<32x128xf32, #tpu.memory_space<vmem>>, vector<16xf32>,
    %mul3A_576 = arith.mulf %gather3A_511, %get3A_575 : vector<16xf32>
    %get3A_577 = arith.constant 1 : i32
    %get3A_578 = arith.index_cast %get3A_577 : i32 to index
    %get3A_579 = arith.constant 0 : index
    %get3A_580 = tpu.vector_load %arg7[%get3A_578, %get3A_579] {strides = array<i32>} : memref<32x128xf32, #tpu.memory_space<vmem>>, vector<16xf32>,
    %mul3A_581 = arith.mulf %gather3A_515, %get3A_580 : vector<16xf32>
    %add3A_582 = arith.addf %mul3A_576, %mul3A_581 : vector<16xf32>
    %get3A_583 = arith.constant 2 : i32
    %get3A_584 = arith.index_cast %get3A_583 : i32 to index
    %get3A_585 = arith.constant 0 : index
    %get3A_586 = tpu.vector_load %arg7[%get3A_584, %get3A_585] {strides = array<i32>} : memref<32x128xf32, #tpu.memory_space<vmem>>, vector<16xf32>,
    %mul3A_587 = arith.mulf %gather3A_519, %get3A_586 : vector<16xf32>
    %add3A_588 = arith.addf %add3A_582, %mul3A_587 : vector<16xf32>
    %get3A_589 = arith.constant 3 : i32
    %get3A_590 = arith.index_cast %get3A_589 : i32 to index
    %get3A_591 = arith.constant 0 : index
    %get3A_592 = tpu.vector_load %arg7[%get3A_590, %get3A_591] {strides = array<i32>} : memref<32x128xf32, #tpu.memory_space<vmem>>, vector<16xf32>,
    %mul3A_593 = arith.mulf %gather3A_523, %get3A_592 : vector<16xf32>
    %add3A_594 = arith.addf %add3A_588, %mul3A_593 : vector<16xf32>
    %get3A_595 = arith.constant 4 : i32
    %get3A_596 = arith.index_cast %get3A_595 : i32 to index
    %get3A_597 = arith.constant 0 : index
    %get3A_598 = tpu.vector_load %arg7[%get3A_596, %get3A_597] {strides = array<i32>} : memref<32x128xf32, #tpu.memory_space<vmem>>, vector<16xf32>,
    %mul3A_599 = arith.mulf %gather3A_527, %get3A_598 : vector<16xf32>
    %add3A_600 = arith.addf %add3A_594, %mul3A_599 : vector<16xf32>
    %get3A_601 = arith.constant 5 : i32
    %get3A_602 = arith.index_cast %get3A_601 : i32 to index
    %get3A_603 = arith.constant 0 : index
    %get3A_604 = tpu.vector_load %arg7[%get3A_602, %get3A_603] {strides = array<i32>} : memref<32x128xf32, #tpu.memory_space<vmem>>, vector<16xf32>,
    %mul3A_605 = arith.mulf %gather3A_531, %get3A_604 : vector<16xf32>
    %add3A_606 = arith.addf %add3A_600, %mul3A_605 : vector<16xf32>
    %get3A_607 = arith.constant 6 : i32
    %get3A_608 = arith.index_cast %get3A_607 : i32 to index
    %get3A_609 = arith.constant 0 : index
    %get3A_610 = tpu.vector_load %arg7[%get3A_608, %get3A_609] {strides = array<i32>} : memref<32x128xf32, #tpu.memory_space<vmem>>, vector<16xf32>,
    %mul3A_611 = arith.mulf %gather3A_535, %get3A_610 : vector<16xf32>
    %add3A_612 = arith.addf %add3A_606, %mul3A_611 : vector<16xf32>
    %get3A_613 = arith.constant 7 : i32
    %get3A_614 = arith.index_cast %get3A_613 : i32 to index
    %get3A_615 = arith.constant 0 : index
    %get3A_616 = tpu.vector_load %arg7[%get3A_614, %get3A_615] {strides = array<i32>} : memref<32x128xf32, #tpu.memory_space<vmem>>, vector<16xf32>,
    %mul3A_617 = arith.mulf %gather3A_539, %get3A_616 : vector<16xf32>
    %add3A_618 = arith.addf %add3A_612, %mul3A_617 : vector<16xf32>
    %get3A_619 = arith.constant 8 : i32
    %get3A_620 = arith.index_cast %get3A_619 : i32 to index
    %get3A_621 = arith.constant 0 : index
    %get3A_622 = tpu.vector_load %arg7[%get3A_620, %get3A_621] {strides = array<i32>} : memref<32x128xf32, #tpu.memory_space<vmem>>, vector<16xf32>,
    %mul3A_623 = arith.mulf %gather3A_543, %get3A_622 : vector<16xf32>
    %add3A_624 = arith.addf %add3A_618, %mul3A_623 : vector<16xf32>
    %get3A_625 = arith.constant 9 : i32
    %get3A_626 = arith.index_cast %get3A_625 : i32 to index
    %get3A_627 = arith.constant 0 : index
    %get3A_628 = tpu.vector_load %arg7[%get3A_626, %get3A_627] {strides = array<i32>} : memref<32x128xf32, #tpu.memory_space<vmem>>, vector<16xf32>,
    %mul3A_629 = arith.mulf %gather3A_547, %get3A_628 : vector<16xf32>
    %add3A_630 = arith.addf %add3A_624, %mul3A_629 : vector<16xf32>
    %get3A_631 = arith.constant 10 : i32
    %get3A_632 = arith.index_cast %get3A_631 : i32 to index
    %get3A_633 = arith.constant 0 : index
    %get3A_634 = tpu.vector_load %arg7[%get3A_632, %get3A_633] {strides = array<i32>} : memref<32x128xf32, #tpu.memory_space<vmem>>, vector<16xf32>,
    %mul3A_635 = arith.mulf %gather3A_551, %get3A_634 : vector<16xf32>
    %add3A_636 = arith.addf %add3A_630, %mul3A_635 : vector<16xf32>
    %get3A_637 = arith.constant 11 : i32
    %get3A_638 = arith.index_cast %get3A_637 : i32 to index
    %get3A_639 = arith.constant 0 : index
    %get3A_640 = tpu.vector_load %arg7[%get3A_638, %get3A_639] {strides = array<i32>} : memref<32x128xf32, #tpu.memory_space<vmem>>, vector<16xf32>,
    %mul3A_641 = arith.mulf %gather3A_555, %get3A_640 : vector<16xf32>
    %add3A_642 = arith.addf %add3A_636, %mul3A_641 : vector<16xf32>
    %get3A_643 = arith.constant 12 : i32
    %get3A_644 = arith.index_cast %get3A_643 : i32 to index
    %get3A_645 = arith.constant 0 : index
    %get3A_646 = tpu.vector_load %arg7[%get3A_644, %get3A_645] {strides = array<i32>} : memref<32x128xf32, #tpu.memory_space<vmem>>, vector<16xf32>,
    %mul3A_647 = arith.mulf %gather3A_559, %get3A_646 : vector<16xf32>
    %add3A_648 = arith.addf %add3A_642, %mul3A_647 : vector<16xf32>
    %get3A_649 = arith.constant 13 : i32
    %get3A_650 = arith.index_cast %get3A_649 : i32 to index
    %get3A_651 = arith.constant 0 : index
    %get3A_652 = tpu.vector_load %arg7[%get3A_650, %get3A_651] {strides = array<i32>} : memref<32x128xf32, #tpu.memory_space<vmem>>, vector<16xf32>,
    %mul3A_653 = arith.mulf %gather3A_563, %get3A_652 : vector<16xf32>
    %add3A_654 = arith.addf %add3A_648, %mul3A_653 : vector<16xf32>
    %get3A_655 = arith.constant 14 : i32
    %get3A_656 = arith.index_cast %get3A_655 : i32 to index
    %get3A_657 = arith.constant 0 : index
    %get3A_658 = tpu.vector_load %arg7[%get3A_656, %get3A_657] {strides = array<i32>} : memref<32x128xf32, #tpu.memory_space<vmem>>, vector<16xf32>,
    %mul3A_659 = arith.mulf %gather3A_567, %get3A_658 : vector<16xf32>
    %add3A_660 = arith.addf %add3A_654, %mul3A_659 : vector<16xf32>
    %get3A_661 = arith.constant 15 : i32
    %get3A_662 = arith.index_cast %get3A_661 : i32 to index
    %get3A_663 = arith.constant 0 : index
    %get3A_664 = tpu.vector_load %arg7[%get3A_662, %get3A_663] {strides = array<i32>} : memref<32x128xf32, #tpu.memory_space<vmem>>, vector<16xf32>,
    %mul3A_665 = arith.mulf %gather3A_571, %get3A_664 : vector<16xf32>
    %add3A_666 = arith.addf %add3A_660, %mul3A_665 : vector<16xf32>
    %swap3A_667 = arith.constant 0 : i32
    %swap3A_668 = arith.index_cast %swap3A_667 : i32 to index
    %swap3A_669 = arith.constant 0 : index
    %swap3A_670 = tpu.vector_load %arg8[%swap3A_668, %swap3A_669] {strides = array<i32>} : memref<2x128xf32, #tpu.memory_space<vmem>>, vector<16xf32>,
    tpu.vector_store %arg8[%swap3A_668, %swap3A_669], %add3A_666 {strides = array<i32>} : memref<2x128xf32, #tpu.memory_space<vmem>>, vector<16xf32>,
    %get3A_671 = arith.constant 0 : i32
    %get3A_672 = arith.index_cast %get3A_671 : i32 to index
    %get3A_673 = arith.constant 16 : index
    %get3A_674 = tpu.vector_load %arg7[%get3A_672, %get3A_673] {strides = array<i32>} : memref<32x128xf32, #tpu.memory_space<vmem>>, vector<16xf32>,
    %mul3A_675 = arith.mulf %gather3A_511, %get3A_674 : vector<16xf32>
    %get3A_676 = arith.constant 1 : i32
    %get3A_677 = arith.index_cast %get3A_676 : i32 to index
    %get3A_678 = arith.constant 16 : index
    %get3A_679 = tpu.vector_load %arg7[%get3A_677, %get3A_678] {strides = array<i32>} : memref<32x128xf32, #tpu.memory_space<vmem>>, vector<16xf32>,
    %mul3A_680 = arith.mulf %gather3A_515, %get3A_679 : vector<16xf32>
    %add3A_681 = arith.addf %mul3A_675, %mul3A_680 : vector<16xf32>
    %get3A_682 = arith.constant 2 : i32
    %get3A_683 = arith.index_cast %get3A_682 : i32 to index
    %get3A_684 = arith.constant 16 : index
    %get3A_685 = tpu.vector_load %arg7[%get3A_683, %get3A_684] {strides = array<i32>} : memref<32x128xf32, #tpu.memory_space<vmem>>, vector<16xf32>,
    %mul3A_686 = arith.mulf %gather3A_519, %get3A_685 : vector<16xf32>
    %add3A_687 = arith.addf %add3A_681, %mul3A_686 : vector<16xf32>
    %get3A_688 = arith.constant 3 : i32
    %get3A_689 = arith.index_cast %get3A_688 : i32 to index
    %get3A_690 = arith.constant 16 : index
    %get3A_691 = tpu.vector_load %arg7[%get3A_689, %get3A_690] {strides = array<i32>} : memref<32x128xf32, #tpu.memory_space<vmem>>, vector<16xf32>,
    %mul3A_692 = arith.mulf %gather3A_523, %get3A_691 : vector<16xf32>
    %add3A_693 = arith.addf %add3A_687, %mul3A_692 : vector<16xf32>
    %get3A_694 = arith.constant 4 : i32
    %get3A_695 = arith.index_cast %get3A_694 : i32 to index
    %get3A_696 = arith.constant 16 : index
    %get3A_697 = tpu.vector_load %arg7[%get3A_695, %get3A_696] {strides = array<i32>} : memref<32x128xf32, #tpu.memory_space<vmem>>, vector<16xf32>,
    %mul3A_698 = arith.mulf %gather3A_527, %get3A_697 : vector<16xf32>
    %add3A_699 = arith.addf %add3A_693, %mul3A_698 : vector<16xf32>
    %get3A_700 = arith.constant 5 : i32
    %get3A_701 = arith.index_cast %get3A_700 : i32 to index
    %get3A_702 = arith.constant 16 : index
    %get3A_703 = tpu.vector_load %arg7[%get3A_701, %get3A_702] {strides = array<i32>} : memref<32x128xf32, #tpu.memory_space<vmem>>, vector<16xf32>,
    %mul3A_704 = arith.mulf %gather3A_531, %get3A_703 : vector<16xf32>
    %add3A_705 = arith.addf %add3A_699, %mul3A_704 : vector<16xf32>
    %get3A_706 = arith.constant 6 : i32
    %get3A_707 = arith.index_cast %get3A_706 : i32 to index
    %get3A_708 = arith.constant 16 : index
    %get3A_709 = tpu.vector_load %arg7[%get3A_707, %get3A_708] {strides = array<i32>} : memref<32x128xf32, #tpu.memory_space<vmem>>, vector<16xf32>,
    %mul3A_710 = arith.mulf %gather3A_535, %get3A_709 : vector<16xf32>
    %add3A_711 = arith.addf %add3A_705, %mul3A_710 : vector<16xf32>
    %get3A_712 = arith.constant 7 : i32
    %get3A_713 = arith.index_cast %get3A_712 : i32 to index
    %get3A_714 = arith.constant 16 : index
    %get3A_715 = tpu.vector_load %arg7[%get3A_713, %get3A_714] {strides = array<i32>} : memref<32x128xf32, #tpu.memory_space<vmem>>, vector<16xf32>,
    %mul3A_716 = arith.mulf %gather3A_539, %get3A_715 : vector<16xf32>
    %add3A_717 = arith.addf %add3A_711, %mul3A_716 : vector<16xf32>
    %get3A_718 = arith.constant 8 : i32
    %get3A_719 = arith.index_cast %get3A_718 : i32 to index
    %get3A_720 = arith.constant 16 : index
    %get3A_721 = tpu.vector_load %arg7[%get3A_719, %get3A_720] {strides = array<i32>} : memref<32x128xf32, #tpu.memory_space<vmem>>, vector<16xf32>,
    %mul3A_722 = arith.mulf %gather3A_543, %get3A_721 : vector<16xf32>
    %add3A_723 = arith.addf %add3A_717, %mul3A_722 : vector<16xf32>
    %get3A_724 = arith.constant 9 : i32
    %get3A_725 = arith.index_cast %get3A_724 : i32 to index
    %get3A_726 = arith.constant 16 : index
    %get3A_727 = tpu.vector_load %arg7[%get3A_725, %get3A_726] {strides = array<i32>} : memref<32x128xf32, #tpu.memory_space<vmem>>, vector<16xf32>,
    %mul3A_728 = arith.mulf %gather3A_547, %get3A_727 : vector<16xf32>
    %add3A_729 = arith.addf %add3A_723, %mul3A_728 : vector<16xf32>
    %get3A_730 = arith.constant 10 : i32
    %get3A_731 = arith.index_cast %get3A_730 : i32 to index
    %get3A_732 = arith.constant 16 : index
    %get3A_733 = tpu.vector_load %arg7[%get3A_731, %get3A_732] {strides = array<i32>} : memref<32x128xf32, #tpu.memory_space<vmem>>, vector<16xf32>,
    %mul3A_734 = arith.mulf %gather3A_551, %get3A_733 : vector<16xf32>
    %add3A_735 = arith.addf %add3A_729, %mul3A_734 : vector<16xf32>
    %get3A_736 = arith.constant 11 : i32
    %get3A_737 = arith.index_cast %get3A_736 : i32 to index
    %get3A_738 = arith.constant 16 : index
    %get3A_739 = tpu.vector_load %arg7[%get3A_737, %get3A_738] {strides = array<i32>} : memref<32x128xf32, #tpu.memory_space<vmem>>, vector<16xf32>,
    %mul3A_740 = arith.mulf %gather3A_555, %get3A_739 : vector<16xf32>
    %add3A_741 = arith.addf %add3A_735, %mul3A_740 : vector<16xf32>
    %get3A_742 = arith.constant 12 : i32
    %get3A_743 = arith.index_cast %get3A_742 : i32 to index
    %get3A_744 = arith.constant 16 : index
    %get3A_745 = tpu.vector_load %arg7[%get3A_743, %get3A_744] {strides = array<i32>} : memref<32x128xf32, #tpu.memory_space<vmem>>, vector<16xf32>,
    %mul3A_746 = arith.mulf %gather3A_559, %get3A_745 : vector<16xf32>
    %add3A_747 = arith.addf %add3A_741, %mul3A_746 : vector<16xf32>
    %get3A_748 = arith.constant 13 : i32
    %get3A_749 = arith.index_cast %get3A_748 : i32 to index
    %get3A_750 = arith.constant 16 : index
    %get3A_751 = tpu.vector_load %arg7[%get3A_749, %get3A_750] {strides = array<i32>} : memref<32x128xf32, #tpu.memory_space<vmem>>, vector<16xf32>,
    %mul3A_752 = arith.mulf %gather3A_563, %get3A_751 : vector<16xf32>
    %add3A_753 = arith.addf %add3A_747, %mul3A_752 : vector<16xf32>
    %get3A_754 = arith.constant 14 : i32
    %get3A_755 = arith.index_cast %get3A_754 : i32 to index
    %get3A_756 = arith.constant 16 : index
    %get3A_757 = tpu.vector_load %arg7[%get3A_755, %get3A_756] {strides = array<i32>} : memref<32x128xf32, #tpu.memory_space<vmem>>, vector<16xf32>,
    %mul3A_758 = arith.mulf %gather3A_567, %get3A_757 : vector<16xf32>
    %add3A_759 = arith.addf %add3A_753, %mul3A_758 : vector<16xf32>
    %get3A_760 = arith.constant 15 : i32
    %get3A_761 = arith.index_cast %get3A_760 : i32 to index
    %get3A_762 = arith.constant 16 : index
    %get3A_763 = tpu.vector_load %arg7[%get3A_761, %get3A_762] {strides = array<i32>} : memref<32x128xf32, #tpu.memory_space<vmem>>, vector<16xf32>,
    %mul3A_764 = arith.mulf %gather3A_571, %get3A_763 : vector<16xf32>
    %add3A_765 = arith.addf %add3A_759, %mul3A_764 : vector<16xf32>
    %swap3A_766 = arith.constant 0 : i32
    %swap3A_767 = arith.index_cast %swap3A_766 : i32 to index
    %swap3A_768 = arith.constant 16 : index
    %swap3A_769 = tpu.vector_load %arg8[%swap3A_767, %swap3A_768] {strides = array<i32>} : memref<2x128xf32, #tpu.memory_space<vmem>>, vector<16xf32>,
    tpu.vector_store %arg8[%swap3A_767, %swap3A_768], %add3A_765 {strides = array<i32>} : memref<2x128xf32, #tpu.memory_space<vmem>>, vector<16xf32>,
    %get3A_770 = arith.constant 0 : i32
    %get3A_771 = arith.index_cast %get3A_770 : i32 to index
    %get3A_772 = arith.constant 32 : index
    %get3A_773 = tpu.vector_load %arg7[%get3A_771, %get3A_772] {strides = array<i32>} : memref<32x128xf32, #tpu.memory_space<vmem>>, vector<16xf32>,
    %mul3A_774 = arith.mulf %gather3A_511, %get3A_773 : vector<16xf32>
    %get3A_775 = arith.constant 1 : i32
    %get3A_776 = arith.index_cast %get3A_775 : i32 to index
    %get3A_777 = arith.constant 32 : index
    %get3A_778 = tpu.vector_load %arg7[%get3A_776, %get3A_777] {strides = array<i32>} : memref<32x128xf32, #tpu.memory_space<vmem>>, vector<16xf32>,
    %mul3A_779 = arith.mulf %gather3A_515, %get3A_778 : vector<16xf32>
    %add3A_780 = arith.addf %mul3A_774, %mul3A_779 : vector<16xf32>
    %get3A_781 = arith.constant 2 : i32
    %get3A_782 = arith.index_cast %get3A_781 : i32 to index
    %get3A_783 = arith.constant 32 : index
    %get3A_784 = tpu.vector_load %arg7[%get3A_782, %get3A_783] {strides = array<i32>} : memref<32x128xf32, #tpu.memory_space<vmem>>, vector<16xf32>,
    %mul3A_785 = arith.mulf %gather3A_519, %get3A_784 : vector<16xf32>
    %add3A_786 = arith.addf %add3A_780, %mul3A_785 : vector<16xf32>
    %get3A_787 = arith.constant 3 : i32
    %get3A_788 = arith.index_cast %get3A_787 : i32 to index
    %get3A_789 = arith.constant 32 : index
    %get3A_790 = tpu.vector_load %arg7[%get3A_788, %get3A_789] {strides = array<i32>} : memref<32x128xf32, #tpu.memory_space<vmem>>, vector<16xf32>,
    %mul3A_791 = arith.mulf %gather3A_523, %get3A_790 : vector<16xf32>
    %add3A_792 = arith.addf %add3A_786, %mul3A_791 : vector<16xf32>
    %get3A_793 = arith.constant 4 : i32
    %get3A_794 = arith.index_cast %get3A_793 : i32 to index
    %get3A_795 = arith.constant 32 : index
    %get3A_796 = tpu.vector_load %arg7[%get3A_794, %get3A_795] {strides = array<i32>} : memref<32x128xf32, #tpu.memory_space<vmem>>, vector<16xf32>,
    %mul3A_797 = arith.mulf %gather3A_527, %get3A_796 : vector<16xf32>
    %add3A_798 = arith.addf %add3A_792, %mul3A_797 : vector<16xf32>
    %get3A_799 = arith.constant 5 : i32
    %get3A_800 = arith.index_cast %get3A_799 : i32 to index
    %get3A_801 = arith.constant 32 : index
    %get3A_802 = tpu.vector_load %arg7[%get3A_800, %get3A_801] {strides = array<i32>} : memref<32x128xf32, #tpu.memory_space<vmem>>, vector<16xf32>,
    %mul3A_803 = arith.mulf %gather3A_531, %get3A_802 : vector<16xf32>
    %add3A_804 = arith.addf %add3A_798, %mul3A_803 : vector<16xf32>
    %get3A_805 = arith.constant 6 : i32
    %get3A_806 = arith.index_cast %get3A_805 : i32 to index
    %get3A_807 = arith.constant 32 : index
    %get3A_808 = tpu.vector_load %arg7[%get3A_806, %get3A_807] {strides = array<i32>} : memref<32x128xf32, #tpu.memory_space<vmem>>, vector<16xf32>,
    %mul3A_809 = arith.mulf %gather3A_535, %get3A_808 : vector<16xf32>
    %add3A_810 = arith.addf %add3A_804, %mul3A_809 : vector<16xf32>
    %get3A_811 = arith.constant 7 : i32
    %get3A_812 = arith.index_cast %get3A_811 : i32 to index
    %get3A_813 = arith.constant 32 : index
    %get3A_814 = tpu.vector_load %arg7[%get3A_812, %get3A_813] {strides = array<i32>} : memref<32x128xf32, #tpu.memory_space<vmem>>, vector<16xf32>,
    %mul3A_815 = arith.mulf %gather3A_539, %get3A_814 : vector<16xf32>
    %add3A_816 = arith.addf %add3A_810, %mul3A_815 : vector<16xf32>
    %get3A_817 = arith.constant 8 : i32
    %get3A_818 = arith.index_cast %get3A_817 : i32 to index
    %get3A_819 = arith.constant 32 : index
    %get3A_820 = tpu.vector_load %arg7[%get3A_818, %get3A_819] {strides = array<i32>} : memref<32x128xf32, #tpu.memory_space<vmem>>, vector<16xf32>,
    %mul3A_821 = arith.mulf %gather3A_543, %get3A_820 : vector<16xf32>
    %add3A_822 = arith.addf %add3A_816, %mul3A_821 : vector<16xf32>
    %get3A_823 = arith.constant 9 : i32
    %get3A_824 = arith.index_cast %get3A_823 : i32 to index
    %get3A_825 = arith.constant 32 : index
    %get3A_826 = tpu.vector_load %arg7[%get3A_824, %get3A_825] {strides = array<i32>} : memref<32x128xf32, #tpu.memory_space<vmem>>, vector<16xf32>,
    %mul3A_827 = arith.mulf %gather3A_547, %get3A_826 : vector<16xf32>
    %add3A_828 = arith.addf %add3A_822, %mul3A_827 : vector<16xf32>
    %get3A_829 = arith.constant 10 : i32
    %get3A_830 = arith.index_cast %get3A_829 : i32 to index
    %get3A_831 = arith.constant 32 : index
    %get3A_832 = tpu.vector_load %arg7[%get3A_830, %get3A_831] {strides = array<i32>} : memref<32x128xf32, #tpu.memory_space<vmem>>, vector<16xf32>,
    %mul3A_833 = arith.mulf %gather3A_551, %get3A_832 : vector<16xf32>
    %add3A_834 = arith.addf %add3A_828, %mul3A_833 : vector<16xf32>
    %get3A_835 = arith.constant 11 : i32
    %get3A_836 = arith.index_cast %get3A_835 : i32 to index
    %get3A_837 = arith.constant 32 : index
    %get3A_838 = tpu.vector_load %arg7[%get3A_836, %get3A_837] {strides = array<i32>} : memref<32x128xf32, #tpu.memory_space<vmem>>, vector<16xf32>,
    %mul3A_839 = arith.mulf %gather3A_555, %get3A_838 : vector<16xf32>
    %add3A_840 = arith.addf %add3A_834, %mul3A_839 : vector<16xf32>
    %get3A_841 = arith.constant 12 : i32
    %get3A_842 = arith.index_cast %get3A_841 : i32 to index
    %get3A_843 = arith.constant 32 : index
    %get3A_844 = tpu.vector_load %arg7[%get3A_842, %get3A_843] {strides = array<i32>} : memref<32x128xf32, #tpu.memory_space<vmem>>, vector<16xf32>,
    %mul3A_845 = arith.mulf %gather3A_559, %get3A_844 : vector<16xf32>
    %add3A_846 = arith.addf %add3A_840, %mul3A_845 : vector<16xf32>
    %get3A_847 = arith.constant 13 : i32
    %get3A_848 = arith.index_cast %get3A_847 : i32 to index
    %get3A_849 = arith.constant 32 : index
    %get3A_850 = tpu.vector_load %arg7[%get3A_848, %get3A_849] {strides = array<i32>} : memref<32x128xf32, #tpu.memory_space<vmem>>, vector<16xf32>,
    %mul3A_851 = arith.mulf %gather3A_563, %get3A_850 : vector<16xf32>
    %add3A_852 = arith.addf %add3A_846, %mul3A_851 : vector<16xf32>
    %get3A_853 = arith.constant 14 : i32
    %get3A_854 = arith.index_cast %get3A_853 : i32 to index
    %get3A_855 = arith.constant 32 : index
    %get3A_856 = tpu.vector_load %arg7[%get3A_854, %get3A_855] {strides = array<i32>} : memref<32x128xf32, #tpu.memory_space<vmem>>, vector<16xf32>,
    %mul3A_857 = arith.mulf %gather3A_567, %get3A_856 : vector<16xf32>
    %add3A_858 = arith.addf %add3A_852, %mul3A_857 : vector<16xf32>
    %get3A_859 = arith.constant 15 : i32
    %get3A_860 = arith.index_cast %get3A_859 : i32 to index
    %get3A_861 = arith.constant 32 : index
    %get3A_862 = tpu.vector_load %arg7[%get3A_860, %get3A_861] {strides = array<i32>} : memref<32x128xf32, #tpu.memory_space<vmem>>, vector<16xf32>,
    %mul3A_863 = arith.mulf %gather3A_571, %get3A_862 : vector<16xf32>
    %add3A_864 = arith.addf %add3A_858, %mul3A_863 : vector<16xf32>
    %swap3A_865 = arith.constant 0 : i32
    %swap3A_866 = arith.index_cast %swap3A_865 : i32 to index
    %swap3A_867 = arith.constant 32 : index
    %swap3A_868 = tpu.vector_load %arg8[%swap3A_866, %swap3A_867] {strides = array<i32>} : memref<2x128xf32, #tpu.memory_space<vmem>>, vector<16xf32>,
    tpu.vector_store %arg8[%swap3A_866, %swap3A_867], %add3A_864 {strides = array<i32>} : memref<2x128xf32, #tpu.memory_space<vmem>>, vector<16xf32>,
    %get3A_869 = arith.constant 0 : i32
    %get3A_870 = arith.index_cast %get3A_869 : i32 to index
    %get3A_871 = arith.constant 48 : index
    %get3A_872 = tpu.vector_load %arg7[%get3A_870, %get3A_871] {strides = array<i32>} : memref<32x128xf32, #tpu.memory_space<vmem>>, vector<16xf32>,
    %mul3A_873 = arith.mulf %gather3A_511, %get3A_872 : vector<16xf32>
    %get3A_874 = arith.constant 1 : i32
    %get3A_875 = arith.index_cast %get3A_874 : i32 to index
    %get3A_876 = arith.constant 48 : index
    %get3A_877 = tpu.vector_load %arg7[%get3A_875, %get3A_876] {strides = array<i32>} : memref<32x128xf32, #tpu.memory_space<vmem>>, vector<16xf32>,
    %mul3A_878 = arith.mulf %gather3A_515, %get3A_877 : vector<16xf32>
    %add3A_879 = arith.addf %mul3A_873, %mul3A_878 : vector<16xf32>
    %get3A_880 = arith.constant 2 : i32
    %get3A_881 = arith.index_cast %get3A_880 : i32 to index
    %get3A_882 = arith.constant 48 : index
    %get3A_883 = tpu.vector_load %arg7[%get3A_881, %get3A_882] {strides = array<i32>} : memref<32x128xf32, #tpu.memory_space<vmem>>, vector<16xf32>,
    %mul3A_884 = arith.mulf %gather3A_519, %get3A_883 : vector<16xf32>
    %add3A_885 = arith.addf %add3A_879, %mul3A_884 : vector<16xf32>
    %get3A_886 = arith.constant 3 : i32
    %get3A_887 = arith.index_cast %get3A_886 : i32 to index
    %get3A_888 = arith.constant 48 : index
    %get3A_889 = tpu.vector_load %arg7[%get3A_887, %get3A_888] {strides = array<i32>} : memref<32x128xf32, #tpu.memory_space<vmem>>, vector<16xf32>,
    %mul3A_890 = arith.mulf %gather3A_523, %get3A_889 : vector<16xf32>
    %add3A_891 = arith.addf %add3A_885, %mul3A_890 : vector<16xf32>
    %get3A_892 = arith.constant 4 : i32
    %get3A_893 = arith.index_cast %get3A_892 : i32 to index
    %get3A_894 = arith.constant 48 : index
    %get3A_895 = tpu.vector_load %arg7[%get3A_893, %get3A_894] {strides = array<i32>} : memref<32x128xf32, #tpu.memory_space<vmem>>, vector<16xf32>,
    %mul3A_896 = arith.mulf %gather3A_527, %get3A_895 : vector<16xf32>
    %add3A_897 = arith.addf %add3A_891, %mul3A_896 : vector<16xf32>
    %get3A_898 = arith.constant 5 : i32
    %get3A_899 = arith.index_cast %get3A_898 : i32 to index
    %get3A_900 = arith.constant 48 : index
    %get3A_901 = tpu.vector_load %arg7[%get3A_899, %get3A_900] {strides = array<i32>} : memref<32x128xf32, #tpu.memory_space<vmem>>, vector<16xf32>,
    %mul3A_902 = arith.mulf %gather3A_531, %get3A_901 : vector<16xf32>
    %add3A_903 = arith.addf %add3A_897, %mul3A_902 : vector<16xf32>
    %get3A_904 = arith.constant 6 : i32
    %get3A_905 = arith.index_cast %get3A_904 : i32 to index
    %get3A_906 = arith.constant 48 : index
    %get3A_907 = tpu.vector_load %arg7[%get3A_905, %get3A_906] {strides = array<i32>} : memref<32x128xf32, #tpu.memory_space<vmem>>, vector<16xf32>,
    %mul3A_908 = arith.mulf %gather3A_535, %get3A_907 : vector<16xf32>
    %add3A_909 = arith.addf %add3A_903, %mul3A_908 : vector<16xf32>
    %get3A_910 = arith.constant 7 : i32
    %get3A_911 = arith.index_cast %get3A_910 : i32 to index
    %get3A_912 = arith.constant 48 : index
    %get3A_913 = tpu.vector_load %arg7[%get3A_911, %get3A_912] {strides = array<i32>} : memref<32x128xf32, #tpu.memory_space<vmem>>, vector<16xf32>,
    %mul3A_914 = arith.mulf %gather3A_539, %get3A_913 : vector<16xf32>
    %add3A_915 = arith.addf %add3A_909, %mul3A_914 : vector<16xf32>
    %get3A_916 = arith.constant 8 : i32
    %get3A_917 = arith.index_cast %get3A_916 : i32 to index
    %get3A_918 = arith.constant 48 : index
    %get3A_919 = tpu.vector_load %arg7[%get3A_917, %get3A_918] {strides = array<i32>} : memref<32x128xf32, #tpu.memory_space<vmem>>, vector<16xf32>,
    %mul3A_920 = arith.mulf %gather3A_543, %get3A_919 : vector<16xf32>
    %add3A_921 = arith.addf %add3A_915, %mul3A_920 : vector<16xf32>
    %get3A_922 = arith.constant 9 : i32
    %get3A_923 = arith.index_cast %get3A_922 : i32 to index
    %get3A_924 = arith.constant 48 : index
    %get3A_925 = tpu.vector_load %arg7[%get3A_923, %get3A_924] {strides = array<i32>} : memref<32x128xf32, #tpu.memory_space<vmem>>, vector<16xf32>,
    %mul3A_926 = arith.mulf %gather3A_547, %get3A_925 : vector<16xf32>
    %add3A_927 = arith.addf %add3A_921, %mul3A_926 : vector<16xf32>
    %get3A_928 = arith.constant 10 : i32
    %get3A_929 = arith.index_cast %get3A_928 : i32 to index
    %get3A_930 = arith.constant 48 : index
    %get3A_931 = tpu.vector_load %arg7[%get3A_929, %get3A_930] {strides = array<i32>} : memref<32x128xf32, #tpu.memory_space<vmem>>, vector<16xf32>,
    %mul3A_932 = arith.mulf %gather3A_551, %get3A_931 : vector<16xf32>
    %add3A_933 = arith.addf %add3A_927, %mul3A_932 : vector<16xf32>
    %get3A_934 = arith.constant 11 : i32
    %get3A_935 = arith.index_cast %get3A_934 : i32 to index
    %get3A_936 = arith.constant 48 : index
    %get3A_937 = tpu.vector_load %arg7[%get3A_935, %get3A_936] {strides = array<i32>} : memref<32x128xf32, #tpu.memory_space<vmem>>, vector<16xf32>,
    %mul3A_938 = arith.mulf %gather3A_555, %get3A_937 : vector<16xf32>
    %add3A_939 = arith.addf %add3A_933, %mul3A_938 : vector<16xf32>
    %get3A_940 = arith.constant 12 : i32
    %get3A_941 = arith.index_cast %get3A_940 : i32 to index
    %get3A_942 = arith.constant 48 : index
    %get3A_943 = tpu.vector_load %arg7[%get3A_941, %get3A_942] {strides = array<i32>} : memref<32x128xf32, #tpu.memory_space<vmem>>, vector<16xf32>,
    %mul3A_944 = arith.mulf %gather3A_559, %get3A_943 : vector<16xf32>
    %add3A_945 = arith.addf %add3A_939, %mul3A_944 : vector<16xf32>
    %get3A_946 = arith.constant 13 : i32
    %get3A_947 = arith.index_cast %get3A_946 : i32 to index
    %get3A_948 = arith.constant 48 : index
    %get3A_949 = tpu.vector_load %arg7[%get3A_947, %get3A_948] {strides = array<i32>} : memref<32x128xf32, #tpu.memory_space<vmem>>, vector<16xf32>,
    %mul3A_950 = arith.mulf %gather3A_563, %get3A_949 : vector<16xf32>
    %add3A_951 = arith.addf %add3A_945, %mul3A_950 : vector<16xf32>
    %get3A_952 = arith.constant 14 : i32
    %get3A_953 = arith.index_cast %get3A_952 : i32 to index
    %get3A_954 = arith.constant 48 : index
    %get3A_955 = tpu.vector_load %arg7[%get3A_953, %get3A_954] {strides = array<i32>} : memref<32x128xf32, #tpu.memory_space<vmem>>, vector<16xf32>,
    %mul3A_956 = arith.mulf %gather3A_567, %get3A_955 : vector<16xf32>
    %add3A_957 = arith.addf %add3A_951, %mul3A_956 : vector<16xf32>
    %get3A_958 = arith.constant 15 : i32
    %get3A_959 = arith.index_cast %get3A_958 : i32 to index
    %get3A_960 = arith.constant 48 : index
    %get3A_961 = tpu.vector_load %arg7[%get3A_959, %get3A_960] {strides = array<i32>} : memref<32x128xf32, #tpu.memory_space<vmem>>, vector<16xf32>,
    %mul3A_962 = arith.mulf %gather3A_571, %get3A_961 : vector<16xf32>
    %add3A_963 = arith.addf %add3A_957, %mul3A_962 : vector<16xf32>
    %swap3A_964 = arith.constant 0 : i32
    %swap3A_965 = arith.index_cast %swap3A_964 : i32 to index
    %swap3A_966 = arith.constant 48 : index
    %swap3A_967 = tpu.vector_load %arg8[%swap3A_965, %swap3A_966] {strides = array<i32>} : memref<2x128xf32, #tpu.memory_space<vmem>>, vector<16xf32>,
    tpu.vector_store %arg8[%swap3A_965, %swap3A_966], %add3A_963 {strides = array<i32>} : memref<2x128xf32, #tpu.memory_space<vmem>>, vector<16xf32>,
    %get3A_968 = arith.constant 0 : i32
    %get3A_969 = arith.index_cast %get3A_968 : i32 to index
    %get3A_970 = arith.constant 64 : index
    %get3A_971 = tpu.vector_load %arg7[%get3A_969, %get3A_970] {strides = array<i32>} : memref<32x128xf32, #tpu.memory_space<vmem>>, vector<16xf32>,
    %mul3A_972 = arith.mulf %gather3A_511, %get3A_971 : vector<16xf32>
    %get3A_973 = arith.constant 1 : i32
    %get3A_974 = arith.index_cast %get3A_973 : i32 to index
    %get3A_975 = arith.constant 64 : index
    %get3A_976 = tpu.vector_load %arg7[%get3A_974, %get3A_975] {strides = array<i32>} : memref<32x128xf32, #tpu.memory_space<vmem>>, vector<16xf32>,
    %mul3A_977 = arith.mulf %gather3A_515, %get3A_976 : vector<16xf32>
    %add3A_978 = arith.addf %mul3A_972, %mul3A_977 : vector<16xf32>
    %get3A_979 = arith.constant 2 : i32
    %get3A_980 = arith.index_cast %get3A_979 : i32 to index
    %get3A_981 = arith.constant 64 : index
    %get3A_982 = tpu.vector_load %arg7[%get3A_980, %get3A_981] {strides = array<i32>} : memref<32x128xf32, #tpu.memory_space<vmem>>, vector<16xf32>,
    %mul3A_983 = arith.mulf %gather3A_519, %get3A_982 : vector<16xf32>
    %add3A_984 = arith.addf %add3A_978, %mul3A_983 : vector<16xf32>
    %get3A_985 = arith.constant 3 : i32
    %get3A_986 = arith.index_cast %get3A_985 : i32 to index
    %get3A_987 = arith.constant 64 : index
    %get3A_988 = tpu.vector_load %arg7[%get3A_986, %get3A_987] {strides = array<i32>} : memref<32x128xf32, #tpu.memory_space<vmem>>, vector<16xf32>,
    %mul3A_989 = arith.mulf %gather3A_523, %get3A_988 : vector<16xf32>
    %add3A_990 = arith.addf %add3A_984, %mul3A_989 : vector<16xf32>
    %get3A_991 = arith.constant 4 : i32
    %get3A_992 = arith.index_cast %get3A_991 : i32 to index
    %get3A_993 = arith.constant 64 : index
    %get3A_994 = tpu.vector_load %arg7[%get3A_992, %get3A_993] {strides = array<i32>} : memref<32x128xf32, #tpu.memory_space<vmem>>, vector<16xf32>,
    %mul3A_995 = arith.mulf %gather3A_527, %get3A_994 : vector<16xf32>
    %add3A_996 = arith.addf %add3A_990, %mul3A_995 : vector<16xf32>
    %get3A_997 = arith.constant 5 : i32
    %get3A_998 = arith.index_cast %get3A_997 : i32 to index
    %get3A_999 = arith.constant 64 : index
    %get3A_1000 = tpu.vector_load %arg7[%get3A_998, %get3A_999] {strides = array<i32>} : memref<32x128xf32, #tpu.memory_space<vmem>>, vector<16xf32>,
    %mul3A_1001 = arith.mulf %gather3A_531, %get3A_1000 : vector<16xf32>
    %add3A_1002 = arith.addf %add3A_996, %mul3A_1001 : vector<16xf32>
    %get3A_1003 = arith.constant 6 : i32
    %get3A_1004 = arith.index_cast %get3A_1003 : i32 to index
    %get3A_1005 = arith.constant 64 : index
    %get3A_1006 = tpu.vector_load %arg7[%get3A_1004, %get3A_1005] {strides = array<i32>} : memref<32x128xf32, #tpu.memory_space<vmem>>, vector<16xf32>,
    %mul3A_1007 = arith.mulf %gather3A_535, %get3A_1006 : vector<16xf32>
    %add3A_1008 = arith.addf %add3A_1002, %mul3A_1007 : vector<16xf32>
    %get3A_1009 = arith.constant 7 : i32
    %get3A_1010 = arith.index_cast %get3A_1009 : i32 to index
    %get3A_1011 = arith.constant 64 : index
    %get3A_1012 = tpu.vector_load %arg7[%get3A_1010, %get3A_1011] {strides = array<i32>} : memref<32x128xf32, #tpu.memory_space<vmem>>, vector<16xf32>,
    %mul3A_1013 = arith.mulf %gather3A_539, %get3A_1012 : vector<16xf32>
    %add3A_1014 = arith.addf %add3A_1008, %mul3A_1013 : vector<16xf32>
    %get3A_1015 = arith.constant 8 : i32
    %get3A_1016 = arith.index_cast %get3A_1015 : i32 to index
    %get3A_1017 = arith.constant 64 : index
    %get3A_1018 = tpu.vector_load %arg7[%get3A_1016, %get3A_1017] {strides = array<i32>} : memref<32x128xf32, #tpu.memory_space<vmem>>, vector<16xf32>,
    %mul3A_1019 = arith.mulf %gather3A_543, %get3A_1018 : vector<16xf32>
    %add3A_1020 = arith.addf %add3A_1014, %mul3A_1019 : vector<16xf32>
    %get3A_1021 = arith.constant 9 : i32
    %get3A_1022 = arith.index_cast %get3A_1021 : i32 to index
    %get3A_1023 = arith.constant 64 : index
    %get3A_1024 = tpu.vector_load %arg7[%get3A_1022, %get3A_1023] {strides = array<i32>} : memref<32x128xf32, #tpu.memory_space<vmem>>, vector<16xf32>,
    %mul3A_1025 = arith.mulf %gather3A_547, %get3A_1024 : vector<16xf32>
    %add3A_1026 = arith.addf %add3A_1020, %mul3A_1025 : vector<16xf32>
    %get3A_1027 = arith.constant 10 : i32
    %get3A_1028 = arith.index_cast %get3A_1027 : i32 to index
    %get3A_1029 = arith.constant 64 : index
    %get3A_1030 = tpu.vector_load %arg7[%get3A_1028, %get3A_1029] {strides = array<i32>} : memref<32x128xf32, #tpu.memory_space<vmem>>, vector<16xf32>,
    %mul3A_1031 = arith.mulf %gather3A_551, %get3A_1030 : vector<16xf32>
    %add3A_1032 = arith.addf %add3A_1026, %mul3A_1031 : vector<16xf32>
    %get3A_1033 = arith.constant 11 : i32
    %get3A_1034 = arith.index_cast %get3A_1033 : i32 to index
    %get3A_1035 = arith.constant 64 : index
    %get3A_1036 = tpu.vector_load %arg7[%get3A_1034, %get3A_1035] {strides = array<i32>} : memref<32x128xf32, #tpu.memory_space<vmem>>, vector<16xf32>,
    %mul3A_1037 = arith.mulf %gather3A_555, %get3A_1036 : vector<16xf32>
    %add3A_1038 = arith.addf %add3A_1032, %mul3A_1037 : vector<16xf32>
    %get3A_1039 = arith.constant 12 : i32
    %get3A_1040 = arith.index_cast %get3A_1039 : i32 to index
    %get3A_1041 = arith.constant 64 : index
    %get3A_1042 = tpu.vector_load %arg7[%get3A_1040, %get3A_1041] {strides = array<i32>} : memref<32x128xf32, #tpu.memory_space<vmem>>, vector<16xf32>,
    %mul3A_1043 = arith.mulf %gather3A_559, %get3A_1042 : vector<16xf32>
    %add3A_1044 = arith.addf %add3A_1038, %mul3A_1043 : vector<16xf32>
    %get3A_1045 = arith.constant 13 : i32
    %get3A_1046 = arith.index_cast %get3A_1045 : i32 to index
    %get3A_1047 = arith.constant 64 : index
    %get3A_1048 = tpu.vector_load %arg7[%get3A_1046, %get3A_1047] {strides = array<i32>} : memref<32x128xf32, #tpu.memory_space<vmem>>, vector<16xf32>,
    %mul3A_1049 = arith.mulf %gather3A_563, %get3A_1048 : vector<16xf32>
    %add3A_1050 = arith.addf %add3A_1044, %mul3A_1049 : vector<16xf32>
    %get3A_1051 = arith.constant 14 : i32
    %get3A_1052 = arith.index_cast %get3A_1051 : i32 to index
    %get3A_1053 = arith.constant 64 : index
    %get3A_1054 = tpu.vector_load %arg7[%get3A_1052, %get3A_1053] {strides = array<i32>} : memref<32x128xf32, #tpu.memory_space<vmem>>, vector<16xf32>,
    %mul3A_1055 = arith.mulf %gather3A_567, %get3A_1054 : vector<16xf32>
    %add3A_1056 = arith.addf %add3A_1050, %mul3A_1055 : vector<16xf32>
    %get3A_1057 = arith.constant 15 : i32
    %get3A_1058 = arith.index_cast %get3A_1057 : i32 to index
    %get3A_1059 = arith.constant 64 : index
    %get3A_1060 = tpu.vector_load %arg7[%get3A_1058, %get3A_1059] {strides = array<i32>} : memref<32x128xf32, #tpu.memory_space<vmem>>, vector<16xf32>,
    %mul3A_1061 = arith.mulf %gather3A_571, %get3A_1060 : vector<16xf32>
    %add3A_1062 = arith.addf %add3A_1056, %mul3A_1061 : vector<16xf32>
    %swap3A_1063 = arith.constant 0 : i32
    %swap3A_1064 = arith.index_cast %swap3A_1063 : i32 to index
    %swap3A_1065 = arith.constant 64 : index
    %swap3A_1066 = tpu.vector_load %arg8[%swap3A_1064, %swap3A_1065] {strides = array<i32>} : memref<2x128xf32, #tpu.memory_space<vmem>>, vector<16xf32>,
    tpu.vector_store %arg8[%swap3A_1064, %swap3A_1065], %add3A_1062 {strides = array<i32>} : memref<2x128xf32, #tpu.memory_space<vmem>>, vector<16xf32>,
    %get3A_1067 = arith.constant 0 : i32
    %get3A_1068 = arith.index_cast %get3A_1067 : i32 to index
    %get3A_1069 = arith.constant 80 : index
    %get3A_1070 = tpu.vector_load %arg7[%get3A_1068, %get3A_1069] {strides = array<i32>} : memref<32x128xf32, #tpu.memory_space<vmem>>, vector<16xf32>,
    %mul3A_1071 = arith.mulf %gather3A_511, %get3A_1070 : vector<16xf32>
    %get3A_1072 = arith.constant 1 : i32
    %get3A_1073 = arith.index_cast %get3A_1072 : i32 to index
    %get3A_1074 = arith.constant 80 : index
    %get3A_1075 = tpu.vector_load %arg7[%get3A_1073, %get3A_1074] {strides = array<i32>} : memref<32x128xf32, #tpu.memory_space<vmem>>, vector<16xf32>,
    %mul3A_1076 = arith.mulf %gather3A_515, %get3A_1075 : vector<16xf32>
    %add3A_1077 = arith.addf %mul3A_1071, %mul3A_1076 : vector<16xf32>
    %get3A_1078 = arith.constant 2 : i32
    %get3A_1079 = arith.index_cast %get3A_1078 : i32 to index
    %get3A_1080 = arith.constant 80 : index
    %get3A_1081 = tpu.vector_load %arg7[%get3A_1079, %get3A_1080] {strides = array<i32>} : memref<32x128xf32, #tpu.memory_space<vmem>>, vector<16xf32>,
    %mul3A_1082 = arith.mulf %gather3A_519, %get3A_1081 : vector<16xf32>
    %add3A_1083 = arith.addf %add3A_1077, %mul3A_1082 : vector<16xf32>
    %get3A_1084 = arith.constant 3 : i32
    %get3A_1085 = arith.index_cast %get3A_1084 : i32 to index
    %get3A_1086 = arith.constant 80 : index
    %get3A_1087 = tpu.vector_load %arg7[%get3A_1085, %get3A_1086] {strides = array<i32>} : memref<32x128xf32, #tpu.memory_space<vmem>>, vector<16xf32>,
    %mul3A_1088 = arith.mulf %gather3A_523, %get3A_1087 : vector<16xf32>
    %add3A_1089 = arith.addf %add3A_1083, %mul3A_1088 : vector<16xf32>
    %get3A_1090 = arith.constant 4 : i32
    %get3A_1091 = arith.index_cast %get3A_1090 : i32 to index
    %get3A_1092 = arith.constant 80 : index
    %get3A_1093 = tpu.vector_load %arg7[%get3A_1091, %get3A_1092] {strides = array<i32>} : memref<32x128xf32, #tpu.memory_space<vmem>>, vector<16xf32>,
    %mul3A_1094 = arith.mulf %gather3A_527, %get3A_1093 : vector<16xf32>
    %add3A_1095 = arith.addf %add3A_1089, %mul3A_1094 : vector<16xf32>
    %get3A_1096 = arith.constant 5 : i32
    %get3A_1097 = arith.index_cast %get3A_1096 : i32 to index
    %get3A_1098 = arith.constant 80 : index
    %get3A_1099 = tpu.vector_load %arg7[%get3A_1097, %get3A_1098] {strides = array<i32>} : memref<32x128xf32, #tpu.memory_space<vmem>>, vector<16xf32>,
    %mul3A_1100 = arith.mulf %gather3A_531, %get3A_1099 : vector<16xf32>
    %add3A_1101 = arith.addf %add3A_1095, %mul3A_1100 : vector<16xf32>
    %get3A_1102 = arith.constant 6 : i32
    %get3A_1103 = arith.index_cast %get3A_1102 : i32 to index
    %get3A_1104 = arith.constant 80 : index
    %get3A_1105 = tpu.vector_load %arg7[%get3A_1103, %get3A_1104] {strides = array<i32>} : memref<32x128xf32, #tpu.memory_space<vmem>>, vector<16xf32>,
    %mul3A_1106 = arith.mulf %gather3A_535, %get3A_1105 : vector<16xf32>
    %add3A_1107 = arith.addf %add3A_1101, %mul3A_1106 : vector<16xf32>
    %get3A_1108 = arith.constant 7 : i32
    %get3A_1109 = arith.index_cast %get3A_1108 : i32 to index
    %get3A_1110 = arith.constant 80 : index
    %get3A_1111 = tpu.vector_load %arg7[%get3A_1109, %get3A_1110] {strides = array<i32>} : memref<32x128xf32, #tpu.memory_space<vmem>>, vector<16xf32>,
    %mul3A_1112 = arith.mulf %gather3A_539, %get3A_1111 : vector<16xf32>
    %add3A_1113 = arith.addf %add3A_1107, %mul3A_1112 : vector<16xf32>
    %get3A_1114 = arith.constant 8 : i32
    %get3A_1115 = arith.index_cast %get3A_1114 : i32 to index
    %get3A_1116 = arith.constant 80 : index
    %get3A_1117 = tpu.vector_load %arg7[%get3A_1115, %get3A_1116] {strides = array<i32>} : memref<32x128xf32, #tpu.memory_space<vmem>>, vector<16xf32>,
    %mul3A_1118 = arith.mulf %gather3A_543, %get3A_1117 : vector<16xf32>
    %add3A_1119 = arith.addf %add3A_1113, %mul3A_1118 : vector<16xf32>
    %get3A_1120 = arith.constant 9 : i32
    %get3A_1121 = arith.index_cast %get3A_1120 : i32 to index
    %get3A_1122 = arith.constant 80 : index
    %get3A_1123 = tpu.vector_load %arg7[%get3A_1121, %get3A_1122] {strides = array<i32>} : memref<32x128xf32, #tpu.memory_space<vmem>>, vector<16xf32>,
    %mul3A_1124 = arith.mulf %gather3A_547, %get3A_1123 : vector<16xf32>
    %add3A_1125 = arith.addf %add3A_1119, %mul3A_1124 : vector<16xf32>
    %get3A_1126 = arith.constant 10 : i32
    %get3A_1127 = arith.index_cast %get3A_1126 : i32 to index
    %get3A_1128 = arith.constant 80 : index
    %get3A_1129 = tpu.vector_load %arg7[%get3A_1127, %get3A_1128] {strides = array<i32>} : memref<32x128xf32, #tpu.memory_space<vmem>>, vector<16xf32>,
    %mul3A_1130 = arith.mulf %gather3A_551, %get3A_1129 : vector<16xf32>
    %add3A_1131 = arith.addf %add3A_1125, %mul3A_1130 : vector<16xf32>
    %get3A_1132 = arith.constant 11 : i32
    %get3A_1133 = arith.index_cast %get3A_1132 : i32 to index
    %get3A_1134 = arith.constant 80 : index
    %get3A_1135 = tpu.vector_load %arg7[%get3A_1133, %get3A_1134] {strides = array<i32>} : memref<32x128xf32, #tpu.memory_space<vmem>>, vector<16xf32>,
    %mul3A_1136 = arith.mulf %gather3A_555, %get3A_1135 : vector<16xf32>
    %add3A_1137 = arith.addf %add3A_1131, %mul3A_1136 : vector<16xf32>
    %get3A_1138 = arith.constant 12 : i32
    %get3A_1139 = arith.index_cast %get3A_1138 : i32 to index
    %get3A_1140 = arith.constant 80 : index
    %get3A_1141 = tpu.vector_load %arg7[%get3A_1139, %get3A_1140] {strides = array<i32>} : memref<32x128xf32, #tpu.memory_space<vmem>>, vector<16xf32>,
    %mul3A_1142 = arith.mulf %gather3A_559, %get3A_1141 : vector<16xf32>
    %add3A_1143 = arith.addf %add3A_1137, %mul3A_1142 : vector<16xf32>
    %get3A_1144 = arith.constant 13 : i32
    %get3A_1145 = arith.index_cast %get3A_1144 : i32 to index
    %get3A_1146 = arith.constant 80 : index
    %get3A_1147 = tpu.vector_load %arg7[%get3A_1145, %get3A_1146] {strides = array<i32>} : memref<32x128xf32, #tpu.memory_space<vmem>>, vector<16xf32>,
    %mul3A_1148 = arith.mulf %gather3A_563, %get3A_1147 : vector<16xf32>
    %add3A_1149 = arith.addf %add3A_1143, %mul3A_1148 : vector<16xf32>
    %get3A_1150 = arith.constant 14 : i32
    %get3A_1151 = arith.index_cast %get3A_1150 : i32 to index
    %get3A_1152 = arith.constant 80 : index
    %get3A_1153 = tpu.vector_load %arg7[%get3A_1151, %get3A_1152] {strides = array<i32>} : memref<32x128xf32, #tpu.memory_space<vmem>>, vector<16xf32>,
    %mul3A_1154 = arith.mulf %gather3A_567, %get3A_1153 : vector<16xf32>
    %add3A_1155 = arith.addf %add3A_1149, %mul3A_1154 : vector<16xf32>
    %get3A_1156 = arith.constant 15 : i32
    %get3A_1157 = arith.index_cast %get3A_1156 : i32 to index
    %get3A_1158 = arith.constant 80 : index
    %get3A_1159 = tpu.vector_load %arg7[%get3A_1157, %get3A_1158] {strides = array<i32>} : memref<32x128xf32, #tpu.memory_space<vmem>>, vector<16xf32>,
    %mul3A_1160 = arith.mulf %gather3A_571, %get3A_1159 : vector<16xf32>
    %add3A_1161 = arith.addf %add3A_1155, %mul3A_1160 : vector<16xf32>
    %swap3A_1162 = arith.constant 0 : i32
    %swap3A_1163 = arith.index_cast %swap3A_1162 : i32 to index
    %swap3A_1164 = arith.constant 80 : index
    %swap3A_1165 = tpu.vector_load %arg8[%swap3A_1163, %swap3A_1164] {strides = array<i32>} : memref<2x128xf32, #tpu.memory_space<vmem>>, vector<16xf32>,
    tpu.vector_store %arg8[%swap3A_1163, %swap3A_1164], %add3A_1161 {strides = array<i32>} : memref<2x128xf32, #tpu.memory_space<vmem>>, vector<16xf32>,
    %get3A_1166 = arith.constant 0 : i32
    %get3A_1167 = arith.index_cast %get3A_1166 : i32 to index
    %get3A_1168 = arith.constant 96 : index
    %get3A_1169 = tpu.vector_load %arg7[%get3A_1167, %get3A_1168] {strides = array<i32>} : memref<32x128xf32, #tpu.memory_space<vmem>>, vector<16xf32>,
    %mul3A_1170 = arith.mulf %gather3A_511, %get3A_1169 : vector<16xf32>
    %get3A_1171 = arith.constant 1 : i32
    %get3A_1172 = arith.index_cast %get3A_1171 : i32 to index
    %get3A_1173 = arith.constant 96 : index
    %get3A_1174 = tpu.vector_load %arg7[%get3A_1172, %get3A_1173] {strides = array<i32>} : memref<32x128xf32, #tpu.memory_space<vmem>>, vector<16xf32>,
    %mul3A_1175 = arith.mulf %gather3A_515, %get3A_1174 : vector<16xf32>
    %add3A_1176 = arith.addf %mul3A_1170, %mul3A_1175 : vector<16xf32>
    %get3A_1177 = arith.constant 2 : i32
    %get3A_1178 = arith.index_cast %get3A_1177 : i32 to index
    %get3A_1179 = arith.constant 96 : index
    %get3A_1180 = tpu.vector_load %arg7[%get3A_1178, %get3A_1179] {strides = array<i32>} : memref<32x128xf32, #tpu.memory_space<vmem>>, vector<16xf32>,
    %mul3A_1181 = arith.mulf %gather3A_519, %get3A_1180 : vector<16xf32>
    %add3A_1182 = arith.addf %add3A_1176, %mul3A_1181 : vector<16xf32>
    %get3A_1183 = arith.constant 3 : i32
    %get3A_1184 = arith.index_cast %get3A_1183 : i32 to index
    %get3A_1185 = arith.constant 96 : index
    %get3A_1186 = tpu.vector_load %arg7[%get3A_1184, %get3A_1185] {strides = array<i32>} : memref<32x128xf32, #tpu.memory_space<vmem>>, vector<16xf32>,
    %mul3A_1187 = arith.mulf %gather3A_523, %get3A_1186 : vector<16xf32>
    %add3A_1188 = arith.addf %add3A_1182, %mul3A_1187 : vector<16xf32>
    %get3A_1189 = arith.constant 4 : i32
    %get3A_1190 = arith.index_cast %get3A_1189 : i32 to index
    %get3A_1191 = arith.constant 96 : index
    %get3A_1192 = tpu.vector_load %arg7[%get3A_1190, %get3A_1191] {strides = array<i32>} : memref<32x128xf32, #tpu.memory_space<vmem>>, vector<16xf32>,
    %mul3A_1193 = arith.mulf %gather3A_527, %get3A_1192 : vector<16xf32>
    %add3A_1194 = arith.addf %add3A_1188, %mul3A_1193 : vector<16xf32>
    %get3A_1195 = arith.constant 5 : i32
    %get3A_1196 = arith.index_cast %get3A_1195 : i32 to index
    %get3A_1197 = arith.constant 96 : index
    %get3A_1198 = tpu.vector_load %arg7[%get3A_1196, %get3A_1197] {strides = array<i32>} : memref<32x128xf32, #tpu.memory_space<vmem>>, vector<16xf32>,
    %mul3A_1199 = arith.mulf %gather3A_531, %get3A_1198 : vector<16xf32>
    %add3A_1200 = arith.addf %add3A_1194, %mul3A_1199 : vector<16xf32>
    %get3A_1201 = arith.constant 6 : i32
    %get3A_1202 = arith.index_cast %get3A_1201 : i32 to index
    %get3A_1203 = arith.constant 96 : index
    %get3A_1204 = tpu.vector_load %arg7[%get3A_1202, %get3A_1203] {strides = array<i32>} : memref<32x128xf32, #tpu.memory_space<vmem>>, vector<16xf32>,
    %mul3A_1205 = arith.mulf %gather3A_535, %get3A_1204 : vector<16xf32>
    %add3A_1206 = arith.addf %add3A_1200, %mul3A_1205 : vector<16xf32>
    %get3A_1207 = arith.constant 7 : i32
    %get3A_1208 = arith.index_cast %get3A_1207 : i32 to index
    %get3A_1209 = arith.constant 96 : index
    %get3A_1210 = tpu.vector_load %arg7[%get3A_1208, %get3A_1209] {strides = array<i32>} : memref<32x128xf32, #tpu.memory_space<vmem>>, vector<16xf32>,
    %mul3A_1211 = arith.mulf %gather3A_539, %get3A_1210 : vector<16xf32>
    %add3A_1212 = arith.addf %add3A_1206, %mul3A_1211 : vector<16xf32>
    %get3A_1213 = arith.constant 8 : i32
    %get3A_1214 = arith.index_cast %get3A_1213 : i32 to index
    %get3A_1215 = arith.constant 96 : index
    %get3A_1216 = tpu.vector_load %arg7[%get3A_1214, %get3A_1215] {strides = array<i32>} : memref<32x128xf32, #tpu.memory_space<vmem>>, vector<16xf32>,
    %mul3A_1217 = arith.mulf %gather3A_543, %get3A_1216 : vector<16xf32>
    %add3A_1218 = arith.addf %add3A_1212, %mul3A_1217 : vector<16xf32>
    %get3A_1219 = arith.constant 9 : i32
    %get3A_1220 = arith.index_cast %get3A_1219 : i32 to index
    %get3A_1221 = arith.constant 96 : index
    %get3A_1222 = tpu.vector_load %arg7[%get3A_1220, %get3A_1221] {strides = array<i32>} : memref<32x128xf32, #tpu.memory_space<vmem>>, vector<16xf32>,
    %mul3A_1223 = arith.mulf %gather3A_547, %get3A_1222 : vector<16xf32>
    %add3A_1224 = arith.addf %add3A_1218, %mul3A_1223 : vector<16xf32>
    %get3A_1225 = arith.constant 10 : i32
    %get3A_1226 = arith.index_cast %get3A_1225 : i32 to index
    %get3A_1227 = arith.constant 96 : index
    %get3A_1228 = tpu.vector_load %arg7[%get3A_1226, %get3A_1227] {strides = array<i32>} : memref<32x128xf32, #tpu.memory_space<vmem>>, vector<16xf32>,
    %mul3A_1229 = arith.mulf %gather3A_551, %get3A_1228 : vector<16xf32>
    %add3A_1230 = arith.addf %add3A_1224, %mul3A_1229 : vector<16xf32>
    %get3A_1231 = arith.constant 11 : i32
    %get3A_1232 = arith.index_cast %get3A_1231 : i32 to index
    %get3A_1233 = arith.constant 96 : index
    %get3A_1234 = tpu.vector_load %arg7[%get3A_1232, %get3A_1233] {strides = array<i32>} : memref<32x128xf32, #tpu.memory_space<vmem>>, vector<16xf32>,
    %mul3A_1235 = arith.mulf %gather3A_555, %get3A_1234 : vector<16xf32>
    %add3A_1236 = arith.addf %add3A_1230, %mul3A_1235 : vector<16xf32>
    %get3A_1237 = arith.constant 12 : i32
    %get3A_1238 = arith.index_cast %get3A_1237 : i32 to index
    %get3A_1239 = arith.constant 96 : index
    %get3A_1240 = tpu.vector_load %arg7[%get3A_1238, %get3A_1239] {strides = array<i32>} : memref<32x128xf32, #tpu.memory_space<vmem>>, vector<16xf32>,
    %mul3A_1241 = arith.mulf %gather3A_559, %get3A_1240 : vector<16xf32>
    %add3A_1242 = arith.addf %add3A_1236, %mul3A_1241 : vector<16xf32>
    %get3A_1243 = arith.constant 13 : i32
    %get3A_1244 = arith.index_cast %get3A_1243 : i32 to index
    %get3A_1245 = arith.constant 96 : index
    %get3A_1246 = tpu.vector_load %arg7[%get3A_1244, %get3A_1245] {strides = array<i32>} : memref<32x128xf32, #tpu.memory_space<vmem>>, vector<16xf32>,
    %mul3A_1247 = arith.mulf %gather3A_563, %get3A_1246 : vector<16xf32>
    %add3A_1248 = arith.addf %add3A_1242, %mul3A_1247 : vector<16xf32>
    %get3A_1249 = arith.constant 14 : i32
    %get3A_1250 = arith.index_cast %get3A_1249 : i32 to index
    %get3A_1251 = arith.constant 96 : index
    %get3A_1252 = tpu.vector_load %arg7[%get3A_1250, %get3A_1251] {strides = array<i32>} : memref<32x128xf32, #tpu.memory_space<vmem>>, vector<16xf32>,
    %mul3A_1253 = arith.mulf %gather3A_567, %get3A_1252 : vector<16xf32>
    %add3A_1254 = arith.addf %add3A_1248, %mul3A_1253 : vector<16xf32>
    %get3A_1255 = arith.constant 15 : i32
    %get3A_1256 = arith.index_cast %get3A_1255 : i32 to index
    %get3A_1257 = arith.constant 96 : index
    %get3A_1258 = tpu.vector_load %arg7[%get3A_1256, %get3A_1257] {strides = array<i32>} : memref<32x128xf32, #tpu.memory_space<vmem>>, vector<16xf32>,
    %mul3A_1259 = arith.mulf %gather3A_571, %get3A_1258 : vector<16xf32>
    %add3A_1260 = arith.addf %add3A_1254, %mul3A_1259 : vector<16xf32>
    %swap3A_1261 = arith.constant 0 : i32
    %swap3A_1262 = arith.index_cast %swap3A_1261 : i32 to index
    %swap3A_1263 = arith.constant 96 : index
    %swap3A_1264 = tpu.vector_load %arg8[%swap3A_1262, %swap3A_1263] {strides = array<i32>} : memref<2x128xf32, #tpu.memory_space<vmem>>, vector<16xf32>,
    tpu.vector_store %arg8[%swap3A_1262, %swap3A_1263], %add3A_1260 {strides = array<i32>} : memref<2x128xf32, #tpu.memory_space<vmem>>, vector<16xf32>,
    %get3A_1265 = arith.constant 0 : i32
    %get3A_1266 = arith.index_cast %get3A_1265 : i32 to index
    %get3A_1267 = arith.constant 112 : index
    %get3A_1268 = tpu.vector_load %arg7[%get3A_1266, %get3A_1267] {strides = array<i32>} : memref<32x128xf32, #tpu.memory_space<vmem>>, vector<16xf32>,
    %mul3A_1269 = arith.mulf %gather3A_511, %get3A_1268 : vector<16xf32>
    %get3A_1270 = arith.constant 1 : i32
    %get3A_1271 = arith.index_cast %get3A_1270 : i32 to index
    %get3A_1272 = arith.constant 112 : index
    %get3A_1273 = tpu.vector_load %arg7[%get3A_1271, %get3A_1272] {strides = array<i32>} : memref<32x128xf32, #tpu.memory_space<vmem>>, vector<16xf32>,
    %mul3A_1274 = arith.mulf %gather3A_515, %get3A_1273 : vector<16xf32>
    %add3A_1275 = arith.addf %mul3A_1269, %mul3A_1274 : vector<16xf32>
    %get3A_1276 = arith.constant 2 : i32
    %get3A_1277 = arith.index_cast %get3A_1276 : i32 to index
    %get3A_1278 = arith.constant 112 : index
    %get3A_1279 = tpu.vector_load %arg7[%get3A_1277, %get3A_1278] {strides = array<i32>} : memref<32x128xf32, #tpu.memory_space<vmem>>, vector<16xf32>,
    %mul3A_1280 = arith.mulf %gather3A_519, %get3A_1279 : vector<16xf32>
    %add3A_1281 = arith.addf %add3A_1275, %mul3A_1280 : vector<16xf32>
    %get3A_1282 = arith.constant 3 : i32
    %get3A_1283 = arith.index_cast %get3A_1282 : i32 to index
    %get3A_1284 = arith.constant 112 : index
    %get3A_1285 = tpu.vector_load %arg7[%get3A_1283, %get3A_1284] {strides = array<i32>} : memref<32x128xf32, #tpu.memory_space<vmem>>, vector<16xf32>,
    %mul3A_1286 = arith.mulf %gather3A_523, %get3A_1285 : vector<16xf32>
    %add3A_1287 = arith.addf %add3A_1281, %mul3A_1286 : vector<16xf32>
    %get3A_1288 = arith.constant 4 : i32
    %get3A_1289 = arith.index_cast %get3A_1288 : i32 to index
    %get3A_1290 = arith.constant 112 : index
    %get3A_1291 = tpu.vector_load %arg7[%get3A_1289, %get3A_1290] {strides = array<i32>} : memref<32x128xf32, #tpu.memory_space<vmem>>, vector<16xf32>,
    %mul3A_1292 = arith.mulf %gather3A_527, %get3A_1291 : vector<16xf32>
    %add3A_1293 = arith.addf %add3A_1287, %mul3A_1292 : vector<16xf32>
    %get3A_1294 = arith.constant 5 : i32
    %get3A_1295 = arith.index_cast %get3A_1294 : i32 to index
    %get3A_1296 = arith.constant 112 : index
    %get3A_1297 = tpu.vector_load %arg7[%get3A_1295, %get3A_1296] {strides = array<i32>} : memref<32x128xf32, #tpu.memory_space<vmem>>, vector<16xf32>,
    %mul3A_1298 = arith.mulf %gather3A_531, %get3A_1297 : vector<16xf32>
    %add3A_1299 = arith.addf %add3A_1293, %mul3A_1298 : vector<16xf32>
    %get3A_1300 = arith.constant 6 : i32
    %get3A_1301 = arith.index_cast %get3A_1300 : i32 to index
    %get3A_1302 = arith.constant 112 : index
    %get3A_1303 = tpu.vector_load %arg7[%get3A_1301, %get3A_1302] {strides = array<i32>} : memref<32x128xf32, #tpu.memory_space<vmem>>, vector<16xf32>,
    %mul3A_1304 = arith.mulf %gather3A_535, %get3A_1303 : vector<16xf32>
    %add3A_1305 = arith.addf %add3A_1299, %mul3A_1304 : vector<16xf32>
    %get3A_1306 = arith.constant 7 : i32
    %get3A_1307 = arith.index_cast %get3A_1306 : i32 to index
    %get3A_1308 = arith.constant 112 : index
    %get3A_1309 = tpu.vector_load %arg7[%get3A_1307, %get3A_1308] {strides = array<i32>} : memref<32x128xf32, #tpu.memory_space<vmem>>, vector<16xf32>,
    %mul3A_1310 = arith.mulf %gather3A_539, %get3A_1309 : vector<16xf32>
    %add3A_1311 = arith.addf %add3A_1305, %mul3A_1310 : vector<16xf32>
    %get3A_1312 = arith.constant 8 : i32
    %get3A_1313 = arith.index_cast %get3A_1312 : i32 to index
    %get3A_1314 = arith.constant 112 : index
    %get3A_1315 = tpu.vector_load %arg7[%get3A_1313, %get3A_1314] {strides = array<i32>} : memref<32x128xf32, #tpu.memory_space<vmem>>, vector<16xf32>,
    %mul3A_1316 = arith.mulf %gather3A_543, %get3A_1315 : vector<16xf32>
    %add3A_1317 = arith.addf %add3A_1311, %mul3A_1316 : vector<16xf32>
    %get3A_1318 = arith.constant 9 : i32
    %get3A_1319 = arith.index_cast %get3A_1318 : i32 to index
    %get3A_1320 = arith.constant 112 : index
    %get3A_1321 = tpu.vector_load %arg7[%get3A_1319, %get3A_1320] {strides = array<i32>} : memref<32x128xf32, #tpu.memory_space<vmem>>, vector<16xf32>,
    %mul3A_1322 = arith.mulf %gather3A_547, %get3A_1321 : vector<16xf32>
    %add3A_1323 = arith.addf %add3A_1317, %mul3A_1322 : vector<16xf32>
    %get3A_1324 = arith.constant 10 : i32
    %get3A_1325 = arith.index_cast %get3A_1324 : i32 to index
    %get3A_1326 = arith.constant 112 : index
    %get3A_1327 = tpu.vector_load %arg7[%get3A_1325, %get3A_1326] {strides = array<i32>} : memref<32x128xf32, #tpu.memory_space<vmem>>, vector<16xf32>,
    %mul3A_1328 = arith.mulf %gather3A_551, %get3A_1327 : vector<16xf32>
    %add3A_1329 = arith.addf %add3A_1323, %mul3A_1328 : vector<16xf32>
    %get3A_1330 = arith.constant 11 : i32
    %get3A_1331 = arith.index_cast %get3A_1330 : i32 to index
    %get3A_1332 = arith.constant 112 : index
    %get3A_1333 = tpu.vector_load %arg7[%get3A_1331, %get3A_1332] {strides = array<i32>} : memref<32x128xf32, #tpu.memory_space<vmem>>, vector<16xf32>,
    %mul3A_1334 = arith.mulf %gather3A_555, %get3A_1333 : vector<16xf32>
    %add3A_1335 = arith.addf %add3A_1329, %mul3A_1334 : vector<16xf32>
    %get3A_1336 = arith.constant 12 : i32
    %get3A_1337 = arith.index_cast %get3A_1336 : i32 to index
    %get3A_1338 = arith.constant 112 : index
    %get3A_1339 = tpu.vector_load %arg7[%get3A_1337, %get3A_1338] {strides = array<i32>} : memref<32x128xf32, #tpu.memory_space<vmem>>, vector<16xf32>,
    %mul3A_1340 = arith.mulf %gather3A_559, %get3A_1339 : vector<16xf32>
    %add3A_1341 = arith.addf %add3A_1335, %mul3A_1340 : vector<16xf32>
    %get3A_1342 = arith.constant 13 : i32
    %get3A_1343 = arith.index_cast %get3A_1342 : i32 to index
    %get3A_1344 = arith.constant 112 : index
    %get3A_1345 = tpu.vector_load %arg7[%get3A_1343, %get3A_1344] {strides = array<i32>} : memref<32x128xf32, #tpu.memory_space<vmem>>, vector<16xf32>,
    %mul3A_1346 = arith.mulf %gather3A_563, %get3A_1345 : vector<16xf32>
    %add3A_1347 = arith.addf %add3A_1341, %mul3A_1346 : vector<16xf32>
    %get3A_1348 = arith.constant 14 : i32
    %get3A_1349 = arith.index_cast %get3A_1348 : i32 to index
    %get3A_1350 = arith.constant 112 : index
    %get3A_1351 = tpu.vector_load %arg7[%get3A_1349, %get3A_1350] {strides = array<i32>} : memref<32x128xf32, #tpu.memory_space<vmem>>, vector<16xf32>,
    %mul3A_1352 = arith.mulf %gather3A_567, %get3A_1351 : vector<16xf32>
    %add3A_1353 = arith.addf %add3A_1347, %mul3A_1352 : vector<16xf32>
    %get3A_1354 = arith.constant 15 : i32
    %get3A_1355 = arith.index_cast %get3A_1354 : i32 to index
    %get3A_1356 = arith.constant 112 : index
    %get3A_1357 = tpu.vector_load %arg7[%get3A_1355, %get3A_1356] {strides = array<i32>} : memref<32x128xf32, #tpu.memory_space<vmem>>, vector<16xf32>,
    %mul3A_1358 = arith.mulf %gather3A_571, %get3A_1357 : vector<16xf32>
    %add3A_1359 = arith.addf %add3A_1353, %mul3A_1358 : vector<16xf32>
    %swap3A_1360 = arith.constant 0 : i32
    %swap3A_1361 = arith.index_cast %swap3A_1360 : i32 to index
    %swap3A_1362 = arith.constant 112 : index
    %swap3A_1363 = tpu.vector_load %arg8[%swap3A_1361, %swap3A_1362] {strides = array<i32>} : memref<2x128xf32, #tpu.memory_space<vmem>>, vector<16xf32>,
    tpu.vector_store %arg8[%swap3A_1361, %swap3A_1362], %add3A_1359 {strides = array<i32>} : memref<2x128xf32, #tpu.memory_space<vmem>>, vector<16xf32>,
    %add3A_1364 = arith.constant 16 : i32
    %add3A_1365 = vector.broadcast %add3A_1364 : i32 to vector<16xi32>
    %add3A_1366 = arith.addi %mul3A_507, %add3A_1365 : vector<16xi32>
    %gather3A_1367 = tpu.vector_load_idx %arg6[%add3A_1366] : memref<32xf32, #tpu.memory_space<vmem>>[vector<16xi32>], vector<16xf32>,
    %add3A_1368 = arith.constant 17 : i32
    %add3A_1369 = vector.broadcast %add3A_1368 : i32 to vector<16xi32>
    %add3A_1370 = arith.addi %mul3A_507, %add3A_1369 : vector<16xi32>
    %gather3A_1371 = tpu.vector_load_idx %arg6[%add3A_1370] : memref<32xf32, #tpu.memory_space<vmem>>[vector<16xi32>], vector<16xf32>,
    %add3A_1372 = arith.constant 18 : i32
    %add3A_1373 = vector.broadcast %add3A_1372 : i32 to vector<16xi32>
    %add3A_1374 = arith.addi %mul3A_507, %add3A_1373 : vector<16xi32>
    %gather3A_1375 = tpu.vector_load_idx %arg6[%add3A_1374] : memref<32xf32, #tpu.memory_space<vmem>>[vector<16xi32>], vector<16xf32>,
    %add3A_1376 = arith.constant 19 : i32
    %add3A_1377 = vector.broadcast %add3A_1376 : i32 to vector<16xi32>
    %add3A_1378 = arith.addi %mul3A_507, %add3A_1377 : vector<16xi32>
    %gather3A_1379 = tpu.vector_load_idx %arg6[%add3A_1378] : memref<32xf32, #tpu.memory_space<vmem>>[vector<16xi32>], vector<16xf32>,
    %add3A_1380 = arith.constant 20 : i32
    %add3A_1381 = vector.broadcast %add3A_1380 : i32 to vector<16xi32>
    %add3A_1382 = arith.addi %mul3A_507, %add3A_1381 : vector<16xi32>
    %gather3A_1383 = tpu.vector_load_idx %arg6[%add3A_1382] : memref<32xf32, #tpu.memory_space<vmem>>[vector<16xi32>], vector<16xf32>,
    %add3A_1384 = arith.constant 21 : i32
    %add3A_1385 = vector.broadcast %add3A_1384 : i32 to vector<16xi32>
    %add3A_1386 = arith.addi %mul3A_507, %add3A_1385 : vector<16xi32>
    %gather3A_1387 = tpu.vector_load_idx %arg6[%add3A_1386] : memref<32xf32, #tpu.memory_space<vmem>>[vector<16xi32>], vector<16xf32>,
    %add3A_1388 = arith.constant 22 : i32
    %add3A_1389 = vector.broadcast %add3A_1388 : i32 to vector<16xi32>
    %add3A_1390 = arith.addi %mul3A_507, %add3A_1389 : vector<16xi32>
    %gather3A_1391 = tpu.vector_load_idx %arg6[%add3A_1390] : memref<32xf32, #tpu.memory_space<vmem>>[vector<16xi32>], vector<16xf32>,
    %add3A_1392 = arith.constant 23 : i32
    %add3A_1393 = vector.broadcast %add3A_1392 : i32 to vector<16xi32>
    %add3A_1394 = arith.addi %mul3A_507, %add3A_1393 : vector<16xi32>
    %gather3A_1395 = tpu.vector_load_idx %arg6[%add3A_1394] : memref<32xf32, #tpu.memory_space<vmem>>[vector<16xi32>], vector<16xf32>,
    %add3A_1396 = arith.constant 24 : i32
    %add3A_1397 = vector.broadcast %add3A_1396 : i32 to vector<16xi32>
    %add3A_1398 = arith.addi %mul3A_507, %add3A_1397 : vector<16xi32>
    %gather3A_1399 = tpu.vector_load_idx %arg6[%add3A_1398] : memref<32xf32, #tpu.memory_space<vmem>>[vector<16xi32>], vector<16xf32>,
    %add3A_1400 = arith.constant 25 : i32
    %add3A_1401 = vector.broadcast %add3A_1400 : i32 to vector<16xi32>
    %add3A_1402 = arith.addi %mul3A_507, %add3A_1401 : vector<16xi32>
    %gather3A_1403 = tpu.vector_load_idx %arg6[%add3A_1402] : memref<32xf32, #tpu.memory_space<vmem>>[vector<16xi32>], vector<16xf32>,
    %add3A_1404 = arith.constant 26 : i32
    %add3A_1405 = vector.broadcast %add3A_1404 : i32 to vector<16xi32>
    %add3A_1406 = arith.addi %mul3A_507, %add3A_1405 : vector<16xi32>
    %gather3A_1407 = tpu.vector_load_idx %arg6[%add3A_1406] : memref<32xf32, #tpu.memory_space<vmem>>[vector<16xi32>], vector<16xf32>,
    %add3A_1408 = arith.constant 27 : i32
    %add3A_1409 = vector.broadcast %add3A_1408 : i32 to vector<16xi32>
    %add3A_1410 = arith.addi %mul3A_507, %add3A_1409 : vector<16xi32>
    %gather3A_1411 = tpu.vector_load_idx %arg6[%add3A_1410] : memref<32xf32, #tpu.memory_space<vmem>>[vector<16xi32>], vector<16xf32>,
    %add3A_1412 = arith.constant 28 : i32
    %add3A_1413 = vector.broadcast %add3A_1412 : i32 to vector<16xi32>
    %add3A_1414 = arith.addi %mul3A_507, %add3A_1413 : vector<16xi32>
    %gather3A_1415 = tpu.vector_load_idx %arg6[%add3A_1414] : memref<32xf32, #tpu.memory_space<vmem>>[vector<16xi32>], vector<16xf32>,
    %add3A_1416 = arith.constant 29 : i32
    %add3A_1417 = vector.broadcast %add3A_1416 : i32 to vector<16xi32>
    %add3A_1418 = arith.addi %mul3A_507, %add3A_1417 : vector<16xi32>
    %gather3A_1419 = tpu.vector_load_idx %arg6[%add3A_1418] : memref<32xf32, #tpu.memory_space<vmem>>[vector<16xi32>], vector<16xf32>,
    %add3A_1420 = arith.constant 30 : i32
    %add3A_1421 = vector.broadcast %add3A_1420 : i32 to vector<16xi32>
    %add3A_1422 = arith.addi %mul3A_507, %add3A_1421 : vector<16xi32>
    %gather3A_1423 = tpu.vector_load_idx %arg6[%add3A_1422] : memref<32xf32, #tpu.memory_space<vmem>>[vector<16xi32>], vector<16xf32>,
    %add3A_1424 = arith.constant 31 : i32
    %add3A_1425 = vector.broadcast %add3A_1424 : i32 to vector<16xi32>
    %add3A_1426 = arith.addi %mul3A_507, %add3A_1425 : vector<16xi32>
    %gather3A_1427 = tpu.vector_load_idx %arg6[%add3A_1426] : memref<32xf32, #tpu.memory_space<vmem>>[vector<16xi32>], vector<16xf32>,
    %get3A_1428 = arith.constant 16 : i32
    %get3A_1429 = arith.index_cast %get3A_1428 : i32 to index
    %get3A_1430 = arith.constant 0 : index
    %get3A_1431 = tpu.vector_load %arg7[%get3A_1429, %get3A_1430] {strides = array<i32>} : memref<32x128xf32, #tpu.memory_space<vmem>>, vector<16xf32>,
    %mul3A_1432 = arith.mulf %gather3A_1367, %get3A_1431 : vector<16xf32>
    %get3A_1433 = arith.constant 17 : i32
    %get3A_1434 = arith.index_cast %get3A_1433 : i32 to index
    %get3A_1435 = arith.constant 0 : index
    %get3A_1436 = tpu.vector_load %arg7[%get3A_1434, %get3A_1435] {strides = array<i32>} : memref<32x128xf32, #tpu.memory_space<vmem>>, vector<16xf32>,
    %mul3A_1437 = arith.mulf %gather3A_1371, %get3A_1436 : vector<16xf32>
    %add3A_1438 = arith.addf %mul3A_1432, %mul3A_1437 : vector<16xf32>
    %get3A_1439 = arith.constant 18 : i32
    %get3A_1440 = arith.index_cast %get3A_1439 : i32 to index
    %get3A_1441 = arith.constant 0 : index
    %get3A_1442 = tpu.vector_load %arg7[%get3A_1440, %get3A_1441] {strides = array<i32>} : memref<32x128xf32, #tpu.memory_space<vmem>>, vector<16xf32>,
    %mul3A_1443 = arith.mulf %gather3A_1375, %get3A_1442 : vector<16xf32>
    %add3A_1444 = arith.addf %add3A_1438, %mul3A_1443 : vector<16xf32>
    %get3A_1445 = arith.constant 19 : i32
    %get3A_1446 = arith.index_cast %get3A_1445 : i32 to index
    %get3A_1447 = arith.constant 0 : index
    %get3A_1448 = tpu.vector_load %arg7[%get3A_1446, %get3A_1447] {strides = array<i32>} : memref<32x128xf32, #tpu.memory_space<vmem>>, vector<16xf32>,
    %mul3A_1449 = arith.mulf %gather3A_1379, %get3A_1448 : vector<16xf32>
    %add3A_1450 = arith.addf %add3A_1444, %mul3A_1449 : vector<16xf32>
    %get3A_1451 = arith.constant 20 : i32
    %get3A_1452 = arith.index_cast %get3A_1451 : i32 to index
    %get3A_1453 = arith.constant 0 : index
    %get3A_1454 = tpu.vector_load %arg7[%get3A_1452, %get3A_1453] {strides = array<i32>} : memref<32x128xf32, #tpu.memory_space<vmem>>, vector<16xf32>,
    %mul3A_1455 = arith.mulf %gather3A_1383, %get3A_1454 : vector<16xf32>
    %add3A_1456 = arith.addf %add3A_1450, %mul3A_1455 : vector<16xf32>
    %get3A_1457 = arith.constant 21 : i32
    %get3A_1458 = arith.index_cast %get3A_1457 : i32 to index
    %get3A_1459 = arith.constant 0 : index
    %get3A_1460 = tpu.vector_load %arg7[%get3A_1458, %get3A_1459] {strides = array<i32>} : memref<32x128xf32, #tpu.memory_space<vmem>>, vector<16xf32>,
    %mul3A_1461 = arith.mulf %gather3A_1387, %get3A_1460 : vector<16xf32>
    %add3A_1462 = arith.addf %add3A_1456, %mul3A_1461 : vector<16xf32>
    %get3A_1463 = arith.constant 22 : i32
    %get3A_1464 = arith.index_cast %get3A_1463 : i32 to index
    %get3A_1465 = arith.constant 0 : index
    %get3A_1466 = tpu.vector_load %arg7[%get3A_1464, %get3A_1465] {strides = array<i32>} : memref<32x128xf32, #tpu.memory_space<vmem>>, vector<16xf32>,
    %mul3A_1467 = arith.mulf %gather3A_1391, %get3A_1466 : vector<16xf32>
    %add3A_1468 = arith.addf %add3A_1462, %mul3A_1467 : vector<16xf32>
    %get3A_1469 = arith.constant 23 : i32
    %get3A_1470 = arith.index_cast %get3A_1469 : i32 to index
    %get3A_1471 = arith.constant 0 : index
    %get3A_1472 = tpu.vector_load %arg7[%get3A_1470, %get3A_1471] {strides = array<i32>} : memref<32x128xf32, #tpu.memory_space<vmem>>, vector<16xf32>,
    %mul3A_1473 = arith.mulf %gather3A_1395, %get3A_1472 : vector<16xf32>
    %add3A_1474 = arith.addf %add3A_1468, %mul3A_1473 : vector<16xf32>
    %get3A_1475 = arith.constant 24 : i32
    %get3A_1476 = arith.index_cast %get3A_1475 : i32 to index
    %get3A_1477 = arith.constant 0 : index
    %get3A_1478 = tpu.vector_load %arg7[%get3A_1476, %get3A_1477] {strides = array<i32>} : memref<32x128xf32, #tpu.memory_space<vmem>>, vector<16xf32>,
    %mul3A_1479 = arith.mulf %gather3A_1399, %get3A_1478 : vector<16xf32>
    %add3A_1480 = arith.addf %add3A_1474, %mul3A_1479 : vector<16xf32>
    %get3A_1481 = arith.constant 25 : i32
    %get3A_1482 = arith.index_cast %get3A_1481 : i32 to index
    %get3A_1483 = arith.constant 0 : index
    %get3A_1484 = tpu.vector_load %arg7[%get3A_1482, %get3A_1483] {strides = array<i32>} : memref<32x128xf32, #tpu.memory_space<vmem>>, vector<16xf32>,
    %mul3A_1485 = arith.mulf %gather3A_1403, %get3A_1484 : vector<16xf32>
    %add3A_1486 = arith.addf %add3A_1480, %mul3A_1485 : vector<16xf32>
    %get3A_1487 = arith.constant 26 : i32
    %get3A_1488 = arith.index_cast %get3A_1487 : i32 to index
    %get3A_1489 = arith.constant 0 : index
    %get3A_1490 = tpu.vector_load %arg7[%get3A_1488, %get3A_1489] {strides = array<i32>} : memref<32x128xf32, #tpu.memory_space<vmem>>, vector<16xf32>,
    %mul3A_1491 = arith.mulf %gather3A_1407, %get3A_1490 : vector<16xf32>
    %add3A_1492 = arith.addf %add3A_1486, %mul3A_1491 : vector<16xf32>
    %get3A_1493 = arith.constant 27 : i32
    %get3A_1494 = arith.index_cast %get3A_1493 : i32 to index
    %get3A_1495 = arith.constant 0 : index
    %get3A_1496 = tpu.vector_load %arg7[%get3A_1494, %get3A_1495] {strides = array<i32>} : memref<32x128xf32, #tpu.memory_space<vmem>>, vector<16xf32>,
    %mul3A_1497 = arith.mulf %gather3A_1411, %get3A_1496 : vector<16xf32>
    %add3A_1498 = arith.addf %add3A_1492, %mul3A_1497 : vector<16xf32>
    %get3A_1499 = arith.constant 28 : i32
    %get3A_1500 = arith.index_cast %get3A_1499 : i32 to index
    %get3A_1501 = arith.constant 0 : index
    %get3A_1502 = tpu.vector_load %arg7[%get3A_1500, %get3A_1501] {strides = array<i32>} : memref<32x128xf32, #tpu.memory_space<vmem>>, vector<16xf32>,
    %mul3A_1503 = arith.mulf %gather3A_1415, %get3A_1502 : vector<16xf32>
    %add3A_1504 = arith.addf %add3A_1498, %mul3A_1503 : vector<16xf32>
    %get3A_1505 = arith.constant 29 : i32
    %get3A_1506 = arith.index_cast %get3A_1505 : i32 to index
    %get3A_1507 = arith.constant 0 : index
    %get3A_1508 = tpu.vector_load %arg7[%get3A_1506, %get3A_1507] {strides = array<i32>} : memref<32x128xf32, #tpu.memory_space<vmem>>, vector<16xf32>,
    %mul3A_1509 = arith.mulf %gather3A_1419, %get3A_1508 : vector<16xf32>
    %add3A_1510 = arith.addf %add3A_1504, %mul3A_1509 : vector<16xf32>
    %get3A_1511 = arith.constant 30 : i32
    %get3A_1512 = arith.index_cast %get3A_1511 : i32 to index
    %get3A_1513 = arith.constant 0 : index
    %get3A_1514 = tpu.vector_load %arg7[%get3A_1512, %get3A_1513] {strides = array<i32>} : memref<32x128xf32, #tpu.memory_space<vmem>>, vector<16xf32>,
    %mul3A_1515 = arith.mulf %gather3A_1423, %get3A_1514 : vector<16xf32>
    %add3A_1516 = arith.addf %add3A_1510, %mul3A_1515 : vector<16xf32>
    %get3A_1517 = arith.constant 31 : i32
    %get3A_1518 = arith.index_cast %get3A_1517 : i32 to index
    %get3A_1519 = arith.constant 0 : index
    %get3A_1520 = tpu.vector_load %arg7[%get3A_1518, %get3A_1519] {strides = array<i32>} : memref<32x128xf32, #tpu.memory_space<vmem>>, vector<16xf32>,
    %mul3A_1521 = arith.mulf %gather3A_1427, %get3A_1520 : vector<16xf32>
    %add3A_1522 = arith.addf %add3A_1516, %mul3A_1521 : vector<16xf32>
    %swap3A_1523 = arith.constant 1 : i32
    %swap3A_1524 = arith.index_cast %swap3A_1523 : i32 to index
    %swap3A_1525 = arith.constant 0 : index
    %swap3A_1526 = tpu.vector_load %arg8[%swap3A_1524, %swap3A_1525] {strides = array<i32>} : memref<2x128xf32, #tpu.memory_space<vmem>>, vector<16xf32>,
    tpu.vector_store %arg8[%swap3A_1524, %swap3A_1525], %add3A_1522 {strides = array<i32>} : memref<2x128xf32, #tpu.memory_space<vmem>>, vector<16xf32>,
    %get3A_1527 = arith.constant 16 : i32
    %get3A_1528 = arith.index_cast %get3A_1527 : i32 to index
    %get3A_1529 = arith.constant 16 : index
    %get3A_1530 = tpu.vector_load %arg7[%get3A_1528, %get3A_1529] {strides = array<i32>} : memref<32x128xf32, #tpu.memory_space<vmem>>, vector<16xf32>,
    %mul3A_1531 = arith.mulf %gather3A_1367, %get3A_1530 : vector<16xf32>
    %get3A_1532 = arith.constant 17 : i32
    %get3A_1533 = arith.index_cast %get3A_1532 : i32 to index
    %get3A_1534 = arith.constant 16 : index
    %get3A_1535 = tpu.vector_load %arg7[%get3A_1533, %get3A_1534] {strides = array<i32>} : memref<32x128xf32, #tpu.memory_space<vmem>>, vector<16xf32>,
    %mul3A_1536 = arith.mulf %gather3A_1371, %get3A_1535 : vector<16xf32>
    %add3A_1537 = arith.addf %mul3A_1531, %mul3A_1536 : vector<16xf32>
    %get3A_1538 = arith.constant 18 : i32
    %get3A_1539 = arith.index_cast %get3A_1538 : i32 to index
    %get3A_1540 = arith.constant 16 : index
    %get3A_1541 = tpu.vector_load %arg7[%get3A_1539, %get3A_1540] {strides = array<i32>} : memref<32x128xf32, #tpu.memory_space<vmem>>, vector<16xf32>,
    %mul3A_1542 = arith.mulf %gather3A_1375, %get3A_1541 : vector<16xf32>
    %add3A_1543 = arith.addf %add3A_1537, %mul3A_1542 : vector<16xf32>
    %get3A_1544 = arith.constant 19 : i32
    %get3A_1545 = arith.index_cast %get3A_1544 : i32 to index
    %get3A_1546 = arith.constant 16 : index
    %get3A_1547 = tpu.vector_load %arg7[%get3A_1545, %get3A_1546] {strides = array<i32>} : memref<32x128xf32, #tpu.memory_space<vmem>>, vector<16xf32>,
    %mul3A_1548 = arith.mulf %gather3A_1379, %get3A_1547 : vector<16xf32>
    %add3A_1549 = arith.addf %add3A_1543, %mul3A_1548 : vector<16xf32>
    %get3A_1550 = arith.constant 20 : i32
    %get3A_1551 = arith.index_cast %get3A_1550 : i32 to index
    %get3A_1552 = arith.constant 16 : index
    %get3A_1553 = tpu.vector_load %arg7[%get3A_1551, %get3A_1552] {strides = array<i32>} : memref<32x128xf32, #tpu.memory_space<vmem>>, vector<16xf32>,
    %mul3A_1554 = arith.mulf %gather3A_1383, %get3A_1553 : vector<16xf32>
    %add3A_1555 = arith.addf %add3A_1549, %mul3A_1554 : vector<16xf32>
    %get3A_1556 = arith.constant 21 : i32
    %get3A_1557 = arith.index_cast %get3A_1556 : i32 to index
    %get3A_1558 = arith.constant 16 : index
    %get3A_1559 = tpu.vector_load %arg7[%get3A_1557, %get3A_1558] {strides = array<i32>} : memref<32x128xf32, #tpu.memory_space<vmem>>, vector<16xf32>,
    %mul3A_1560 = arith.mulf %gather3A_1387, %get3A_1559 : vector<16xf32>
    %add3A_1561 = arith.addf %add3A_1555, %mul3A_1560 : vector<16xf32>
    %get3A_1562 = arith.constant 22 : i32
    %get3A_1563 = arith.index_cast %get3A_1562 : i32 to index
    %get3A_1564 = arith.constant 16 : index
    %get3A_1565 = tpu.vector_load %arg7[%get3A_1563, %get3A_1564] {strides = array<i32>} : memref<32x128xf32, #tpu.memory_space<vmem>>, vector<16xf32>,
    %mul3A_1566 = arith.mulf %gather3A_1391, %get3A_1565 : vector<16xf32>
    %add3A_1567 = arith.addf %add3A_1561, %mul3A_1566 : vector<16xf32>
    %get3A_1568 = arith.constant 23 : i32
    %get3A_1569 = arith.index_cast %get3A_1568 : i32 to index
    %get3A_1570 = arith.constant 16 : index
    %get3A_1571 = tpu.vector_load %arg7[%get3A_1569, %get3A_1570] {strides = array<i32>} : memref<32x128xf32, #tpu.memory_space<vmem>>, vector<16xf32>,
    %mul3A_1572 = arith.mulf %gather3A_1395, %get3A_1571 : vector<16xf32>
    %add3A_1573 = arith.addf %add3A_1567, %mul3A_1572 : vector<16xf32>
    %get3A_1574 = arith.constant 24 : i32
    %get3A_1575 = arith.index_cast %get3A_1574 : i32 to index
    %get3A_1576 = arith.constant 16 : index
    %get3A_1577 = tpu.vector_load %arg7[%get3A_1575, %get3A_1576] {strides = array<i32>} : memref<32x128xf32, #tpu.memory_space<vmem>>, vector<16xf32>,
    %mul3A_1578 = arith.mulf %gather3A_1399, %get3A_1577 : vector<16xf32>
    %add3A_1579 = arith.addf %add3A_1573, %mul3A_1578 : vector<16xf32>
    %get3A_1580 = arith.constant 25 : i32
    %get3A_1581 = arith.index_cast %get3A_1580 : i32 to index
    %get3A_1582 = arith.constant 16 : index
    %get3A_1583 = tpu.vector_load %arg7[%get3A_1581, %get3A_1582] {strides = array<i32>} : memref<32x128xf32, #tpu.memory_space<vmem>>, vector<16xf32>,
    %mul3A_1584 = arith.mulf %gather3A_1403, %get3A_1583 : vector<16xf32>
    %add3A_1585 = arith.addf %add3A_1579, %mul3A_1584 : vector<16xf32>
    %get3A_1586 = arith.constant 26 : i32
    %get3A_1587 = arith.index_cast %get3A_1586 : i32 to index
    %get3A_1588 = arith.constant 16 : index
    %get3A_1589 = tpu.vector_load %arg7[%get3A_1587, %get3A_1588] {strides = array<i32>} : memref<32x128xf32, #tpu.memory_space<vmem>>, vector<16xf32>,
    %mul3A_1590 = arith.mulf %gather3A_1407, %get3A_1589 : vector<16xf32>
    %add3A_1591 = arith.addf %add3A_1585, %mul3A_1590 : vector<16xf32>
    %get3A_1592 = arith.constant 27 : i32
    %get3A_1593 = arith.index_cast %get3A_1592 : i32 to index
    %get3A_1594 = arith.constant 16 : index
    %get3A_1595 = tpu.vector_load %arg7[%get3A_1593, %get3A_1594] {strides = array<i32>} : memref<32x128xf32, #tpu.memory_space<vmem>>, vector<16xf32>,
    %mul3A_1596 = arith.mulf %gather3A_1411, %get3A_1595 : vector<16xf32>
    %add3A_1597 = arith.addf %add3A_1591, %mul3A_1596 : vector<16xf32>
    %get3A_1598 = arith.constant 28 : i32
    %get3A_1599 = arith.index_cast %get3A_1598 : i32 to index
    %get3A_1600 = arith.constant 16 : index
    %get3A_1601 = tpu.vector_load %arg7[%get3A_1599, %get3A_1600] {strides = array<i32>} : memref<32x128xf32, #tpu.memory_space<vmem>>, vector<16xf32>,
    %mul3A_1602 = arith.mulf %gather3A_1415, %get3A_1601 : vector<16xf32>
    %add3A_1603 = arith.addf %add3A_1597, %mul3A_1602 : vector<16xf32>
    %get3A_1604 = arith.constant 29 : i32
    %get3A_1605 = arith.index_cast %get3A_1604 : i32 to index
    %get3A_1606 = arith.constant 16 : index
    %get3A_1607 = tpu.vector_load %arg7[%get3A_1605, %get3A_1606] {strides = array<i32>} : memref<32x128xf32, #tpu.memory_space<vmem>>, vector<16xf32>,
    %mul3A_1608 = arith.mulf %gather3A_1419, %get3A_1607 : vector<16xf32>
    %add3A_1609 = arith.addf %add3A_1603, %mul3A_1608 : vector<16xf32>
    %get3A_1610 = arith.constant 30 : i32
    %get3A_1611 = arith.index_cast %get3A_1610 : i32 to index
    %get3A_1612 = arith.constant 16 : index
    %get3A_1613 = tpu.vector_load %arg7[%get3A_1611, %get3A_1612] {strides = array<i32>} : memref<32x128xf32, #tpu.memory_space<vmem>>, vector<16xf32>,
    %mul3A_1614 = arith.mulf %gather3A_1423, %get3A_1613 : vector<16xf32>
    %add3A_1615 = arith.addf %add3A_1609, %mul3A_1614 : vector<16xf32>
    %get3A_1616 = arith.constant 31 : i32
    %get3A_1617 = arith.index_cast %get3A_1616 : i32 to index
    %get3A_1618 = arith.constant 16 : index
    %get3A_1619 = tpu.vector_load %arg7[%get3A_1617, %get3A_1618] {strides = array<i32>} : memref<32x128xf32, #tpu.memory_space<vmem>>, vector<16xf32>,
    %mul3A_1620 = arith.mulf %gather3A_1427, %get3A_1619 : vector<16xf32>
    %add3A_1621 = arith.addf %add3A_1615, %mul3A_1620 : vector<16xf32>
    %swap3A_1622 = arith.constant 1 : i32
    %swap3A_1623 = arith.index_cast %swap3A_1622 : i32 to index
    %swap3A_1624 = arith.constant 16 : index
    %swap3A_1625 = tpu.vector_load %arg8[%swap3A_1623, %swap3A_1624] {strides = array<i32>} : memref<2x128xf32, #tpu.memory_space<vmem>>, vector<16xf32>,
    tpu.vector_store %arg8[%swap3A_1623, %swap3A_1624], %add3A_1621 {strides = array<i32>} : memref<2x128xf32, #tpu.memory_space<vmem>>, vector<16xf32>,
    %get3A_1626 = arith.constant 16 : i32
    %get3A_1627 = arith.index_cast %get3A_1626 : i32 to index
    %get3A_1628 = arith.constant 32 : index
    %get3A_1629 = tpu.vector_load %arg7[%get3A_1627, %get3A_1628] {strides = array<i32>} : memref<32x128xf32, #tpu.memory_space<vmem>>, vector<16xf32>,
    %mul3A_1630 = arith.mulf %gather3A_1367, %get3A_1629 : vector<16xf32>
    %get3A_1631 = arith.constant 17 : i32
    %get3A_1632 = arith.index_cast %get3A_1631 : i32 to index
    %get3A_1633 = arith.constant 32 : index
    %get3A_1634 = tpu.vector_load %arg7[%get3A_1632, %get3A_1633] {strides = array<i32>} : memref<32x128xf32, #tpu.memory_space<vmem>>, vector<16xf32>,
    %mul3A_1635 = arith.mulf %gather3A_1371, %get3A_1634 : vector<16xf32>
    %add3A_1636 = arith.addf %mul3A_1630, %mul3A_1635 : vector<16xf32>
    %get3A_1637 = arith.constant 18 : i32
    %get3A_1638 = arith.index_cast %get3A_1637 : i32 to index
    %get3A_1639 = arith.constant 32 : index
    %get3A_1640 = tpu.vector_load %arg7[%get3A_1638, %get3A_1639] {strides = array<i32>} : memref<32x128xf32, #tpu.memory_space<vmem>>, vector<16xf32>,
    %mul3A_1641 = arith.mulf %gather3A_1375, %get3A_1640 : vector<16xf32>
    %add3A_1642 = arith.addf %add3A_1636, %mul3A_1641 : vector<16xf32>
    %get3A_1643 = arith.constant 19 : i32
    %get3A_1644 = arith.index_cast %get3A_1643 : i32 to index
    %get3A_1645 = arith.constant 32 : index
    %get3A_1646 = tpu.vector_load %arg7[%get3A_1644, %get3A_1645] {strides = array<i32>} : memref<32x128xf32, #tpu.memory_space<vmem>>, vector<16xf32>,
    %mul3A_1647 = arith.mulf %gather3A_1379, %get3A_1646 : vector<16xf32>
    %add3A_1648 = arith.addf %add3A_1642, %mul3A_1647 : vector<16xf32>
    %get3A_1649 = arith.constant 20 : i32
    %get3A_1650 = arith.index_cast %get3A_1649 : i32 to index
    %get3A_1651 = arith.constant 32 : index
    %get3A_1652 = tpu.vector_load %arg7[%get3A_1650, %get3A_1651] {strides = array<i32>} : memref<32x128xf32, #tpu.memory_space<vmem>>, vector<16xf32>,
    %mul3A_1653 = arith.mulf %gather3A_1383, %get3A_1652 : vector<16xf32>
    %add3A_1654 = arith.addf %add3A_1648, %mul3A_1653 : vector<16xf32>
    %get3A_1655 = arith.constant 21 : i32
    %get3A_1656 = arith.index_cast %get3A_1655 : i32 to index
    %get3A_1657 = arith.constant 32 : index
    %get3A_1658 = tpu.vector_load %arg7[%get3A_1656, %get3A_1657] {strides = array<i32>} : memref<32x128xf32, #tpu.memory_space<vmem>>, vector<16xf32>,
    %mul3A_1659 = arith.mulf %gather3A_1387, %get3A_1658 : vector<16xf32>
    %add3A_1660 = arith.addf %add3A_1654, %mul3A_1659 : vector<16xf32>
    %get3A_1661 = arith.constant 22 : i32
    %get3A_1662 = arith.index_cast %get3A_1661 : i32 to index
    %get3A_1663 = arith.constant 32 : index
    %get3A_1664 = tpu.vector_load %arg7[%get3A_1662, %get3A_1663] {strides = array<i32>} : memref<32x128xf32, #tpu.memory_space<vmem>>, vector<16xf32>,
    %mul3A_1665 = arith.mulf %gather3A_1391, %get3A_1664 : vector<16xf32>
    %add3A_1666 = arith.addf %add3A_1660, %mul3A_1665 : vector<16xf32>
    %get3A_1667 = arith.constant 23 : i32
    %get3A_1668 = arith.index_cast %get3A_1667 : i32 to index
    %get3A_1669 = arith.constant 32 : index
    %get3A_1670 = tpu.vector_load %arg7[%get3A_1668, %get3A_1669] {strides = array<i32>} : memref<32x128xf32, #tpu.memory_space<vmem>>, vector<16xf32>,
    %mul3A_1671 = arith.mulf %gather3A_1395, %get3A_1670 : vector<16xf32>
    %add3A_1672 = arith.addf %add3A_1666, %mul3A_1671 : vector<16xf32>
    %get3A_1673 = arith.constant 24 : i32
    %get3A_1674 = arith.index_cast %get3A_1673 : i32 to index
    %get3A_1675 = arith.constant 32 : index
    %get3A_1676 = tpu.vector_load %arg7[%get3A_1674, %get3A_1675] {strides = array<i32>} : memref<32x128xf32, #tpu.memory_space<vmem>>, vector<16xf32>,
    %mul3A_1677 = arith.mulf %gather3A_1399, %get3A_1676 : vector<16xf32>
    %add3A_1678 = arith.addf %add3A_1672, %mul3A_1677 : vector<16xf32>
    %get3A_1679 = arith.constant 25 : i32
    %get3A_1680 = arith.index_cast %get3A_1679 : i32 to index
    %get3A_1681 = arith.constant 32 : index
    %get3A_1682 = tpu.vector_load %arg7[%get3A_1680, %get3A_1681] {strides = array<i32>} : memref<32x128xf32, #tpu.memory_space<vmem>>, vector<16xf32>,
    %mul3A_1683 = arith.mulf %gather3A_1403, %get3A_1682 : vector<16xf32>
    %add3A_1684 = arith.addf %add3A_1678, %mul3A_1683 : vector<16xf32>
    %get3A_1685 = arith.constant 26 : i32
    %get3A_1686 = arith.index_cast %get3A_1685 : i32 to index
    %get3A_1687 = arith.constant 32 : index
    %get3A_1688 = tpu.vector_load %arg7[%get3A_1686, %get3A_1687] {strides = array<i32>} : memref<32x128xf32, #tpu.memory_space<vmem>>, vector<16xf32>,
    %mul3A_1689 = arith.mulf %gather3A_1407, %get3A_1688 : vector<16xf32>
    %add3A_1690 = arith.addf %add3A_1684, %mul3A_1689 : vector<16xf32>
    %get3A_1691 = arith.constant 27 : i32
    %get3A_1692 = arith.index_cast %get3A_1691 : i32 to index
    %get3A_1693 = arith.constant 32 : index
    %get3A_1694 = tpu.vector_load %arg7[%get3A_1692, %get3A_1693] {strides = array<i32>} : memref<32x128xf32, #tpu.memory_space<vmem>>, vector<16xf32>,
    %mul3A_1695 = arith.mulf %gather3A_1411, %get3A_1694 : vector<16xf32>
    %add3A_1696 = arith.addf %add3A_1690, %mul3A_1695 : vector<16xf32>
    %get3A_1697 = arith.constant 28 : i32
    %get3A_1698 = arith.index_cast %get3A_1697 : i32 to index
    %get3A_1699 = arith.constant 32 : index
    %get3A_1700 = tpu.vector_load %arg7[%get3A_1698, %get3A_1699] {strides = array<i32>} : memref<32x128xf32, #tpu.memory_space<vmem>>, vector<16xf32>,
    %mul3A_1701 = arith.mulf %gather3A_1415, %get3A_1700 : vector<16xf32>
    %add3A_1702 = arith.addf %add3A_1696, %mul3A_1701 : vector<16xf32>
    %get3A_1703 = arith.constant 29 : i32
    %get3A_1704 = arith.index_cast %get3A_1703 : i32 to index
    %get3A_1705 = arith.constant 32 : index
    %get3A_1706 = tpu.vector_load %arg7[%get3A_1704, %get3A_1705] {strides = array<i32>} : memref<32x128xf32, #tpu.memory_space<vmem>>, vector<16xf32>,
    %mul3A_1707 = arith.mulf %gather3A_1419, %get3A_1706 : vector<16xf32>
    %add3A_1708 = arith.addf %add3A_1702, %mul3A_1707 : vector<16xf32>
    %get3A_1709 = arith.constant 30 : i32
    %get3A_1710 = arith.index_cast %get3A_1709 : i32 to index
    %get3A_1711 = arith.constant 32 : index
    %get3A_1712 = tpu.vector_load %arg7[%get3A_1710, %get3A_1711] {strides = array<i32>} : memref<32x128xf32, #tpu.memory_space<vmem>>, vector<16xf32>,
    %mul3A_1713 = arith.mulf %gather3A_1423, %get3A_1712 : vector<16xf32>
    %add3A_1714 = arith.addf %add3A_1708, %mul3A_1713 : vector<16xf32>
    %get3A_1715 = arith.constant 31 : i32
    %get3A_1716 = arith.index_cast %get3A_1715 : i32 to index
    %get3A_1717 = arith.constant 32 : index
    %get3A_1718 = tpu.vector_load %arg7[%get3A_1716, %get3A_1717] {strides = array<i32>} : memref<32x128xf32, #tpu.memory_space<vmem>>, vector<16xf32>,
    %mul3A_1719 = arith.mulf %gather3A_1427, %get3A_1718 : vector<16xf32>
    %add3A_1720 = arith.addf %add3A_1714, %mul3A_1719 : vector<16xf32>
    %swap3A_1721 = arith.constant 1 : i32
    %swap3A_1722 = arith.index_cast %swap3A_1721 : i32 to index
    %swap3A_1723 = arith.constant 32 : index
    %swap3A_1724 = tpu.vector_load %arg8[%swap3A_1722, %swap3A_1723] {strides = array<i32>} : memref<2x128xf32, #tpu.memory_space<vmem>>, vector<16xf32>,
    tpu.vector_store %arg8[%swap3A_1722, %swap3A_1723], %add3A_1720 {strides = array<i32>} : memref<2x128xf32, #tpu.memory_space<vmem>>, vector<16xf32>,
    %get3A_1725 = arith.constant 16 : i32
    %get3A_1726 = arith.index_cast %get3A_1725 : i32 to index
    %get3A_1727 = arith.constant 48 : index
    %get3A_1728 = tpu.vector_load %arg7[%get3A_1726, %get3A_1727] {strides = array<i32>} : memref<32x128xf32, #tpu.memory_space<vmem>>, vector<16xf32>,
    %mul3A_1729 = arith.mulf %gather3A_1367, %get3A_1728 : vector<16xf32>
    %get3A_1730 = arith.constant 17 : i32
    %get3A_1731 = arith.index_cast %get3A_1730 : i32 to index
    %get3A_1732 = arith.constant 48 : index
    %get3A_1733 = tpu.vector_load %arg7[%get3A_1731, %get3A_1732] {strides = array<i32>} : memref<32x128xf32, #tpu.memory_space<vmem>>, vector<16xf32>,
    %mul3A_1734 = arith.mulf %gather3A_1371, %get3A_1733 : vector<16xf32>
    %add3A_1735 = arith.addf %mul3A_1729, %mul3A_1734 : vector<16xf32>
    %get3A_1736 = arith.constant 18 : i32
    %get3A_1737 = arith.index_cast %get3A_1736 : i32 to index
    %get3A_1738 = arith.constant 48 : index
    %get3A_1739 = tpu.vector_load %arg7[%get3A_1737, %get3A_1738] {strides = array<i32>} : memref<32x128xf32, #tpu.memory_space<vmem>>, vector<16xf32>,
    %mul3A_1740 = arith.mulf %gather3A_1375, %get3A_1739 : vector<16xf32>
    %add3A_1741 = arith.addf %add3A_1735, %mul3A_1740 : vector<16xf32>
    %get3A_1742 = arith.constant 19 : i32
    %get3A_1743 = arith.index_cast %get3A_1742 : i32 to index
    %get3A_1744 = arith.constant 48 : index
    %get3A_1745 = tpu.vector_load %arg7[%get3A_1743, %get3A_1744] {strides = array<i32>} : memref<32x128xf32, #tpu.memory_space<vmem>>, vector<16xf32>,
    %mul3A_1746 = arith.mulf %gather3A_1379, %get3A_1745 : vector<16xf32>
    %add3A_1747 = arith.addf %add3A_1741, %mul3A_1746 : vector<16xf32>
    %get3A_1748 = arith.constant 20 : i32
    %get3A_1749 = arith.index_cast %get3A_1748 : i32 to index
    %get3A_1750 = arith.constant 48 : index
    %get3A_1751 = tpu.vector_load %arg7[%get3A_1749, %get3A_1750] {strides = array<i32>} : memref<32x128xf32, #tpu.memory_space<vmem>>, vector<16xf32>,
    %mul3A_1752 = arith.mulf %gather3A_1383, %get3A_1751 : vector<16xf32>
    %add3A_1753 = arith.addf %add3A_1747, %mul3A_1752 : vector<16xf32>
    %get3A_1754 = arith.constant 21 : i32
    %get3A_1755 = arith.index_cast %get3A_1754 : i32 to index
    %get3A_1756 = arith.constant 48 : index
    %get3A_1757 = tpu.vector_load %arg7[%get3A_1755, %get3A_1756] {strides = array<i32>} : memref<32x128xf32, #tpu.memory_space<vmem>>, vector<16xf32>,
    %mul3A_1758 = arith.mulf %gather3A_1387, %get3A_1757 : vector<16xf32>
    %add3A_1759 = arith.addf %add3A_1753, %mul3A_1758 : vector<16xf32>
    %get3A_1760 = arith.constant 22 : i32
    %get3A_1761 = arith.index_cast %get3A_1760 : i32 to index
    %get3A_1762 = arith.constant 48 : index
    %get3A_1763 = tpu.vector_load %arg7[%get3A_1761, %get3A_1762] {strides = array<i32>} : memref<32x128xf32, #tpu.memory_space<vmem>>, vector<16xf32>,
    %mul3A_1764 = arith.mulf %gather3A_1391, %get3A_1763 : vector<16xf32>
    %add3A_1765 = arith.addf %add3A_1759, %mul3A_1764 : vector<16xf32>
    %get3A_1766 = arith.constant 23 : i32
    %get3A_1767 = arith.index_cast %get3A_1766 : i32 to index
    %get3A_1768 = arith.constant 48 : index
    %get3A_1769 = tpu.vector_load %arg7[%get3A_1767, %get3A_1768] {strides = array<i32>} : memref<32x128xf32, #tpu.memory_space<vmem>>, vector<16xf32>,
    %mul3A_1770 = arith.mulf %gather3A_1395, %get3A_1769 : vector<16xf32>
    %add3A_1771 = arith.addf %add3A_1765, %mul3A_1770 : vector<16xf32>
    %get3A_1772 = arith.constant 24 : i32
    %get3A_1773 = arith.index_cast %get3A_1772 : i32 to index
    %get3A_1774 = arith.constant 48 : index
    %get3A_1775 = tpu.vector_load %arg7[%get3A_1773, %get3A_1774] {strides = array<i32>} : memref<32x128xf32, #tpu.memory_space<vmem>>, vector<16xf32>,
    %mul3A_1776 = arith.mulf %gather3A_1399, %get3A_1775 : vector<16xf32>
    %add3A_1777 = arith.addf %add3A_1771, %mul3A_1776 : vector<16xf32>
    %get3A_1778 = arith.constant 25 : i32
    %get3A_1779 = arith.index_cast %get3A_1778 : i32 to index
    %get3A_1780 = arith.constant 48 : index
    %get3A_1781 = tpu.vector_load %arg7[%get3A_1779, %get3A_1780] {strides = array<i32>} : memref<32x128xf32, #tpu.memory_space<vmem>>, vector<16xf32>,
    %mul3A_1782 = arith.mulf %gather3A_1403, %get3A_1781 : vector<16xf32>
    %add3A_1783 = arith.addf %add3A_1777, %mul3A_1782 : vector<16xf32>
    %get3A_1784 = arith.constant 26 : i32
    %get3A_1785 = arith.index_cast %get3A_1784 : i32 to index
    %get3A_1786 = arith.constant 48 : index
    %get3A_1787 = tpu.vector_load %arg7[%get3A_1785, %get3A_1786] {strides = array<i32>} : memref<32x128xf32, #tpu.memory_space<vmem>>, vector<16xf32>,
    %mul3A_1788 = arith.mulf %gather3A_1407, %get3A_1787 : vector<16xf32>
    %add3A_1789 = arith.addf %add3A_1783, %mul3A_1788 : vector<16xf32>
    %get3A_1790 = arith.constant 27 : i32
    %get3A_1791 = arith.index_cast %get3A_1790 : i32 to index
    %get3A_1792 = arith.constant 48 : index
    %get3A_1793 = tpu.vector_load %arg7[%get3A_1791, %get3A_1792] {strides = array<i32>} : memref<32x128xf32, #tpu.memory_space<vmem>>, vector<16xf32>,
    %mul3A_1794 = arith.mulf %gather3A_1411, %get3A_1793 : vector<16xf32>
    %add3A_1795 = arith.addf %add3A_1789, %mul3A_1794 : vector<16xf32>
    %get3A_1796 = arith.constant 28 : i32
    %get3A_1797 = arith.index_cast %get3A_1796 : i32 to index
    %get3A_1798 = arith.constant 48 : index
    %get3A_1799 = tpu.vector_load %arg7[%get3A_1797, %get3A_1798] {strides = array<i32>} : memref<32x128xf32, #tpu.memory_space<vmem>>, vector<16xf32>,
    %mul3A_1800 = arith.mulf %gather3A_1415, %get3A_1799 : vector<16xf32>
    %add3A_1801 = arith.addf %add3A_1795, %mul3A_1800 : vector<16xf32>
    %get3A_1802 = arith.constant 29 : i32
    %get3A_1803 = arith.index_cast %get3A_1802 : i32 to index
    %get3A_1804 = arith.constant 48 : index
    %get3A_1805 = tpu.vector_load %arg7[%get3A_1803, %get3A_1804] {strides = array<i32>} : memref<32x128xf32, #tpu.memory_space<vmem>>, vector<16xf32>,
    %mul3A_1806 = arith.mulf %gather3A_1419, %get3A_1805 : vector<16xf32>
    %add3A_1807 = arith.addf %add3A_1801, %mul3A_1806 : vector<16xf32>
    %get3A_1808 = arith.constant 30 : i32
    %get3A_1809 = arith.index_cast %get3A_1808 : i32 to index
    %get3A_1810 = arith.constant 48 : index
    %get3A_1811 = tpu.vector_load %arg7[%get3A_1809, %get3A_1810] {strides = array<i32>} : memref<32x128xf32, #tpu.memory_space<vmem>>, vector<16xf32>,
    %mul3A_1812 = arith.mulf %gather3A_1423, %get3A_1811 : vector<16xf32>
    %add3A_1813 = arith.addf %add3A_1807, %mul3A_1812 : vector<16xf32>
    %get3A_1814 = arith.constant 31 : i32
    %get3A_1815 = arith.index_cast %get3A_1814 : i32 to index
    %get3A_1816 = arith.constant 48 : index
    %get3A_1817 = tpu.vector_load %arg7[%get3A_1815, %get3A_1816] {strides = array<i32>} : memref<32x128xf32, #tpu.memory_space<vmem>>, vector<16xf32>,
    %mul3A_1818 = arith.mulf %gather3A_1427, %get3A_1817 : vector<16xf32>
    %add3A_1819 = arith.addf %add3A_1813, %mul3A_1818 : vector<16xf32>
    %swap3A_1820 = arith.constant 1 : i32
    %swap3A_1821 = arith.index_cast %swap3A_1820 : i32 to index
    %swap3A_1822 = arith.constant 48 : index
    %swap3A_1823 = tpu.vector_load %arg8[%swap3A_1821, %swap3A_1822] {strides = array<i32>} : memref<2x128xf32, #tpu.memory_space<vmem>>, vector<16xf32>,
    tpu.vector_store %arg8[%swap3A_1821, %swap3A_1822], %add3A_1819 {strides = array<i32>} : memref<2x128xf32, #tpu.memory_space<vmem>>, vector<16xf32>,
    %get3A_1824 = arith.constant 16 : i32
    %get3A_1825 = arith.index_cast %get3A_1824 : i32 to index
    %get3A_1826 = arith.constant 64 : index
    %get3A_1827 = tpu.vector_load %arg7[%get3A_1825, %get3A_1826] {strides = array<i32>} : memref<32x128xf32, #tpu.memory_space<vmem>>, vector<16xf32>,
    %mul3A_1828 = arith.mulf %gather3A_1367, %get3A_1827 : vector<16xf32>
    %get3A_1829 = arith.constant 17 : i32
    %get3A_1830 = arith.index_cast %get3A_1829 : i32 to index
    %get3A_1831 = arith.constant 64 : index
    %get3A_1832 = tpu.vector_load %arg7[%get3A_1830, %get3A_1831] {strides = array<i32>} : memref<32x128xf32, #tpu.memory_space<vmem>>, vector<16xf32>,
    %mul3A_1833 = arith.mulf %gather3A_1371, %get3A_1832 : vector<16xf32>
    %add3A_1834 = arith.addf %mul3A_1828, %mul3A_1833 : vector<16xf32>
    %get3A_1835 = arith.constant 18 : i32
    %get3A_1836 = arith.index_cast %get3A_1835 : i32 to index
    %get3A_1837 = arith.constant 64 : index
    %get3A_1838 = tpu.vector_load %arg7[%get3A_1836, %get3A_1837] {strides = array<i32>} : memref<32x128xf32, #tpu.memory_space<vmem>>, vector<16xf32>,
    %mul3A_1839 = arith.mulf %gather3A_1375, %get3A_1838 : vector<16xf32>
    %add3A_1840 = arith.addf %add3A_1834, %mul3A_1839 : vector<16xf32>
    %get3A_1841 = arith.constant 19 : i32
    %get3A_1842 = arith.index_cast %get3A_1841 : i32 to index
    %get3A_1843 = arith.constant 64 : index
    %get3A_1844 = tpu.vector_load %arg7[%get3A_1842, %get3A_1843] {strides = array<i32>} : memref<32x128xf32, #tpu.memory_space<vmem>>, vector<16xf32>,
    %mul3A_1845 = arith.mulf %gather3A_1379, %get3A_1844 : vector<16xf32>
    %add3A_1846 = arith.addf %add3A_1840, %mul3A_1845 : vector<16xf32>
    %get3A_1847 = arith.constant 20 : i32
    %get3A_1848 = arith.index_cast %get3A_1847 : i32 to index
    %get3A_1849 = arith.constant 64 : index
    %get3A_1850 = tpu.vector_load %arg7[%get3A_1848, %get3A_1849] {strides = array<i32>} : memref<32x128xf32, #tpu.memory_space<vmem>>, vector<16xf32>,
    %mul3A_1851 = arith.mulf %gather3A_1383, %get3A_1850 : vector<16xf32>
    %add3A_1852 = arith.addf %add3A_1846, %mul3A_1851 : vector<16xf32>
    %get3A_1853 = arith.constant 21 : i32
    %get3A_1854 = arith.index_cast %get3A_1853 : i32 to index
    %get3A_1855 = arith.constant 64 : index
    %get3A_1856 = tpu.vector_load %arg7[%get3A_1854, %get3A_1855] {strides = array<i32>} : memref<32x128xf32, #tpu.memory_space<vmem>>, vector<16xf32>,
    %mul3A_1857 = arith.mulf %gather3A_1387, %get3A_1856 : vector<16xf32>
    %add3A_1858 = arith.addf %add3A_1852, %mul3A_1857 : vector<16xf32>
    %get3A_1859 = arith.constant 22 : i32
    %get3A_1860 = arith.index_cast %get3A_1859 : i32 to index
    %get3A_1861 = arith.constant 64 : index
    %get3A_1862 = tpu.vector_load %arg7[%get3A_1860, %get3A_1861] {strides = array<i32>} : memref<32x128xf32, #tpu.memory_space<vmem>>, vector<16xf32>,
    %mul3A_1863 = arith.mulf %gather3A_1391, %get3A_1862 : vector<16xf32>
    %add3A_1864 = arith.addf %add3A_1858, %mul3A_1863 : vector<16xf32>
    %get3A_1865 = arith.constant 23 : i32
    %get3A_1866 = arith.index_cast %get3A_1865 : i32 to index
    %get3A_1867 = arith.constant 64 : index
    %get3A_1868 = tpu.vector_load %arg7[%get3A_1866, %get3A_1867] {strides = array<i32>} : memref<32x128xf32, #tpu.memory_space<vmem>>, vector<16xf32>,
    %mul3A_1869 = arith.mulf %gather3A_1395, %get3A_1868 : vector<16xf32>
    %add3A_1870 = arith.addf %add3A_1864, %mul3A_1869 : vector<16xf32>
    %get3A_1871 = arith.constant 24 : i32
    %get3A_1872 = arith.index_cast %get3A_1871 : i32 to index
    %get3A_1873 = arith.constant 64 : index
    %get3A_1874 = tpu.vector_load %arg7[%get3A_1872, %get3A_1873] {strides = array<i32>} : memref<32x128xf32, #tpu.memory_space<vmem>>, vector<16xf32>,
    %mul3A_1875 = arith.mulf %gather3A_1399, %get3A_1874 : vector<16xf32>
    %add3A_1876 = arith.addf %add3A_1870, %mul3A_1875 : vector<16xf32>
    %get3A_1877 = arith.constant 25 : i32
    %get3A_1878 = arith.index_cast %get3A_1877 : i32 to index
    %get3A_1879 = arith.constant 64 : index
    %get3A_1880 = tpu.vector_load %arg7[%get3A_1878, %get3A_1879] {strides = array<i32>} : memref<32x128xf32, #tpu.memory_space<vmem>>, vector<16xf32>,
    %mul3A_1881 = arith.mulf %gather3A_1403, %get3A_1880 : vector<16xf32>
    %add3A_1882 = arith.addf %add3A_1876, %mul3A_1881 : vector<16xf32>
    %get3A_1883 = arith.constant 26 : i32
    %get3A_1884 = arith.index_cast %get3A_1883 : i32 to index
    %get3A_1885 = arith.constant 64 : index
    %get3A_1886 = tpu.vector_load %arg7[%get3A_1884, %get3A_1885] {strides = array<i32>} : memref<32x128xf32, #tpu.memory_space<vmem>>, vector<16xf32>,
    %mul3A_1887 = arith.mulf %gather3A_1407, %get3A_1886 : vector<16xf32>
    %add3A_1888 = arith.addf %add3A_1882, %mul3A_1887 : vector<16xf32>
    %get3A_1889 = arith.constant 27 : i32
    %get3A_1890 = arith.index_cast %get3A_1889 : i32 to index
    %get3A_1891 = arith.constant 64 : index
    %get3A_1892 = tpu.vector_load %arg7[%get3A_1890, %get3A_1891] {strides = array<i32>} : memref<32x128xf32, #tpu.memory_space<vmem>>, vector<16xf32>,
    %mul3A_1893 = arith.mulf %gather3A_1411, %get3A_1892 : vector<16xf32>
    %add3A_1894 = arith.addf %add3A_1888, %mul3A_1893 : vector<16xf32>
    %get3A_1895 = arith.constant 28 : i32
    %get3A_1896 = arith.index_cast %get3A_1895 : i32 to index
    %get3A_1897 = arith.constant 64 : index
    %get3A_1898 = tpu.vector_load %arg7[%get3A_1896, %get3A_1897] {strides = array<i32>} : memref<32x128xf32, #tpu.memory_space<vmem>>, vector<16xf32>,
    %mul3A_1899 = arith.mulf %gather3A_1415, %get3A_1898 : vector<16xf32>
    %add3A_1900 = arith.addf %add3A_1894, %mul3A_1899 : vector<16xf32>
    %get3A_1901 = arith.constant 29 : i32
    %get3A_1902 = arith.index_cast %get3A_1901 : i32 to index
    %get3A_1903 = arith.constant 64 : index
    %get3A_1904 = tpu.vector_load %arg7[%get3A_1902, %get3A_1903] {strides = array<i32>} : memref<32x128xf32, #tpu.memory_space<vmem>>, vector<16xf32>,
    %mul3A_1905 = arith.mulf %gather3A_1419, %get3A_1904 : vector<16xf32>
    %add3A_1906 = arith.addf %add3A_1900, %mul3A_1905 : vector<16xf32>
    %get3A_1907 = arith.constant 30 : i32
    %get3A_1908 = arith.index_cast %get3A_1907 : i32 to index
    %get3A_1909 = arith.constant 64 : index
    %get3A_1910 = tpu.vector_load %arg7[%get3A_1908, %get3A_1909] {strides = array<i32>} : memref<32x128xf32, #tpu.memory_space<vmem>>, vector<16xf32>,
    %mul3A_1911 = arith.mulf %gather3A_1423, %get3A_1910 : vector<16xf32>
    %add3A_1912 = arith.addf %add3A_1906, %mul3A_1911 : vector<16xf32>
    %get3A_1913 = arith.constant 31 : i32
    %get3A_1914 = arith.index_cast %get3A_1913 : i32 to index
    %get3A_1915 = arith.constant 64 : index
    %get3A_1916 = tpu.vector_load %arg7[%get3A_1914, %get3A_1915] {strides = array<i32>} : memref<32x128xf32, #tpu.memory_space<vmem>>, vector<16xf32>,
    %mul3A_1917 = arith.mulf %gather3A_1427, %get3A_1916 : vector<16xf32>
    %add3A_1918 = arith.addf %add3A_1912, %mul3A_1917 : vector<16xf32>
    %swap3A_1919 = arith.constant 1 : i32
    %swap3A_1920 = arith.index_cast %swap3A_1919 : i32 to index
    %swap3A_1921 = arith.constant 64 : index
    %swap3A_1922 = tpu.vector_load %arg8[%swap3A_1920, %swap3A_1921] {strides = array<i32>} : memref<2x128xf32, #tpu.memory_space<vmem>>, vector<16xf32>,
    tpu.vector_store %arg8[%swap3A_1920, %swap3A_1921], %add3A_1918 {strides = array<i32>} : memref<2x128xf32, #tpu.memory_space<vmem>>, vector<16xf32>,
    %get3A_1923 = arith.constant 16 : i32
    %get3A_1924 = arith.index_cast %get3A_1923 : i32 to index
    %get3A_1925 = arith.constant 80 : index
    %get3A_1926 = tpu.vector_load %arg7[%get3A_1924, %get3A_1925] {strides = array<i32>} : memref<32x128xf32, #tpu.memory_space<vmem>>, vector<16xf32>,
    %mul3A_1927 = arith.mulf %gather3A_1367, %get3A_1926 : vector<16xf32>
    %get3A_1928 = arith.constant 17 : i32
    %get3A_1929 = arith.index_cast %get3A_1928 : i32 to index
    %get3A_1930 = arith.constant 80 : index
    %get3A_1931 = tpu.vector_load %arg7[%get3A_1929, %get3A_1930] {strides = array<i32>} : memref<32x128xf32, #tpu.memory_space<vmem>>, vector<16xf32>,
    %mul3A_1932 = arith.mulf %gather3A_1371, %get3A_1931 : vector<16xf32>
    %add3A_1933 = arith.addf %mul3A_1927, %mul3A_1932 : vector<16xf32>
    %get3A_1934 = arith.constant 18 : i32
    %get3A_1935 = arith.index_cast %get3A_1934 : i32 to index
    %get3A_1936 = arith.constant 80 : index
    %get3A_1937 = tpu.vector_load %arg7[%get3A_1935, %get3A_1936] {strides = array<i32>} : memref<32x128xf32, #tpu.memory_space<vmem>>, vector<16xf32>,
    %mul3A_1938 = arith.mulf %gather3A_1375, %get3A_1937 : vector<16xf32>
    %add3A_1939 = arith.addf %add3A_1933, %mul3A_1938 : vector<16xf32>
    %get3A_1940 = arith.constant 19 : i32
    %get3A_1941 = arith.index_cast %get3A_1940 : i32 to index
    %get3A_1942 = arith.constant 80 : index
    %get3A_1943 = tpu.vector_load %arg7[%get3A_1941, %get3A_1942] {strides = array<i32>} : memref<32x128xf32, #tpu.memory_space<vmem>>, vector<16xf32>,
    %mul3A_1944 = arith.mulf %gather3A_1379, %get3A_1943 : vector<16xf32>
    %add3A_1945 = arith.addf %add3A_1939, %mul3A_1944 : vector<16xf32>
    %get3A_1946 = arith.constant 20 : i32
    %get3A_1947 = arith.index_cast %get3A_1946 : i32 to index
    %get3A_1948 = arith.constant 80 : index
    %get3A_1949 = tpu.vector_load %arg7[%get3A_1947, %get3A_1948] {strides = array<i32>} : memref<32x128xf32, #tpu.memory_space<vmem>>, vector<16xf32>,
    %mul3A_1950 = arith.mulf %gather3A_1383, %get3A_1949 : vector<16xf32>
    %add3A_1951 = arith.addf %add3A_1945, %mul3A_1950 : vector<16xf32>
    %get3A_1952 = arith.constant 21 : i32
    %get3A_1953 = arith.index_cast %get3A_1952 : i32 to index
    %get3A_1954 = arith.constant 80 : index
    %get3A_1955 = tpu.vector_load %arg7[%get3A_1953, %get3A_1954] {strides = array<i32>} : memref<32x128xf32, #tpu.memory_space<vmem>>, vector<16xf32>,
    %mul3A_1956 = arith.mulf %gather3A_1387, %get3A_1955 : vector<16xf32>
    %add3A_1957 = arith.addf %add3A_1951, %mul3A_1956 : vector<16xf32>
    %get3A_1958 = arith.constant 22 : i32
    %get3A_1959 = arith.index_cast %get3A_1958 : i32 to index
    %get3A_1960 = arith.constant 80 : index
    %get3A_1961 = tpu.vector_load %arg7[%get3A_1959, %get3A_1960] {strides = array<i32>} : memref<32x128xf32, #tpu.memory_space<vmem>>, vector<16xf32>,
    %mul3A_1962 = arith.mulf %gather3A_1391, %get3A_1961 : vector<16xf32>
    %add3A_1963 = arith.addf %add3A_1957, %mul3A_1962 : vector<16xf32>
    %get3A_1964 = arith.constant 23 : i32
    %get3A_1965 = arith.index_cast %get3A_1964 : i32 to index
    %get3A_1966 = arith.constant 80 : index
    %get3A_1967 = tpu.vector_load %arg7[%get3A_1965, %get3A_1966] {strides = array<i32>} : memref<32x128xf32, #tpu.memory_space<vmem>>, vector<16xf32>,
    %mul3A_1968 = arith.mulf %gather3A_1395, %get3A_1967 : vector<16xf32>
    %add3A_1969 = arith.addf %add3A_1963, %mul3A_1968 : vector<16xf32>
    %get3A_1970 = arith.constant 24 : i32
    %get3A_1971 = arith.index_cast %get3A_1970 : i32 to index
    %get3A_1972 = arith.constant 80 : index
    %get3A_1973 = tpu.vector_load %arg7[%get3A_1971, %get3A_1972] {strides = array<i32>} : memref<32x128xf32, #tpu.memory_space<vmem>>, vector<16xf32>,
    %mul3A_1974 = arith.mulf %gather3A_1399, %get3A_1973 : vector<16xf32>
    %add3A_1975 = arith.addf %add3A_1969, %mul3A_1974 : vector<16xf32>
    %get3A_1976 = arith.constant 25 : i32
    %get3A_1977 = arith.index_cast %get3A_1976 : i32 to index
    %get3A_1978 = arith.constant 80 : index
    %get3A_1979 = tpu.vector_load %arg7[%get3A_1977, %get3A_1978] {strides = array<i32>} : memref<32x128xf32, #tpu.memory_space<vmem>>, vector<16xf32>,
    %mul3A_1980 = arith.mulf %gather3A_1403, %get3A_1979 : vector<16xf32>
    %add3A_1981 = arith.addf %add3A_1975, %mul3A_1980 : vector<16xf32>
    %get3A_1982 = arith.constant 26 : i32
    %get3A_1983 = arith.index_cast %get3A_1982 : i32 to index
    %get3A_1984 = arith.constant 80 : index
    %get3A_1985 = tpu.vector_load %arg7[%get3A_1983, %get3A_1984] {strides = array<i32>} : memref<32x128xf32, #tpu.memory_space<vmem>>, vector<16xf32>,
    %mul3A_1986 = arith.mulf %gather3A_1407, %get3A_1985 : vector<16xf32>
    %add3A_1987 = arith.addf %add3A_1981, %mul3A_1986 : vector<16xf32>
    %get3A_1988 = arith.constant 27 : i32
    %get3A_1989 = arith.index_cast %get3A_1988 : i32 to index
    %get3A_1990 = arith.constant 80 : index
    %get3A_1991 = tpu.vector_load %arg7[%get3A_1989, %get3A_1990] {strides = array<i32>} : memref<32x128xf32, #tpu.memory_space<vmem>>, vector<16xf32>,
    %mul3A_1992 = arith.mulf %gather3A_1411, %get3A_1991 : vector<16xf32>
    %add3A_1993 = arith.addf %add3A_1987, %mul3A_1992 : vector<16xf32>
    %get3A_1994 = arith.constant 28 : i32
    %get3A_1995 = arith.index_cast %get3A_1994 : i32 to index
    %get3A_1996 = arith.constant 80 : index
    %get3A_1997 = tpu.vector_load %arg7[%get3A_1995, %get3A_1996] {strides = array<i32>} : memref<32x128xf32, #tpu.memory_space<vmem>>, vector<16xf32>,
    %mul3A_1998 = arith.mulf %gather3A_1415, %get3A_1997 : vector<16xf32>
    %add3A_1999 = arith.addf %add3A_1993, %mul3A_1998 : vector<16xf32>
    %get3A_2000 = arith.constant 29 : i32
    %get3A_2001 = arith.index_cast %get3A_2000 : i32 to index
    %get3A_2002 = arith.constant 80 : index
    %get3A_2003 = tpu.vector_load %arg7[%get3A_2001, %get3A_2002] {strides = array<i32>} : memref<32x128xf32, #tpu.memory_space<vmem>>, vector<16xf32>,
    %mul3A_2004 = arith.mulf %gather3A_1419, %get3A_2003 : vector<16xf32>
    %add3A_2005 = arith.addf %add3A_1999, %mul3A_2004 : vector<16xf32>
    %get3A_2006 = arith.constant 30 : i32
    %get3A_2007 = arith.index_cast %get3A_2006 : i32 to index
    %get3A_2008 = arith.constant 80 : index
    %get3A_2009 = tpu.vector_load %arg7[%get3A_2007, %get3A_2008] {strides = array<i32>} : memref<32x128xf32, #tpu.memory_space<vmem>>, vector<16xf32>,
    %mul3A_2010 = arith.mulf %gather3A_1423, %get3A_2009 : vector<16xf32>
    %add3A_2011 = arith.addf %add3A_2005, %mul3A_2010 : vector<16xf32>
    %get3A_2012 = arith.constant 31 : i32
    %get3A_2013 = arith.index_cast %get3A_2012 : i32 to index
    %get3A_2014 = arith.constant 80 : index
    %get3A_2015 = tpu.vector_load %arg7[%get3A_2013, %get3A_2014] {strides = array<i32>} : memref<32x128xf32, #tpu.memory_space<vmem>>, vector<16xf32>,
    %mul3A_2016 = arith.mulf %gather3A_1427, %get3A_2015 : vector<16xf32>
    %add3A_2017 = arith.addf %add3A_2011, %mul3A_2016 : vector<16xf32>
    %swap3A_2018 = arith.constant 1 : i32
    %swap3A_2019 = arith.index_cast %swap3A_2018 : i32 to index
    %swap3A_2020 = arith.constant 80 : index
    %swap3A_2021 = tpu.vector_load %arg8[%swap3A_2019, %swap3A_2020] {strides = array<i32>} : memref<2x128xf32, #tpu.memory_space<vmem>>, vector<16xf32>,
    tpu.vector_store %arg8[%swap3A_2019, %swap3A_2020], %add3A_2017 {strides = array<i32>} : memref<2x128xf32, #tpu.memory_space<vmem>>, vector<16xf32>,
    %get3A_2022 = arith.constant 16 : i32
    %get3A_2023 = arith.index_cast %get3A_2022 : i32 to index
    %get3A_2024 = arith.constant 96 : index
    %get3A_2025 = tpu.vector_load %arg7[%get3A_2023, %get3A_2024] {strides = array<i32>} : memref<32x128xf32, #tpu.memory_space<vmem>>, vector<16xf32>,
    %mul3A_2026 = arith.mulf %gather3A_1367, %get3A_2025 : vector<16xf32>
    %get3A_2027 = arith.constant 17 : i32
    %get3A_2028 = arith.index_cast %get3A_2027 : i32 to index
    %get3A_2029 = arith.constant 96 : index
    %get3A_2030 = tpu.vector_load %arg7[%get3A_2028, %get3A_2029] {strides = array<i32>} : memref<32x128xf32, #tpu.memory_space<vmem>>, vector<16xf32>,
    %mul3A_2031 = arith.mulf %gather3A_1371, %get3A_2030 : vector<16xf32>
    %add3A_2032 = arith.addf %mul3A_2026, %mul3A_2031 : vector<16xf32>
    %get3A_2033 = arith.constant 18 : i32
    %get3A_2034 = arith.index_cast %get3A_2033 : i32 to index
    %get3A_2035 = arith.constant 96 : index
    %get3A_2036 = tpu.vector_load %arg7[%get3A_2034, %get3A_2035] {strides = array<i32>} : memref<32x128xf32, #tpu.memory_space<vmem>>, vector<16xf32>,
    %mul3A_2037 = arith.mulf %gather3A_1375, %get3A_2036 : vector<16xf32>
    %add3A_2038 = arith.addf %add3A_2032, %mul3A_2037 : vector<16xf32>
    %get3A_2039 = arith.constant 19 : i32
    %get3A_2040 = arith.index_cast %get3A_2039 : i32 to index
    %get3A_2041 = arith.constant 96 : index
    %get3A_2042 = tpu.vector_load %arg7[%get3A_2040, %get3A_2041] {strides = array<i32>} : memref<32x128xf32, #tpu.memory_space<vmem>>, vector<16xf32>,
    %mul3A_2043 = arith.mulf %gather3A_1379, %get3A_2042 : vector<16xf32>
    %add3A_2044 = arith.addf %add3A_2038, %mul3A_2043 : vector<16xf32>
    %get3A_2045 = arith.constant 20 : i32
    %get3A_2046 = arith.index_cast %get3A_2045 : i32 to index
    %get3A_2047 = arith.constant 96 : index
    %get3A_2048 = tpu.vector_load %arg7[%get3A_2046, %get3A_2047] {strides = array<i32>} : memref<32x128xf32, #tpu.memory_space<vmem>>, vector<16xf32>,
    %mul3A_2049 = arith.mulf %gather3A_1383, %get3A_2048 : vector<16xf32>
    %add3A_2050 = arith.addf %add3A_2044, %mul3A_2049 : vector<16xf32>
    %get3A_2051 = arith.constant 21 : i32
    %get3A_2052 = arith.index_cast %get3A_2051 : i32 to index
    %get3A_2053 = arith.constant 96 : index
    %get3A_2054 = tpu.vector_load %arg7[%get3A_2052, %get3A_2053] {strides = array<i32>} : memref<32x128xf32, #tpu.memory_space<vmem>>, vector<16xf32>,
    %mul3A_2055 = arith.mulf %gather3A_1387, %get3A_2054 : vector<16xf32>
    %add3A_2056 = arith.addf %add3A_2050, %mul3A_2055 : vector<16xf32>
    %get3A_2057 = arith.constant 22 : i32
    %get3A_2058 = arith.index_cast %get3A_2057 : i32 to index
    %get3A_2059 = arith.constant 96 : index
    %get3A_2060 = tpu.vector_load %arg7[%get3A_2058, %get3A_2059] {strides = array<i32>} : memref<32x128xf32, #tpu.memory_space<vmem>>, vector<16xf32>,
    %mul3A_2061 = arith.mulf %gather3A_1391, %get3A_2060 : vector<16xf32>
    %add3A_2062 = arith.addf %add3A_2056, %mul3A_2061 : vector<16xf32>
    %get3A_2063 = arith.constant 23 : i32
    %get3A_2064 = arith.index_cast %get3A_2063 : i32 to index
    %get3A_2065 = arith.constant 96 : index
    %get3A_2066 = tpu.vector_load %arg7[%get3A_2064, %get3A_2065] {strides = array<i32>} : memref<32x128xf32, #tpu.memory_space<vmem>>, vector<16xf32>,
    %mul3A_2067 = arith.mulf %gather3A_1395, %get3A_2066 : vector<16xf32>
    %add3A_2068 = arith.addf %add3A_2062, %mul3A_2067 : vector<16xf32>
    %get3A_2069 = arith.constant 24 : i32
    %get3A_2070 = arith.index_cast %get3A_2069 : i32 to index
    %get3A_2071 = arith.constant 96 : index
    %get3A_2072 = tpu.vector_load %arg7[%get3A_2070, %get3A_2071] {strides = array<i32>} : memref<32x128xf32, #tpu.memory_space<vmem>>, vector<16xf32>,
    %mul3A_2073 = arith.mulf %gather3A_1399, %get3A_2072 : vector<16xf32>
    %add3A_2074 = arith.addf %add3A_2068, %mul3A_2073 : vector<16xf32>
    %get3A_2075 = arith.constant 25 : i32
    %get3A_2076 = arith.index_cast %get3A_2075 : i32 to index
    %get3A_2077 = arith.constant 96 : index
    %get3A_2078 = tpu.vector_load %arg7[%get3A_2076, %get3A_2077] {strides = array<i32>} : memref<32x128xf32, #tpu.memory_space<vmem>>, vector<16xf32>,
    %mul3A_2079 = arith.mulf %gather3A_1403, %get3A_2078 : vector<16xf32>
    %add3A_2080 = arith.addf %add3A_2074, %mul3A_2079 : vector<16xf32>
    %get3A_2081 = arith.constant 26 : i32
    %get3A_2082 = arith.index_cast %get3A_2081 : i32 to index
    %get3A_2083 = arith.constant 96 : index
    %get3A_2084 = tpu.vector_load %arg7[%get3A_2082, %get3A_2083] {strides = array<i32>} : memref<32x128xf32, #tpu.memory_space<vmem>>, vector<16xf32>,
    %mul3A_2085 = arith.mulf %gather3A_1407, %get3A_2084 : vector<16xf32>
    %add3A_2086 = arith.addf %add3A_2080, %mul3A_2085 : vector<16xf32>
    %get3A_2087 = arith.constant 27 : i32
    %get3A_2088 = arith.index_cast %get3A_2087 : i32 to index
    %get3A_2089 = arith.constant 96 : index
    %get3A_2090 = tpu.vector_load %arg7[%get3A_2088, %get3A_2089] {strides = array<i32>} : memref<32x128xf32, #tpu.memory_space<vmem>>, vector<16xf32>,
    %mul3A_2091 = arith.mulf %gather3A_1411, %get3A_2090 : vector<16xf32>
    %add3A_2092 = arith.addf %add3A_2086, %mul3A_2091 : vector<16xf32>
    %get3A_2093 = arith.constant 28 : i32
    %get3A_2094 = arith.index_cast %get3A_2093 : i32 to index
    %get3A_2095 = arith.constant 96 : index
    %get3A_2096 = tpu.vector_load %arg7[%get3A_2094, %get3A_2095] {strides = array<i32>} : memref<32x128xf32, #tpu.memory_space<vmem>>, vector<16xf32>,
    %mul3A_2097 = arith.mulf %gather3A_1415, %get3A_2096 : vector<16xf32>
    %add3A_2098 = arith.addf %add3A_2092, %mul3A_2097 : vector<16xf32>
    %get3A_2099 = arith.constant 29 : i32
    %get3A_2100 = arith.index_cast %get3A_2099 : i32 to index
    %get3A_2101 = arith.constant 96 : index
    %get3A_2102 = tpu.vector_load %arg7[%get3A_2100, %get3A_2101] {strides = array<i32>} : memref<32x128xf32, #tpu.memory_space<vmem>>, vector<16xf32>,
    %mul3A_2103 = arith.mulf %gather3A_1419, %get3A_2102 : vector<16xf32>
    %add3A_2104 = arith.addf %add3A_2098, %mul3A_2103 : vector<16xf32>
    %get3A_2105 = arith.constant 30 : i32
    %get3A_2106 = arith.index_cast %get3A_2105 : i32 to index
    %get3A_2107 = arith.constant 96 : index
    %get3A_2108 = tpu.vector_load %arg7[%get3A_2106, %get3A_2107] {strides = array<i32>} : memref<32x128xf32, #tpu.memory_space<vmem>>, vector<16xf32>,
    %mul3A_2109 = arith.mulf %gather3A_1423, %get3A_2108 : vector<16xf32>
    %add3A_2110 = arith.addf %add3A_2104, %mul3A_2109 : vector<16xf32>
    %get3A_2111 = arith.constant 31 : i32
    %get3A_2112 = arith.index_cast %get3A_2111 : i32 to index
    %get3A_2113 = arith.constant 96 : index
    %get3A_2114 = tpu.vector_load %arg7[%get3A_2112, %get3A_2113] {strides = array<i32>} : memref<32x128xf32, #tpu.memory_space<vmem>>, vector<16xf32>,
    %mul3A_2115 = arith.mulf %gather3A_1427, %get3A_2114 : vector<16xf32>
    %add3A_2116 = arith.addf %add3A_2110, %mul3A_2115 : vector<16xf32>
    %swap3A_2117 = arith.constant 1 : i32
    %swap3A_2118 = arith.index_cast %swap3A_2117 : i32 to index
    %swap3A_2119 = arith.constant 96 : index
    %swap3A_2120 = tpu.vector_load %arg8[%swap3A_2118, %swap3A_2119] {strides = array<i32>} : memref<2x128xf32, #tpu.memory_space<vmem>>, vector<16xf32>,
    tpu.vector_store %arg8[%swap3A_2118, %swap3A_2119], %add3A_2116 {strides = array<i32>} : memref<2x128xf32, #tpu.memory_space<vmem>>, vector<16xf32>,
    %get3A_2121 = arith.constant 16 : i32
    %get3A_2122 = arith.index_cast %get3A_2121 : i32 to index
    %get3A_2123 = arith.constant 112 : index
    %get3A_2124 = tpu.vector_load %arg7[%get3A_2122, %get3A_2123] {strides = array<i32>} : memref<32x128xf32, #tpu.memory_space<vmem>>, vector<16xf32>,
    %mul3A_2125 = arith.mulf %gather3A_1367, %get3A_2124 : vector<16xf32>
    %get3A_2126 = arith.constant 17 : i32
    %get3A_2127 = arith.index_cast %get3A_2126 : i32 to index
    %get3A_2128 = arith.constant 112 : index
    %get3A_2129 = tpu.vector_load %arg7[%get3A_2127, %get3A_2128] {strides = array<i32>} : memref<32x128xf32, #tpu.memory_space<vmem>>, vector<16xf32>,
    %mul3A_2130 = arith.mulf %gather3A_1371, %get3A_2129 : vector<16xf32>
    %add3A_2131 = arith.addf %mul3A_2125, %mul3A_2130 : vector<16xf32>
    %get3A_2132 = arith.constant 18 : i32
    %get3A_2133 = arith.index_cast %get3A_2132 : i32 to index
    %get3A_2134 = arith.constant 112 : index
    %get3A_2135 = tpu.vector_load %arg7[%get3A_2133, %get3A_2134] {strides = array<i32>} : memref<32x128xf32, #tpu.memory_space<vmem>>, vector<16xf32>,
    %mul3A_2136 = arith.mulf %gather3A_1375, %get3A_2135 : vector<16xf32>
    %add3A_2137 = arith.addf %add3A_2131, %mul3A_2136 : vector<16xf32>
    %get3A_2138 = arith.constant 19 : i32
    %get3A_2139 = arith.index_cast %get3A_2138 : i32 to index
    %get3A_2140 = arith.constant 112 : index
    %get3A_2141 = tpu.vector_load %arg7[%get3A_2139, %get3A_2140] {strides = array<i32>} : memref<32x128xf32, #tpu.memory_space<vmem>>, vector<16xf32>,
    %mul3A_2142 = arith.mulf %gather3A_1379, %get3A_2141 : vector<16xf32>
    %add3A_2143 = arith.addf %add3A_2137, %mul3A_2142 : vector<16xf32>
    %get3A_2144 = arith.constant 20 : i32
    %get3A_2145 = arith.index_cast %get3A_2144 : i32 to index
    %get3A_2146 = arith.constant 112 : index
    %get3A_2147 = tpu.vector_load %arg7[%get3A_2145, %get3A_2146] {strides = array<i32>} : memref<32x128xf32, #tpu.memory_space<vmem>>, vector<16xf32>,
    %mul3A_2148 = arith.mulf %gather3A_1383, %get3A_2147 : vector<16xf32>
    %add3A_2149 = arith.addf %add3A_2143, %mul3A_2148 : vector<16xf32>
    %get3A_2150 = arith.constant 21 : i32
    %get3A_2151 = arith.index_cast %get3A_2150 : i32 to index
    %get3A_2152 = arith.constant 112 : index
    %get3A_2153 = tpu.vector_load %arg7[%get3A_2151, %get3A_2152] {strides = array<i32>} : memref<32x128xf32, #tpu.memory_space<vmem>>, vector<16xf32>,
    %mul3A_2154 = arith.mulf %gather3A_1387, %get3A_2153 : vector<16xf32>
    %add3A_2155 = arith.addf %add3A_2149, %mul3A_2154 : vector<16xf32>
    %get3A_2156 = arith.constant 22 : i32
    %get3A_2157 = arith.index_cast %get3A_2156 : i32 to index
    %get3A_2158 = arith.constant 112 : index
    %get3A_2159 = tpu.vector_load %arg7[%get3A_2157, %get3A_2158] {strides = array<i32>} : memref<32x128xf32, #tpu.memory_space<vmem>>, vector<16xf32>,
    %mul3A_2160 = arith.mulf %gather3A_1391, %get3A_2159 : vector<16xf32>
    %add3A_2161 = arith.addf %add3A_2155, %mul3A_2160 : vector<16xf32>
    %get3A_2162 = arith.constant 23 : i32
    %get3A_2163 = arith.index_cast %get3A_2162 : i32 to index
    %get3A_2164 = arith.constant 112 : index
    %get3A_2165 = tpu.vector_load %arg7[%get3A_2163, %get3A_2164] {strides = array<i32>} : memref<32x128xf32, #tpu.memory_space<vmem>>, vector<16xf32>,
    %mul3A_2166 = arith.mulf %gather3A_1395, %get3A_2165 : vector<16xf32>
    %add3A_2167 = arith.addf %add3A_2161, %mul3A_2166 : vector<16xf32>
    %get3A_2168 = arith.constant 24 : i32
    %get3A_2169 = arith.index_cast %get3A_2168 : i32 to index
    %get3A_2170 = arith.constant 112 : index
    %get3A_2171 = tpu.vector_load %arg7[%get3A_2169, %get3A_2170] {strides = array<i32>} : memref<32x128xf32, #tpu.memory_space<vmem>>, vector<16xf32>,
    %mul3A_2172 = arith.mulf %gather3A_1399, %get3A_2171 : vector<16xf32>
    %add3A_2173 = arith.addf %add3A_2167, %mul3A_2172 : vector<16xf32>
    %get3A_2174 = arith.constant 25 : i32
    %get3A_2175 = arith.index_cast %get3A_2174 : i32 to index
    %get3A_2176 = arith.constant 112 : index
    %get3A_2177 = tpu.vector_load %arg7[%get3A_2175, %get3A_2176] {strides = array<i32>} : memref<32x128xf32, #tpu.memory_space<vmem>>, vector<16xf32>,
    %mul3A_2178 = arith.mulf %gather3A_1403, %get3A_2177 : vector<16xf32>
    %add3A_2179 = arith.addf %add3A_2173, %mul3A_2178 : vector<16xf32>
    %get3A_2180 = arith.constant 26 : i32
    %get3A_2181 = arith.index_cast %get3A_2180 : i32 to index
    %get3A_2182 = arith.constant 112 : index
    %get3A_2183 = tpu.vector_load %arg7[%get3A_2181, %get3A_2182] {strides = array<i32>} : memref<32x128xf32, #tpu.memory_space<vmem>>, vector<16xf32>,
    %mul3A_2184 = arith.mulf %gather3A_1407, %get3A_2183 : vector<16xf32>
    %add3A_2185 = arith.addf %add3A_2179, %mul3A_2184 : vector<16xf32>
    %get3A_2186 = arith.constant 27 : i32
    %get3A_2187 = arith.index_cast %get3A_2186 : i32 to index
    %get3A_2188 = arith.constant 112 : index
    %get3A_2189 = tpu.vector_load %arg7[%get3A_2187, %get3A_2188] {strides = array<i32>} : memref<32x128xf32, #tpu.memory_space<vmem>>, vector<16xf32>,
    %mul3A_2190 = arith.mulf %gather3A_1411, %get3A_2189 : vector<16xf32>
    %add3A_2191 = arith.addf %add3A_2185, %mul3A_2190 : vector<16xf32>
    %get3A_2192 = arith.constant 28 : i32
    %get3A_2193 = arith.index_cast %get3A_2192 : i32 to index
    %get3A_2194 = arith.constant 112 : index
    %get3A_2195 = tpu.vector_load %arg7[%get3A_2193, %get3A_2194] {strides = array<i32>} : memref<32x128xf32, #tpu.memory_space<vmem>>, vector<16xf32>,
    %mul3A_2196 = arith.mulf %gather3A_1415, %get3A_2195 : vector<16xf32>
    %add3A_2197 = arith.addf %add3A_2191, %mul3A_2196 : vector<16xf32>
    %get3A_2198 = arith.constant 29 : i32
    %get3A_2199 = arith.index_cast %get3A_2198 : i32 to index
    %get3A_2200 = arith.constant 112 : index
    %get3A_2201 = tpu.vector_load %arg7[%get3A_2199, %get3A_2200] {strides = array<i32>} : memref<32x128xf32, #tpu.memory_space<vmem>>, vector<16xf32>,
    %mul3A_2202 = arith.mulf %gather3A_1419, %get3A_2201 : vector<16xf32>
    %add3A_2203 = arith.addf %add3A_2197, %mul3A_2202 : vector<16xf32>
    %get3A_2204 = arith.constant 30 : i32
    %get3A_2205 = arith.index_cast %get3A_2204 : i32 to index
    %get3A_2206 = arith.constant 112 : index
    %get3A_2207 = tpu.vector_load %arg7[%get3A_2205, %get3A_2206] {strides = array<i32>} : memref<32x128xf32, #tpu.memory_space<vmem>>, vector<16xf32>,
    %mul3A_2208 = arith.mulf %gather3A_1423, %get3A_2207 : vector<16xf32>
    %add3A_2209 = arith.addf %add3A_2203, %mul3A_2208 : vector<16xf32>
    %get3A_2210 = arith.constant 31 : i32
    %get3A_2211 = arith.index_cast %get3A_2210 : i32 to index
    %get3A_2212 = arith.constant 112 : index
    %get3A_2213 = tpu.vector_load %arg7[%get3A_2211, %get3A_2212] {strides = array<i32>} : memref<32x128xf32, #tpu.memory_space<vmem>>, vector<16xf32>,
    %mul3A_2214 = arith.mulf %gather3A_1427, %get3A_2213 : vector<16xf32>
    %add3A_2215 = arith.addf %add3A_2209, %mul3A_2214 : vector<16xf32>
    %swap3A_2216 = arith.constant 1 : i32
    %swap3A_2217 = arith.index_cast %swap3A_2216 : i32 to index
    %swap3A_2218 = arith.constant 112 : index
    %swap3A_2219 = tpu.vector_load %arg8[%swap3A_2217, %swap3A_2218] {strides = array<i32>} : memref<2x128xf32, #tpu.memory_space<vmem>>, vector<16xf32>,
    tpu.vector_store %arg8[%swap3A_2217, %swap3A_2218], %add3A_2215 {strides = array<i32>} : memref<2x128xf32, #tpu.memory_space<vmem>>, vector<16xf32>,
    %mul3A_2220 = arith.constant 2 : i32
    %mul3A_2221 = arith.muli %add3A, %mul3A_2220 : i32
    "tpu.region"() ({
      %run_scoped3A = tpu.sem_alloc : memref<!tpu.dma_semaphore, #tpu.memory_space<semaphore_mem>>
      %dma_start3A_2222 = arith.constant 0 : i32
      %dma_start3A_2223 = tpu.memref_slice %arg4[%mul3A_2221, %dma_start3A_2222] : memref<64x128xf32, #tpu.memory_space<hbm>> -> memref<2x128xf32, #tpu.memory_space<hbm>>
      %dma_start3A_2224 = arith.constant 0 : i32
      %dma_start3A_2225 = tpu.memref_slice %arg4[%mul3A_2221, %dma_start3A_2224] : memref<64x128xf32, #tpu.memory_space<hbm>> -> memref<2x128xf32, #tpu.memory_space<hbm>>
      tpu.enqueue_dma source(%arg8 : memref<2x128xf32, #tpu.memory_space<vmem>>) target(%dma_start3A_2225 : memref<2x128xf32, #tpu.memory_space<hbm>>) target_semaphore(%run_scoped3A : memref<!tpu.dma_semaphore, #tpu.memory_space<semaphore_mem>>)
      %dma_wait3A_2226 = arith.constant 0 : i32
      %dma_wait3A_2227 = tpu.memref_slice %arg4[%mul3A_2221, %dma_wait3A_2226] : memref<64x128xf32, #tpu.memory_space<hbm>> -> memref<2x128xf32, #tpu.memory_space<hbm>>
      %dma_wait3A_2228 = arith.constant 0 : i32
      %dma_wait3A_2229 = tpu.memref_slice %arg4[%mul3A_2221, %dma_wait3A_2228] : memref<64x128xf32, #tpu.memory_space<hbm>> -> memref<2x128xf32, #tpu.memory_space<hbm>>
      tpu.wait_dma2 semaphore(%run_scoped3A : memref<!tpu.dma_semaphore, #tpu.memory_space<semaphore_mem>>) src(%arg8 : memref<2x128xf32, #tpu.memory_space<vmem>>) dst(%dma_wait3A_2229 : memref<2x128xf32, #tpu.memory_space<hbm>>)
      tpu.yield
    }) : () -> ()
    return
  }
}

module attributes {stable_mosaic.version = 14 : i64} {
  func.func @_tc_dense_body(%arg0: memref<64x128xf32, #tpu.memory_space<vmem>>, %arg1: memref<1x128xf32, #tpu.memory_space<vmem>>, %arg2: memref<1x64xi32, #tpu.memory_space<vmem>>, %arg3: memref<64x1xf32, #tpu.memory_space<vmem>>, %arg4: memref<8x128xf32, #tpu.memory_space<vmem>>, %arg5: memref<8x128xf32, #tpu.memory_space<vmem>>, %arg6: memref<8x128xf32, #tpu.memory_space<vmem>>) attributes {dimension_semantics = [], scalar_prefetch = 0 : i64, scratch_operands = 0 : i64, tpu.core_type = #tpu.core_type<tc>} {
    %get3A = arith.constant 0 : index
    %get3A_0 = arith.constant 0 : index
    %get3A_1 = vector.load %arg0[%get3A, %get3A_0] : memref<64x128xf32, #tpu.memory_space<vmem>>, vector<64x128xf32>
    %get3A_2 = arith.constant 0 : index
    %get3A_3 = arith.constant 0 : index
    %get3A_4 = vector.load %arg1[%get3A_2, %get3A_3] : memref<1x128xf32, #tpu.memory_space<vmem>>, vector<1x128xf32>
    %mul3A = vector.broadcast %get3A_4 : vector<1x128xf32> to vector<64x128xf32>
    %mul3A_5 = arith.mulf %get3A_1, %mul3A : vector<64x128xf32>
    %reduce_sum3A = arith.constant dense<0.000000e+00> : vector<64xf32>
    %reduce_sum3A_6 = vector.multi_reduction <add>, %mul3A_5, %reduce_sum3A [1] : vector<64x128xf32> to vector<64xf32>
    %broadcast_in_dim3A = vector.shape_cast %reduce_sum3A_6 : vector<64xf32> to vector<64x1xf32>
    %div3A = arith.constant 1.000000e+01 : f32
    %div3A_7 = vector.broadcast %div3A : f32 to vector<64x1xf32>
    %div3A_8 = arith.divf %broadcast_in_dim3A, %div3A_7 : vector<64x1xf32>
    %reduce_max3A = vector.shape_cast %div3A_8 : vector<64x1xf32> to vector<1x64x1xf32>
    %reduce_max3A_9 = arith.constant dense<0xFF800000> : vector<1xf32>
    %reduce_max3A_10 = vector.multi_reduction <maximumf>, %reduce_max3A, %reduce_max3A_9 [1, 2] : vector<1x64x1xf32> to vector<1xf32>
    %reduce_max3A_11 = vector.shape_cast %reduce_max3A_10 : vector<1xf32> to vector<1x1x1xf32>
    %reduce_max3A_12 = vector.extract %reduce_max3A_11[0, 0, 0] : f32 from vector<1x1x1xf32>
    %sub3A = vector.broadcast %reduce_max3A_12 : f32 to vector<64x1xf32>
    %sub3A_13 = arith.subf %div3A_8, %sub3A : vector<64x1xf32>
    %exp3A = math.exp %sub3A_13 : vector<64x1xf32>
    %reduce_sum3A_14 = vector.shape_cast %exp3A : vector<64x1xf32> to vector<1x64x1xf32>
    %reduce_sum3A_15 = arith.constant dense<0.000000e+00> : vector<1xf32>
    %reduce_sum3A_16 = vector.multi_reduction <add>, %reduce_sum3A_14, %reduce_sum3A_15 [1, 2] : vector<1x64x1xf32> to vector<1xf32>
    %reduce_sum3A_17 = vector.shape_cast %reduce_sum3A_16 : vector<1xf32> to vector<1x1x1xf32>
    %reduce_sum3A_18 = vector.extract %reduce_sum3A_17[0, 0, 0] : f32 from vector<1x1x1xf32>
    %div3A_19 = vector.broadcast %reduce_sum3A_18 : f32 to vector<64x1xf32>
    %div3A_20 = arith.divf %exp3A, %div3A_19 : vector<64x1xf32>
    %sub3A_21 = arith.constant 1.000000e-01 : f32
    %sub3A_22 = vector.broadcast %sub3A_21 : f32 to vector<64x1xf32>
    %sub3A_23 = arith.subf %div3A_20, %sub3A_22 : vector<64x1xf32>
    %mul3A_24 = arith.constant -1.000000e+03 : f32
    %mul3A_25 = vector.broadcast %mul3A_24 : f32 to vector<64x1xf32>
    %mul3A_26 = arith.mulf %mul3A_25, %sub3A_23 : vector<64x1xf32>
    %exp3A_27 = math.exp %mul3A_26 : vector<64x1xf32>
    %add3A = arith.constant 1.000000e+00 : f32
    %add3A_28 = vector.broadcast %add3A : f32 to vector<64x1xf32>
    %add3A_29 = arith.addf %add3A_28, %exp3A_27 : vector<64x1xf32>
    %div3A_30 = arith.constant 1.000000e+00 : f32
    %div3A_31 = vector.broadcast %div3A_30 : f32 to vector<64x1xf32>
    %div3A_32 = arith.divf %div3A_31, %add3A_29 : vector<64x1xf32>
    %sub3A_33 = arith.constant 1.000000e+00 : f32
    %sub3A_34 = vector.broadcast %sub3A_33 : f32 to vector<64x1xf32>
    %sub3A_35 = arith.subf %sub3A_34, %div3A_20 : vector<64x1xf32>
    %get3A_36 = arith.constant 0 : index
    %get3A_37 = arith.constant 0 : index
    %get3A_38 = vector.load %arg2[%get3A_36, %get3A_37] : memref<1x64xi32, #tpu.memory_space<vmem>>, vector<1x64xi32>
    %iota3A = tpu.iota {dimensions = array<i32: 0>} : vector<8x64xi32>
    %eq3A = vector.broadcast %get3A_38 : vector<1x64xi32> to vector<8x64xi32>
    %eq3A_39 = arith.cmpi eq, %iota3A, %eq3A : vector<8x64xi32>
    %convert_element_type3A = arith.extui %eq3A_39 : vector<8x64xi1> to vector<8x64xi32>
    %convert_element_type3A_40 = arith.sitofp %convert_element_type3A : vector<8x64xi32> to vector<8x64xf32>
    %reduce_sum3A_41 = arith.constant dense<0.000000e+00> : vector<8xf32>
    %reduce_sum3A_42 = vector.multi_reduction <add>, %convert_element_type3A_40, %reduce_sum3A_41 [1] : vector<8x64xf32> to vector<8xf32>
    %broadcast_in_dim3A_43 = vector.shape_cast %reduce_sum3A_42 : vector<8xf32> to vector<8x1xf32>
    %mul3A_44 = vector.broadcast %div3A_32 : vector<64x1xf32> to vector<64x128xf32>
    %mul3A_45 = arith.mulf %get3A_1, %mul3A_44 : vector<64x128xf32>
    %dot_general3A = arith.constant dense<0.000000e+00> : vector<8x128xf32>
    %dot_general3A_46 = tpu.matmul %convert_element_type3A_40, %mul3A_45, %dot_general3A {dimension_numbers = #tpu.dot_dimension_numbers<[1], [0], [0], [1], [0, 0, 1, 1], [], []>, precision = #tpu.contract_precision<fp32>, transpose_lhs_hint = false} : vector<8x64xf32>, vector<64x128xf32>, vector<8x128xf32> -> vector<8x128xf32>
    %max3A = arith.constant 1.000000e+00 : f32
    %max3A_47 = vector.broadcast %max3A : f32 to vector<8x1xf32>
    %max3A_48 = arith.maximumf %broadcast_in_dim3A_43, %max3A_47 : vector<8x1xf32>
    %div3A_49 = vector.broadcast %max3A_48 : vector<8x1xf32> to vector<8x128xf32>
    %div3A_50 = arith.divf %dot_general3A_46, %div3A_49 : vector<8x128xf32>
    %swap3A = arith.constant 0 : index
    %swap3A_51 = arith.constant 0 : index
    %swap3A_52 = vector.load %arg4[%swap3A, %swap3A_51] : memref<8x128xf32, #tpu.memory_space<vmem>>, vector<8x128xf32>
    tpu.vector_store %arg4[%swap3A, %swap3A_51], %div3A_50 {strides = array<i32>} : memref<8x128xf32, #tpu.memory_space<vmem>>, vector<8x128xf32>,
    %mul3A_53 = vector.broadcast %div3A_20 : vector<64x1xf32> to vector<64x128xf32>
    %mul3A_54 = arith.mulf %get3A_1, %mul3A_53 : vector<64x128xf32>
    %dot_general3A_55 = arith.constant dense<0.000000e+00> : vector<8x128xf32>
    %dot_general3A_56 = tpu.matmul %convert_element_type3A_40, %mul3A_54, %dot_general3A_55 {dimension_numbers = #tpu.dot_dimension_numbers<[1], [0], [0], [1], [0, 0, 1, 1], [], []>, precision = #tpu.contract_precision<fp32>, transpose_lhs_hint = false} : vector<8x64xf32>, vector<64x128xf32>, vector<8x128xf32> -> vector<8x128xf32>
    %swap3A_57 = arith.constant 0 : index
    %swap3A_58 = arith.constant 0 : index
    %swap3A_59 = vector.load %arg5[%swap3A_57, %swap3A_58] : memref<8x128xf32, #tpu.memory_space<vmem>>, vector<8x128xf32>
    tpu.vector_store %arg5[%swap3A_57, %swap3A_58], %dot_general3A_56 {strides = array<i32>} : memref<8x128xf32, #tpu.memory_space<vmem>>, vector<8x128xf32>,
    %mul3A_60 = vector.broadcast %sub3A_35 : vector<64x1xf32> to vector<64x128xf32>
    %mul3A_61 = arith.mulf %get3A_1, %mul3A_60 : vector<64x128xf32>
    %dot_general3A_62 = arith.constant dense<0.000000e+00> : vector<8x128xf32>
    %dot_general3A_63 = tpu.matmul %convert_element_type3A_40, %mul3A_61, %dot_general3A_62 {dimension_numbers = #tpu.dot_dimension_numbers<[1], [0], [0], [1], [0, 0, 1, 1], [], []>, precision = #tpu.contract_precision<fp32>, transpose_lhs_hint = false} : vector<8x64xf32>, vector<64x128xf32>, vector<8x128xf32> -> vector<8x128xf32>
    %swap3A_64 = arith.constant 0 : index
    %swap3A_65 = arith.constant 0 : index
    %swap3A_66 = vector.load %arg6[%swap3A_64, %swap3A_65] : memref<8x128xf32, #tpu.memory_space<vmem>>, vector<8x128xf32>
    tpu.vector_store %arg6[%swap3A_64, %swap3A_65], %dot_general3A_63 {strides = array<i32>} : memref<8x128xf32, #tpu.memory_space<vmem>>, vector<8x128xf32>,
    %swap3A_67 = arith.constant 0 : index
    %swap3A_68 = arith.constant 0 : index
    %swap3A_69 = vector.load %arg3[%swap3A_67, %swap3A_68] : memref<64x1xf32, #tpu.memory_space<vmem>>, vector<64x1xf32>
    tpu.vector_store %arg3[%swap3A_67, %swap3A_68], %div3A_20 {strides = array<i32>} : memref<64x1xf32, #tpu.memory_space<vmem>>, vector<64x1xf32>,
    return
  }
}

</mosaic_0001>

<sc_bundles>
// kernel: kernel.4.cloned.1.call-start
scs
__scs_entry_jumppad:
0x0: {  	(pc) =	sbr.rel $0x88, $3  }
0x1: {  	(tag) =	ssettag $0x0;
	lr =	simm.s32 $0x1  }
0x2: {  	[smem:$0x3F9C] =	sst lr;
	_ =	strace $0xD0000000  }
0x3: {  	_ = 	snop  }
0x4: {  	_ = 	snop  }
0x5: {  	_ = 	snop  }
0x6: {  	_ = 	snop  }
0x7: {  	_ = 	snop  }
__scs_overlays_trampoline_lowered:
0x8: {  	[smem:$0x3FAB] =	sst s0  }
0x9: {  	[smem:$0x3FAC] =	sst s1  }
0xa: {  	[smem:$0x3FAD] =	sst s2  }
0xb: {  	[smem:$0x3FAE] =	sst s3  }
0xc: {  	[smem:$0x3FAF] =	sst s4  }
0xd: {  	[smem:$0x3FB0] =	sst s5  }
0xe: {  	[smem:$0x3FB1] =	sst s6  }
0xf: {  	[smem:$0x3FB2] =	sst s7  }
0x10: {  	[smem:$0x3FB3] =	sst s8  }
0x11: {  	[smem:$0x3FB4] =	sst s9;
	s0 =	simm.s32 @!p0 $0x0  }
0x12: {  	s1 =	sld [smem:$0x3F9A];
	s0 =	simm.s32 @p0 $0x1  }
0x13: {  	[smem:$0x3FB5] =	sst s0;
	s0 =	simm.s32 @!p1 $0x0  }
0x14: {  	s2 =	sld [smem:$0x3F99];
	s0 =	simm.s32 @p1 $0x1  }
0x15: {  	[smem:$0x3FB6] =	sst s0;
	s0 =	simm.s32 @!p2 $0x0  }
0x16: {  	s3 =	sld [smem:$0x3FDB];
	s0 =	simm.s32 @p2 $0x1  }
0x17: {  	s4 =	simm.s32 $0x1BF5;
	[smem:$0x3FB8] =	sst s0  }
0x18: {  	s0 =	sld [smem:$0x3F9B];
	_ =	swait.ge [sflag:s4], $0x0  }
0x19: {  	s7 =	sld [smem:$0x3F9C]  }
0x1a: {  	s8 =	sadd.s32 $0xFFFFE003, lr  }
0x1b: {  	s9 =	sadd.s32 $0xFFFFFEF7, lr;
	s5 =	simm.s32 $0xFFFFFFFF;
	p2 =	slt.u32 s8, $0xFFFFF086  }
0x1c: {  	p1 =	slt.u32 s9, $0xF7A;
	s5 =	simm.s32 @!p2 $0x0  }
0x1d: {  	s5 =	simm.s32 @p1 $0x1;
	p0 =	seq.s32 s7, s2  }
0x1e: {  	s7 =	smul.u32 @!p0 $0xF7A, s2;
	p2 =	seq.s32 @!p0 s5, $0x0  }
0x1f: {  	s9 =	smul.u32 $0xF7A, s1;
	s8 =	simm.s32 @!p0 $0x1BF5;
	p2 =	por !p2, p0  }
0x20: {  	[sflag:s8] =	ssyncset.s32 @!p0 $0xFFFFF086;
	s6 =	sadd.s32 @!p0 s3, s7;
	s7 =	simm.s32 @!p0 $0x108  }
0x21: {  	s3 =	sadd.s32 s3, s9;
	s6 =	sadd.s32 @!p0 $0x88, s6;
	s7 =	simm.s32 @p2 $0x1082  }
0x22: {  	[simem:s7], [sflag:s8] =	dma.local @!p0 [hbm:s6], $0xF7A  }
0x23: {  	s9 =	sor.u32 $0xD0000000, s2;
	s6 =	simm.s32 $0x108;
	_ =	swait.ge @!p0 [sflag:s8], $0x0  }
0x24: {  	s3 =	sadd.s32 $0x88, s3;
	s6 =	simm.s32 @!p1 $0x1082;
	[sflag:s4] =	ssyncset.s32 $0xFFFFF086  }
0x25: {  	[simem:s6], [sflag:s4] =	dma.local [hbm:s3], $0xF7A  }
0x26: {  	[smem:$0x3F9C] =	sst s1;
	(tag) =	ssettag s2;
	_ =	strace s9  }
0x27: {  	s1 =	sld [smem:$0x3FAC]  }
0x28: {  	s2 =	sld [smem:$0x3FAD]  }
0x29: {  	s4 =	sld [smem:$0x3FAF]  }
0x2a: {  	p0 =	seq.s32 s5, $0x0;
	s5 =	sld [smem:$0x3FB0]  }
0x2b: {  	s6 =	sld [smem:$0x3FB1]  }
0x2c: {  	s7 =	sld [smem:$0x3FB2]  }
0x2d: {  	s3 =	simm.s32 $0x108;
	s8 =	sld [smem:$0x3FB3]  }
0x2e: {  	s3 =	simm.s32 @!p0 $0x1082;
	s9 =	sld [smem:$0x3FB4]  }
0x2f: {  	lr =	sadd.s32 s0, s3;
	s0 =	sld [smem:$0x3FAB]  }
0x30: {  	s3 =	sld [smem:$0x3FAE]  }
0x31: {  	[smem:$0x3FB7] =	sst s10  }
0x32: {  	s10 =	sld [smem:$0x3FB5];
	_ =	sdelay $0x3  }
0x33: {  	p0 =	seq.s32 s10, $0x1;
	s10 =	sld [smem:$0x3FB7];
	_ =	sdelay $0x3  }
0x34: {  	[smem:$0x3FB7] =	sst s10  }
0x35: {  	s10 =	sld [smem:$0x3FB6];
	_ =	sdelay $0x3  }
0x36: {  	p1 =	seq.s32 s10, $0x1;
	s10 =	sld [smem:$0x3FB7];
	_ =	sdelay $0x3  }
0x37: {  	[smem:$0x3FB7] =	sst s10  }
0x38: {  	s10 =	sld [smem:$0x3FB8]  }
0x39: {  	_ = 	snop;
	(pc) =	sbr.ind lr, $3  }
0x3a: {  	_ = 	snop  }
0x3b: {  	_ = 	snop  }
0x3c: {  	p2 =	seq.s32 s10, $0x1;
	s10 =	sld [smem:$0x3FB7]  }
0x3d: {  	_ =	shalt  }
0x3e: {  	_ =	shalt  }
0x3f: {  	_ =	shalt  }
0x40: {  	_ =	shalt  }
0x41: {  	_ =	shalt  }
0x42: {  	_ =	shalt  }
0x43: {  	_ =	shalt  }
0x44: {  	_ =	shalt  }
0x45: {  	_ =	shalt  }
0x46: {  	_ =	shalt  }
0x47: {  	_ =	shalt  }
0x48: {  	_ =	shalt  }
0x49: {  	_ =	shalt  }
0x4a: {  	_ =	shalt  }
0x4b: {  	_ =	shalt  }
0x4c: {  	_ =	shalt  }
0x4d: {  	_ =	shalt  }
0x4e: {  	_ =	shalt  }
0x4f: {  	_ =	shalt  }
0x50: {  	_ =	shalt  }
0x51: {  	_ =	shalt  }
0x52: {  	_ =	shalt  }
0x53: {  	_ =	shalt  }
0x54: {  	_ =	shalt  }
0x55: {  	_ =	shalt  }
0x56: {  	_ =	shalt  }
0x57: {  	_ =	shalt  }
0x58: {  	_ =	shalt  }
0x59: {  	_ =	shalt  }
0x5a: {  	_ =	shalt  }
0x5b: {  	_ =	shalt  }
0x5c: {  	_ =	shalt  }
0x5d: {  	_ =	shalt  }
0x5e: {  	_ =	shalt  }
0x5f: {  	_ =	shalt  }
0x60: {  	_ =	shalt  }
0x61: {  	_ =	shalt  }
0x62: {  	_ =	shalt  }
0x63: {  	_ =	shalt  }
0x64: {  	_ =	shalt  }
0x65: {  	_ =	shalt  }
0x66: {  	_ =	shalt  }
0x67: {  	_ =	shalt  }
0x68: {  	_ =	shalt  }
0x69: {  	_ =	shalt  }
0x6a: {  	_ =	shalt  }
0x6b: {  	_ =	shalt  }
0x6c: {  	_ =	shalt  }
0x6d: {  	_ =	shalt  }
0x6e: {  	_ =	shalt  }
0x6f: {  	_ =	shalt  }
0x70: {  	_ =	shalt  }
0x71: {  	_ =	shalt  }
0x72: {  	_ =	shalt  }
0x73: {  	_ =	shalt  }
0x74: {  	_ =	shalt  }
0x75: {  	_ =	shalt  }
0x76: {  	_ =	shalt  }
0x77: {  	_ =	shalt  }
0x78: {  	_ =	shalt  }
0x79: {  	_ =	shalt  }
0x7a: {  	_ =	shalt  }
0x7b: {  	_ =	shalt  }
0x7c: {  	_ =	shalt  }
0x7d: {  	_ =	shalt  }
0x7e: {  	_ =	shalt  }
0x7f: {  	_ =	shalt  }
0x80: {  	_ =	shalt  }
0x81: {  	_ =	shalt  }
0x82: {  	_ =	shalt  }
0x83: {  	_ =	shalt  }
0x84: {  	_ =	shalt  }
0x85: {  	_ =	shalt  }
0x86: {  	_ =	shalt  }
0x87: {  	_ =	shalt  }
.Lfunc_end0:
.L_simem_size_0:
called_computation_lowered:
.L_overlay_start_0:
0x88: {  	s2 =	sld [smem:$0x3FD9]  }
0x89: {  	s3 =	sld [smem:$0x3FFE];
	_ =	sdelay $0x1  }
0x8a: {  	s1 =	srdreg.scid  }
0x8b: {  	s0 =	sand.u32 $0x1, s1  }
0x8c: {  	s15 =	sshll.u32 s0, $0xA;
	s2 =	sadd.s32 s3, s2  }
0x8d: {  	s2 =	sadd.s32 s2, s15  }
0x8e: {  	[smem:$0x3FC3] =	sst s2  }
0x8f: {  	_ = 	snop  }
0x90: {  	s2 =	sld [smem:$0x3FD0];
	_ =	sdelay $0x2  }
0x91: {  	s4 =	simm.s32 $0xA;
	s5 =	simm.s32 $0x10;
	s16 =	sld [smem:$0x3FC8]  }
0x92: {  	[smem:s5], [sflag:s4] =	dma.local [hbm:s2], $0x1  }
0x93: {  	_ =	swait.eq [sflag:s4], $0x1  }
0x94: {  	[sflag:s4] =	ssyncset.done $0x0  }
0x95: {  	s17 =	sld [smem:$0x11];
	[sflag:s4] =	ssyncadd.s32 $0xFFFFFFFF  }
0x96: {  	s18 =	sld [smem:$0x14];
	(tm) =	ssettm $0x1  }
0x97: {  	s19 =	sld [smem:$0x3FFB];
	_ =	sdelay $0x3  }
0x98: {  	_ =	strace s19  }
0x99: {  	s5 =	sld [smem:$0x3FFC];
	_ =	sdelay $0x3  }
0x9a: {  	_ =	strace s5  }
0x9b: {  	s5 =	sld [smem:$0x3FFD];
	_ =	sdelay $0x3  }
0x9c: {  	_ =	strace s5  }
0x9d: {  	_ =	strace $0x8FFFFFFF  }
0x9e: {  	s20 =	sld [smem:$0x3FDB];
	_ =	sdelay $0x1  }
0x9f: {  	s6 =	simm.s32 $_scs_section_size  }
0xa0: {  	s7 =	simm.s32 $_size__tile_overlayer_lowered;
	s8 =	simm.s32 $_tile_overlayer_lowered  }
0xa1: {  	s23 =	simm.s32 $0x1BFF;
	s22 =	sshll.u32 s8, $0x1;
	s5 =	sadd.s32 s6, s20  }
0xa2: {  	s9 =	simm.s32 $0x0;
	s21 =	sshll.u32 s7, $0x1;
	s7 =	sadd.s32 s22, s5  }
0xa3: {  	[timem:s9], [sflag:s23] =	dma.local [hbm:s7], s21  }
0xa4: {  	_ =	swait.ge [sflag:s23], s21  }
0xa5: {  	s6 =	ssub.s32 $0x0, s21;
	[sflag:s23] =	ssyncset.done $0x0  }
0xa6: {  	[sflag:s23] =	ssyncadd.s32 s6;
	_ =	sdelay $0x1  }
0xa7: {  	s24 =	simm.s32 $0x1B8B  }
0xa8: {  	_ =	swait.ge [sflag:s24], $0x1  }
0xa9: {  	[sflag:s24] =	ssyncset.done $0x0  }
0xaa: {  	s25 =	simm.s32 $0x1B8E;
	[sflag:s24] =	ssyncadd.s32 $0xFFFFFFFF  }
0xab: {  	s26 =	simm.s32 $execute0_lowered;
	[smem:$0x3FD2] =	sst s25  }
0xac: {  	s6 =	sshll.u32 s26, $0x1;
	_ =	strace $0x80000046;
	[dreg:$0x1] =	wrdreg $0xFFFFFFFF  }
0xad: {  	s28 =	simm.s32 $_size_execute0_lowered;
	s5 =	sadd.s32 s5, s6;
	[dreg:$0x0] =	wrdreg $0x0  }
0xae: {  	s6 =	sshll.u32 s28, $0x1;
	[dreg:$0x2] =	wrdreg s5  }
0xaf: {  	[dreg:$0x3] =	wrdreg s6  }
0xb0: {  	[dreg:$0x4] =	wrdreg $0xC0  }
0xb1: {  	_ =	task [dreg:s9], $0x5FFFF  }
0xb2: {  	[dreg:$0x1] =	wrdreg $0xFFFFFFFF  }
0xb3: {  	[dreg:$0x0] =	wrdreg $0x60  }
0xb4: {  	[dreg:$0x2] =	wrdreg s18  }
0xb5: {  	[dreg:$0x3] =	wrdreg s16  }
0xb6: {  	[dreg:$0x4] =	wrdreg s17  }
0xb7: {  	[dreg:$0x5] =	wrdreg $0x9  }
0xb8: {  	_ =	task.clear_ibuf [dreg:s9], $0x6FFFF;
	_ =	strace $0x90000046  }
0xb9: {  	s29 =	simm.s32 $0x9;
	_ =	strace $0x80000048  }
0xba: {  	_ =	swait.ge [sflag:s29], $0x1  }
0xbb: {  	[sflag:s29] =	ssyncadd.s32 $0xFFFFFFFF  }
0xbc: {  	_ =	strace $0x90000048  }
0xbd: {  	_ =	sfence  }
0xbe: {  	s30 =	sld [smem:$0x0];
	_ =	sdelay $0x2  }
0xbf: {  	s31 =	sshll.u32 s1, $0xD;
	s1 =	sshrl.u32 s1, $0x2  }
0xc0: {  	s3 =	sand.u32 $0x4000, s31;
	s1 =	sadd.s32 s1, s30  }
0xc1: {  	s0 =	sor.u32 s3, s0;
	s1 =	sshll.u32 s1, $0x11  }
0xc2: {  	s0 =	sor.u32 s1, s0  }
0xc3: {  	s0 =	sadd.s32 $0x8F2B, s0  }
0xc4: {  	[sflag:s0] =	ssyncadd.remote.s32 $0x1  }
0xc5: {  	_ =	sfence.sel $0xFFFF  }
0xc6: {  	[dreg:$0x0] =	wrdreg $0xFFFFFFFF;
	(pc) =	sbr.abs _section_cstart, $3  }
0xc7: {  	[dreg:$0x1] =	wrdreg $0xFFFFFFFF  }
0xc8: {  	_ =	task.clear_ibuf [dreg:s9], $0x2FFFF;
	_ =	strace $0x9FFFFFFF  }
0xc9: {  	(tm) =	ssettm $0x7FFFFFFF  }
tec
execute0_lowered:
.L_overlay_start_1:
0x0: {  	(tag) =	ssettag $0x1  }
0x1: {  	v0 =	vimm.s32 $0xEDCBA987;
	v1 =	vimm.s32 $0x6543210F  }
0x2: {  	v2 =	vimm.s32 $0xDCBA9876;
	v4 =	vimm.s32 $0x543210FE;
	v60 =	vimm.s32 $0xCBA98765  }
0x3: {  	v5 =	vimm.s32 $0x43210FED;
	v6 =	vimm.s32 $0xBA987654;
	v7 =	vimm.s32 $0x3210FEDC  }
0x4: {  	v9 =	vimm.s32 $0xA9876543;
	v20 =	vimm.s32 $0x98765432;
	v21 =	vimm.s32 $0x10FEDCBA  }
0x5: {  	v12 =	vimm.s32 $0x87654321;
	v13 =	vimm.s32 $0xFEDCBA9;
	v22 =	vimm.s32 $0xFEDCBA98  }
0x6: {  	v23 =	vimm.s32 $0x76543210;
	v39 =	vimm.s32 $0x1211101F;
	vm0 =	vcmask $0x1F10  }
0x7: {  	v45 =	vimm.s32 $0x11101F1E;
	v46 =	vimm.s32 $0x15141312;
	v53 =	vimm.s32 $0x1B1A1918  }
0x8: {  	v0 =	vunpack.c.l.s4.s8 v0;
	v1 =	vunpack.c.l.s4.s8 v1;
	v2 =	vunpack.c.l.s4.s8 v2  }
0x9: {  	v4 =	vunpack.c.l.s4.s8 v4;
	v5 =	vunpack.c.l.s4.s8 v5;
	v6 =	vunpack.c.l.s4.s8 v6  }
0xa: {  	v7 =	vunpack.c.l.s4.s8 v7;
	v9 =	vunpack.c.l.s4.s8 v9;
	v12 =	vunpack.c.l.s4.s8 v12  }
0xb: {  	v13 =	vunpack.c.l.s4.s8 v13;
	v54 =	vunpack.c.0.s8.s32 v53;
	v0 =	vunpack.c.0.s8.s32 v0  }
0xc: {  	v1 =	vunpack.c.0.s8.s32 v1;
	v2 =	vunpack.c.0.s8.s32 v2;
	v63 =	vunpack.c.0.s8.s32 v9  }
0xd: {  	v9 =	vunpack.c.l.s4.s8 v20;
	v17 =	vunpack.c.0.s8.s32 v12;
	v20 =	vimm.s32 $0x1C1B1A19  }
0xe: {  	v12 =	vunpack.c.l.s4.s8 v23;
	v23 =	vimm.s32 $0x17161514;
	v50 =	vunpack.c.0.s8.s32 v20  }
0xf: {  	v4 =	vunpack.c.0.s8.s32 v4;
	v5 =	vunpack.c.0.s8.s32 v5;
	[tilespmem:$0x1FF30] =	vst v54;
	v52 =	vunpack.c.0.s8.s32 v23  }
0x10: {  	v6 =	vunpack.c.0.s8.s32 v6;
	v7 =	vunpack.c.0.s8.s32 v7;
	v3 =	vcombine.low v1, v0;
	[tilespmem:$0x1FED0] =	vst v50  }
0x11: {  	v13 =	vunpack.c.0.s8.s32 v13;
	v8 =	vcombine.low v4, v2;
	[tilespmem:$0x1FF20] =	vst v52;
	v59 =	vsel vm0, v54, v52  }
0x12: {  	v10 =	vcombine.low v7, v6;
	v15 =	vunpack.c.0.s8.s32 v9;
	v3 =	vand.u32 $0xF, v3;
	[tilespmem:$0x1FF60] =	vst v59  }
0x13: {  	v9 =	vunpack.c.l.s4.s8 v22;
	v24 =	vcombine.low v13, v17;
	v8 =	vand.u32 $0xF, v8;
	[tilespmem:$0x1FD80] =	vst v3  }
0x14: {  	v26 =	vunpack.c.0.s8.s32 v12;
	v0 =	vcombine.low v0, v1;
	v10 =	vand.u32 $0xF, v10;
	[tilespmem:$0x1FD90] =	vst v8  }
0x15: {  	v28 =	vcombine.low v2, v4;
	v30 =	vcombine.low v6, v7;
	v25 =	vand.u32 $0xF, v24;
	[tilespmem:$0x1FDB0] =	vst v10  }
0x16: {  	v6 =	vunpack.c.0.s8.s32 v45;
	v7 =	vunpack.c.0.s8.s32 v46;
	v0 =	vand.u32 $0xF, v0;
	[tilespmem:$0x1FDE0] =	vst v25  }
0x17: {  	v2 =	vunpack.c.0.s8.s32 v39;
	v9 =	vunpack.c.0.s8.s32 v9;
	v1 =	vand.u32 $0xF, v28;
	[tilespmem:$0x1FE00] =	vst v0  }
0x18: {  	v49 =	vsel vm0, v7, v6;
	v24 =	vimm.s32 $0x1F1E1D1C;
	v10 =	vunpack.c.l.s4.s8 v21;
	[tilespmem:$0x1FE10] =	vst v1  }
0x19: {  	v1 =	vand.u32 $0xF, v30;
	v21 =	vimm.s32 $0x101F1E1D;
	v55 =	vunpack.c.0.s8.s32 v24;
	[tilespmem:$0x1FEB0] =	vst v49  }
0x1a: {  	v3 =	vunpack.c.l.s4.s8 v60;
	v25 =	vimm.s32 $0x13121110;
	[tilespmem:$0x1FE30] =	vst v1;
	v51 =	vunpack.c.0.s8.s32 v21  }
0x1b: {  	v22 =	vimm.s32 $0x14131211;
	v9 =	vand.u32 $0xF, v9;
	v56 =	vunpack.c.0.s8.s32 v25;
	[tilespmem:$0x1FF40] =	vst v55  }
0x1c: {  	v39 =	vunpack.c.0.s8.s32 v22;
	v3 =	vunpack.c.0.s8.s32 v3;
	v27 =	vcombine.low v9, v26;
	[tilespmem:$0x1FEE0] =	vst v51  }
0x1d: {  	v16 =	vunpack.c.0.s8.s32 v10;
	[tilespmem:$0x1FF50] =	vst v56  }
0x1e: {  	v58 =	vsel vm0, v39, v51;
	v61 =	vcombine.low v5, v3;
	[tilespmem:$0x1FDF0] =	vst v27  }
0x1f: {  	v11 =	vimm.s32 $0x210FEDCB;
	v60 =	vsel vm0, v56, v55;
	v10 =	vcombine.low v16, v15;
	[tilespmem:$0x1FF00] =	vst v58  }
0x20: {  	v40 =	vimm.s32 $0x16151413;
	v29 =	vcombine.low v3, v5;
	[tilespmem:$0x1FF70] =	vst v60;
	v8 =	vand.u32 $0xF, v61  }
0x21: {  	v42 =	vimm.s32 $0x19181716;
	v32 =	vcombine.low v15, v16;
	v10 =	vand.u32 $0xF, v10;
	[tilespmem:$0x1FDA0] =	vst v8  }
0x22: {  	v44 =	vimm.s32 $0x1D1C1B1A;
	v3 =	vunpack.c.0.s8.s32 v40;
	v0 =	vand.u32 $0xF, v29;
	[tilespmem:$0x1FDD0] =	vst v10  }
0x23: {  	v4 =	vunpack.c.0.s8.s32 v42;
	v5 =	vunpack.c.0.s8.s32 v44;
	v1 =	vand.u32 $0xF, v32;
	[tilespmem:$0x1FE20] =	vst v0  }
0x24: {  	v62 =	vunpack.c.l.s4.s8 v11;
	v43 =	vsel vm0, v3, v2;
	[tilespmem:$0x1FE50] =	vst v1  }
0x25: {  	v34 =	vimm.s32 $0x1A191817;
	v38 =	vimm.s32 $0x1E1D1C1B;
	v47 =	vsel vm0, v5, v4;
	[tilespmem:$0x1FE80] =	vst v43  }
0x26: {  	v35 =	vunpack.c.0.s8.s32 v34;
	v61 =	vsel vm0, v4, v7;
	v8 =	vunpack.c.0.s8.s32 v62;
	[tilespmem:$0x1FEA0] =	vst v47  }
0x27: {  	v1 =	vunpack.c.0.s8.s32 v38;
	v9 =	vcombine.low v49, v47;
	v62 =	vsel vm0, v6, v5;
	[tilespmem:$0x1FFC0] =	vst v61  }
0x28: {  	[tilespmem:$0x1FFD0] =	vst v62  }
0x29: {  	v14 =	vcombine.low v8, v63;
	v41 =	vsel vm0, v1, v35;
	[tilespmem:$0x1FEC0] =	vst v9  }
0x2a: {  	v31 =	vcombine.low v63, v8;
	v1 =	vsel vm0, v2, v1;
	[tilespmem:$0x1FE70] =	vst v41  }
0x2b: {  	[tilespmem:$0x1FFA0] =	vst v1;
	v14 =	vand.u32 $0xF, v14  }
0x2c: {  	v33 =	vcombine.low v17, v13;
	v8 =	vcombine.low v43, v41;
	v0 =	vand.u32 $0xF, v31;
	[tilespmem:$0x1FDC0] =	vst v14  }
0x2d: {  	v48 =	vimm.s32 $0x18171615;
	s4 =	rddreg [dreg:$0x0];
	[tilespmem:$0x1FE40] =	vst v0  }
0x2e: {  	s0 =	rddreg [dreg:$0x1];
	v0 =	vand.u32 $0xF, v33;
	[tilespmem:$0x1FE90] =	vst v8;
	v8 =	vunpack.c.0.s8.s32 v48  }
0x2f: {  	s5 =	rddreg [dreg:$0x2];
	[tilespmem:$0x1FE60] =	vst v0;
	v0 =	vsel vm0, v35, v3  }
0x30: {  	s1 =	rddreg [dreg:$0x3];
	s6 =	srdreg.scid;
	v57 =	vsel vm0, v50, v8;
	[tilespmem:$0x1FF90] =	vst v0  }
0x31: {  	s3 =	simm.s32 $0x0;
	s2 =	stileid.u32;
	s10 =	simm.s32 $0x1;
	v0 =	vcombine.low v1, v0;
	v63 =	vsel vm0, v8, v39;
	[tilespmem:$0x1FEF0] =	vst v57  }
0x32: {  	s11 =	simm.s32 $0x80;
	s6 =	sand.u32 $0x1, s6;
	s8 =	sshll.u32 s2, $0x1;
	v9 =	vcombine.low v58, v57;
	[tilespmem:$0x1FFF0] =	vst v63  }
0x33: {  	s12 =	simm.s32 $0x1100;
	vm4 =	vcmask $0x3F08;
	s7 =	ssub.s32 $0x2, s6;
	s6 =	sor.u32 s6, s8;
	[tilespmem:$0x1FFB0] =	vst v0;
	v0 =	vcombine.low v62, v61  }
0x34: {  	vm5 =	vcmask $0x3F0C;
	vm6 =	vcmask $0x3F10;
	[smem:$0x7FF] =	sst s3;
	s9 =	sshrl.u32 s7, $0x1;
	s8 =	sshll.u32 s6, $0x2;
	[tilespmem:$0x1FF10] =	vst v9;
	v9 =	vcombine.low v60, v59  }
0x35: {  	vm7 =	vcmask $0x3F14;
	vm8 =	vcmask $0x3F18;
	vm9 =	vcmask $0x3F1C;
	s6 =	sshll.u32 s6, $0x5;
	s7 =	ssub.s32 s7, s9;
	s4 =	sadd.s32 s4, s8;
	[tilespmem:$0x1FFE0] =	vst v0  }
0x36: {  	vm10 =	vcmask $0x3F20;
	vm11 =	vcmask $0x3F24;
	vm12 =	vcmask $0x3F28;
	s5 =	sadd.s32 s5, s6;
	s8 =	simm.s32 $0x20;
	s9 =	simm.s32 $0x100;
	[tilespmem:$0x1FF80] =	vst v9  }
0x37: {  	vm13 =	vcmask $0x3F2C;
	vm15 =	vcmask $0x3F30;
	vm14 =	vcmask $0x3F34;
	s6 =	smax.u32 s7, $0x1;
	s7 =	simm.s32 $0x2;
	_ =	strace $0x80000047  }
.LBB2_1:
0x38: {  	[tilespmem:s3], [sflag:$0x2] =	stream.linear.gather [hbm4b:s4+s3], $0x20, $0x38;
	[tilespmem:$0x1200] =	vst v63  }
0x39: {  	_ =	swait.ge [sflag:s7], $0x20  }
0x3a: {  	v1 =	vld [tilespmem:$0x1FD80]  }
0x3b: {  	v2 =	vld [tilespmem:$0x1FD90]  }
0x3c: {  	v3 =	vld [tilespmem:$0x1FDA0]  }
0x3d: {  	v4 =	vld [tilespmem:$0x1FDB0]  }
0x3e: {  	v5 =	vld [tilespmem:$0x1FDC0]  }
0x3f: {  	v6 =	vld [tilespmem:$0x1FDD0]  }
0x40: {  	v46 =	vld [tilespmem:$0x1FDE0]  }
0x41: {  	v47 =	vld [tilespmem:$0x1FDF0]  }
0x42: {  	v48 =	vld [tilespmem:$0x1FE00]  }
0x43: {  	v49 =	vld [tilespmem:$0x1FE10]  }
0x44: {  	v50 =	vld [tilespmem:$0x1FE20]  }
0x45: {  	v51 =	vld [tilespmem:$0x1FE30]  }
0x46: {  	v52 =	vld [tilespmem:$0x1FE40]  }
0x47: {  	[sflag:s7] =	ssyncset.done $0x0;
	v53 =	vld [tilespmem:$0x1FE50]  }
0x48: {  	v54 =	vld [tilespmem:$0x1FE60];
	[sflag:s7] =	ssyncadd.s32 $0xFFFFFFE0  }
0x49: {  	v0 =	vld [tilespmem:$0x0]  }
0x4a: {  	v1 =	vld.idx.msk [tilespmem:v1+s3+$0x0], $0xffff  }
0x4b: {  	v2 =	vld.idx.msk [tilespmem:v2+s3+$0x0], $0xffff  }
0x4c: {  	v3 =	vld.idx.msk [tilespmem:v3+s3+$0x0], $0xffff  }
0x4d: {  	v4 =	vld.idx.msk [tilespmem:v4+s3+$0x0], $0xffff  }
0x4e: {  	v5 =	vld.idx.msk [tilespmem:v5+s3+$0x0], $0xffff  }
0x4f: {  	v6 =	vld.idx.msk [tilespmem:v6+s3+$0x0], $0xffff  }
0x50: {  	vm3 =	vcmask $0x3F04;
	vm0 =	veq.s32 v0, v1;
	vm1 =	veq.s32 v0, v2;
	v1 =	vld.idx.msk [tilespmem:v46+s3+$0x0], $0xffff  }
0x51: {  	vm2 =	veq.s32 v0, v3;
	v2 =	vld.idx.msk [tilespmem:v47+s3+$0x0], $0xffff;
	vm0 =	vmand vm0, vm3;
	vm1 =	vmand vm1, vm4  }
0x52: {  	v3 =	vld.idx.msk [tilespmem:v48+s3+$0x0], $0xffff;
	vm0 =	vmor vm0, vm1;
	vm1 =	vmand vm2, vm5;
	vm2 =	veq.s32 v0, v4  }
0x53: {  	v4 =	vld.idx.msk [tilespmem:v49+s3+$0x0], $0xffff;
	vm0 =	vmor vm0, vm1;
	vm1 =	vmand vm2, vm6;
	vm2 =	veq.s32 v0, v5  }
0x54: {  	v5 =	vld.idx.msk [tilespmem:v50+s3+$0x0], $0xffff;
	vm0 =	vmor vm0, vm1;
	vm1 =	vmand vm2, vm7;
	vm2 =	veq.s32 v0, v6  }
0x55: {  	vm0 =	vmor vm0, vm1;
	vm1 =	vmand vm2, vm8;
	vm2 =	veq.s32 v0, v1;
	v1 =	vld.idx.msk [tilespmem:v51+s3+$0x0], $0xffff  }
0x56: {  	vm0 =	vmor vm0, vm1;
	vm1 =	vmand vm2, vm9;
	vm2 =	veq.s32 v0, v2;
	v2 =	vld.idx.msk [tilespmem:v52+s3+$0x0], $0xffff  }
0x57: {  	vm0 =	vmor vm0, vm1;
	vm1 =	vmand vm2, vm10;
	vm2 =	veq.s32 v0, v3  }
0x58: {  	v3 =	vld.idx.msk [tilespmem:v53+s3+$0x0], $0xffff;
	vm0 =	vmor vm0, vm1;
	vm1 =	vmand vm2, vm11;
	vm2 =	veq.s32 v0, v4  }
0x59: {  	v4 =	vld.idx.msk [tilespmem:v54+s3+$0x0], $0xffff;
	vm0 =	vmor vm0, vm1;
	vm1 =	vmand vm2, vm12;
	vm2 =	veq.s32 v0, v5  }
0x5a: {  	vm0 =	vmor vm0, vm1;
	vm1 =	vmand vm2, vm13;
	vm2 =	veq.s32 v0, v1  }
0x5b: {  	v57 =	vld [tilespmem:$0x1FE90];
	vm0 =	vmor vm0, vm1;
	vm1 =	vmand vm2, vm15;
	vm2 =	veq.s32 v0, v2  }
0x5c: {  	v58 =	vld [tilespmem:$0x1FED0];
	vm0 =	vmor vm0, vm1;
	vm1 =	vmand vm2, vm14  }
0x5d: {  	v59 =	vld [tilespmem:$0x1FEE0];
	vm2 =	veq.s32 v0, v3;
	vm0 =	vmor vm0, vm1;
	vm1 =	vcmask $0x3F38  }
0x5e: {  	v60 =	vld [tilespmem:$0x1FEC0];
	vm3 =	vcmask $0x3F3C;
	vm1 =	vmand vm2, vm1;
	vm2 =	veq.s32 v0, v4  }
0x5f: {  	v11 =	vld [tilespmem:$0x1FFF0];
	vm0 =	vmor vm0, vm1;
	vm1 =	vmand vm2, vm3  }
0x60: {  	v62 =	vld [tilespmem:$0x1FF20];
	vm0 =	vmor vm0, vm1  }
0x61: {  	v63 =	vld [tilespmem:$0x1FF50];
	vm1 =	vmneg vm0  }
0x62: {  	v9 =	vld [tilespmem:$0x1FF30];
	v55 =	vmpcnt.ones.xlane vm1  }
0x63: {  	v7 =	vld [tilespmem:$0x1FF40]  }
0x64: {  	v10 =	vld [tilespmem:$0x1FF10];
	v0 =	vcvt.s32.f32 v55  }
0x65: {  	v12 =	vld [tilespmem:$0x1FE70]  }
0x66: {  	v8 =	vld [tilespmem:$0x1FE80];
	(erf) = vrcp.f32 v0  }
0x67: {  	v13 =	vld [tilespmem:$0x1FF80]  }
0x68: {  	v14 =	vld [tilespmem:$0x1FFB0]  }
0x69: {  	v15 =	vld [tilespmem:$0x1FEF0]  }
0x6a: {  	v16 =	vld [tilespmem:$0x1FF00]  }
0x6b: {  	v17 =	vld [tilespmem:$0x1FFE0]  }
0x6c: {  	v18 =	vld [tilespmem:$0x1FF60]  }
0x6d: {  	v19 =	vld [tilespmem:$0x1FF70]  }
0x6e: {  	v20 =	vld [tilespmem:$0x1FF90]  }
0x6f: {  	v21 =	vld [tilespmem:$0x1FFA0];
	v0 =	vpop (erf)  }
0x70: {  	v56 =	vld [tilespmem:$0x10];
	v0 =	vsel vm0, $0x0, v0;
	vm0 =	vcmask $0x1F10  }
0x71: {  	[tilespmem:$0x80] =	vst v0;
	v5 =	vsel vm0, v62, v63;
	v6 =	vsel vm0, v7, v9;
	v9 =	vld [tilespmem:$0x1FEA0]  }
0x72: {  	v5 =	vcombine.low v6, v5;
	v6 =	vld.idx.msk [tilespmem:v10+s3+$0x0], $0xffff  }
0x73: {  	v10 =	vld [tilespmem:$0x1FEB0]  }
0x74: {  	v2 =	vsel vm0, v59, v58;
	v1 =	vld.idx.msk [tilespmem:v57+s3+$0x0], $0xffff  }
0x75: {  	v3 =	vld.idx.msk [tilespmem:v60+s3+$0x0], $0xffff;
	v61 =	vcombine.low v2, v11  }
0x76: {  	v22 =	vld [tilespmem:$0x1FFC0]  }
0x77: {  	v23 =	vld [tilespmem:$0x1FFD0];
	v7 =	vcombine.low v12, v8  }
0x78: {  	v8 =	vld.idx.msk [tilespmem:v13+s3+$0x0], $0xffff;
	v40 =	vcombine.low v9, v10  }
0x79: {  	v42 =	vcombine.low v15, v16;
	vm2 =	vcmask $0x3F04;
	v41 =	vld.idx.msk [tilespmem:v14+s3+$0x0], $0xffff  }
0x7a: {  	vm0 =	veq.s32 v56, v1;
	vm1 =	veq.s32 v56, v3;
	v1 =	vld.idx.msk [tilespmem:v17+s3+$0x0], $0xffff;
	v3 =	vcombine.low v18, v19  }
0x7b: {  	v43 =	vcombine.low v20, v21;
	vm0 =	vmand vm0, vm2;
	vm1 =	vmand vm1, vm4;
	v4 =	vld.idx.msk [tilespmem:v61+s3+$0x0], $0xffff  }
0x7c: {  	v2 =	vcombine.low v11, v2;
	v5 =	vld.idx.msk [tilespmem:v5+s3+$0x0], $0xffff;
	vm0 =	vmor vm0, vm1;
	vm1 =	veq.s32 v56, v6  }
0x7d: {  	v7 =	vld.idx.msk [tilespmem:v7+s3+$0x0], $0xffff;
	vm2 =	veq.s32 v56, v8;
	v6 =	vcombine.low v22, v23;
	vm1 =	vmand vm1, vm5  }
0x7e: {  	vm0 =	vmor vm0, vm1;
	vm1 =	vmand vm2, vm6;
	vm2 =	veq.s32 v56, v41;
	v24 =	vld.idx.msk [tilespmem:v40+s3+$0x0], $0xffff  }
0x7f: {  	v25 =	vld.idx.msk [tilespmem:v42+s3+$0x0], $0xffff;
	vm0 =	vmor vm0, vm1;
	vm1 =	vmand vm2, vm7;
	vm2 =	veq.s32 v56, v1  }
0x80: {  	vm0 =	vmor vm0, vm1;
	vm1 =	vmand vm2, vm8;
	vm2 =	veq.s32 v56, v4;
	v3 =	vld.idx.msk [tilespmem:v3+s3+$0x0], $0xffff  }
0x81: {  	v26 =	vld.idx.msk [tilespmem:v43+s3+$0x0], $0xffff;
	vm0 =	vmor vm0, vm1;
	vm1 =	vmand vm2, vm9;
	vm2 =	veq.s32 v56, v5  }
0x82: {  	vm0 =	vmor vm0, vm1;
	vm1 =	vmand vm2, vm10;
	vm2 =	veq.s32 v56, v7  }
0x83: {  	v27 =	vld.idx.msk [tilespmem:v6+s3+$0x0], $0xffff;
	vm0 =	vmor vm0, vm1;
	vm1 =	vmand vm2, vm11;
	vm2 =	veq.s32 v56, v24  }
0x84: {  	v2 =	vld.idx.msk [tilespmem:v2+s3+$0x0], $0xffff;
	vm0 =	vmor vm0, vm1;
	vm1 =	vmand vm2, vm12;
	vm2 =	veq.s32 v56, v25  }
0x85: {  	vm0 =	vmor vm0, vm1;
	vm1 =	vmand vm2, vm13;
	vm2 =	veq.s32 v56, v3  }
0x86: {  	vm0 =	vmor vm0, vm1;
	vm1 =	vmand vm2, vm15;
	vm2 =	veq.s32 v56, v26  }
0x87: {  	vm0 =	vmor vm0, vm1;
	vm1 =	vmand vm2, vm14  }
0x88: {  	vm2 =	veq.s32 v56, v27;
	vm0 =	vmor vm0, vm1;
	vm1 =	vcmask $0x3F38  }
0x89: {  	vm1 =	vmand vm2, vm1;
	vm2 =	veq.s32 v56, v2  }
0x8a: {  	vm0 =	vmor vm0, vm1;
	vm1 =	vmand vm2, vm3  }
0x8b: {  	vm0 =	vmor vm0, vm1  }
0x8c: {  	vm1 =	vmneg vm0  }
0x8d: {  	v28 =	vmpcnt.ones.xlane vm1;
	_ =	sdelay $0x1  }
0x8e: {  	v0 =	vcvt.s32.f32 v28;
	_ =	sdelay $0x1  }
0x8f: {  	(erf) = vrcp.f32 v0;
	_ =	sdelay $0x8  }
0x90: {  	v0 =	vpop (erf)  }
0x91: {  	v0 =	vsel vm0, $0x0, v0  }
0x92: {  	[tilespmem:$0x90] =	vst v0  }
0x93: {  	v29 =	vimm.s32 $0x1;
	[tilespmem:s9], [sflag:$0x1] =	stream.indirect.gather [hbm4b:s0+s8], $0x80, s3, s8, $0xb8;
	[tilespmem:$0x1200] =	vst v63  }
0x94: {  	v30 =	vimm.s32 $0x2;
	_ =	swait.ge [sflag:s10], $0x1000  }
0x95: {  	v31 =	vimm.s32 $0x3;
	[sflag:s10] =	ssyncset.done $0x0  }
0x96: {  	v32 =	vimm.s32 $0x4;
	[sflag:s10] =	ssyncadd.s32 $0xFFFFF000  }
0x97: {  	v33 =	vimm.s32 $0x5;
	v61 =	vld.msk [tilespmem:s11+$0x0], $0xffff  }
0x98: {  	v34 =	vimm.s32 $0x6;
	v62 =	vld.idx.msk [tilespmem:v29+s11+$0x0], $0xffff  }
0x99: {  	v35 =	vimm.s32 $0x7;
	v60 =	vld.idx.msk [tilespmem:v30+s11+$0x0], $0xffff  }
0x9a: {  	v36 =	vimm.s32 $0x8;
	v59 =	vld.idx.msk [tilespmem:v31+s11+$0x0], $0xffff  }
0x9b: {  	v37 =	vimm.s32 $0x9;
	v58 =	vld.idx.msk [tilespmem:v32+s11+$0x0], $0xffff  }
0x9c: {  	v38 =	vimm.s32 $0xA;
	v57 =	vld.idx.msk [tilespmem:v33+s11+$0x0], $0xffff  }
0x9d: {  	v39 =	vimm.s32 $0xB;
	v56 =	vld.idx.msk [tilespmem:v34+s11+$0x0], $0xffff  }
0x9e: {  	v40 =	vimm.s32 $0xC;
	v55 =	vld.idx.msk [tilespmem:v35+s11+$0x0], $0xffff  }
0x9f: {  	v41 =	vimm.s32 $0xD;
	v54 =	vld.idx.msk [tilespmem:v36+s11+$0x0], $0xffff  }
0xa0: {  	v42 =	vimm.s32 $0xE;
	v53 =	vld.idx.msk [tilespmem:v37+s11+$0x0], $0xffff  }
0xa1: {  	v43 =	vimm.s32 $0xF;
	v52 =	vld.idx.msk [tilespmem:v38+s11+$0x0], $0xffff  }
0xa2: {  	v51 =	vld.idx.msk [tilespmem:v39+s11+$0x0], $0xffff  }
0xa3: {  	v50 =	vld.idx.msk [tilespmem:v40+s11+$0x0], $0xffff  }
0xa4: {  	v49 =	vld.idx.msk [tilespmem:v41+s11+$0x0], $0xffff  }
0xa5: {  	v48 =	vld.idx.msk [tilespmem:v42+s11+$0x0], $0xffff  }
0xa6: {  	v47 =	vld.idx.msk [tilespmem:v43+s11+$0x0], $0xffff  }
0xa7: {  	v0 =	vld [tilespmem:$0x100]  }
0xa8: {  	v3 =	vld [tilespmem:$0x180]  }
0xa9: {  	v5 =	vld [tilespmem:$0x200]  }
0xaa: {  	v6 =	vld [tilespmem:$0x280]  }
0xab: {  	v8 =	vld [tilespmem:$0x300]  }
0xac: {  	v40 =	vld [tilespmem:$0x380]  }
0xad: {  	v42 =	vld [tilespmem:$0x400]  }
0xae: {  	v45 =	vld [tilespmem:$0x480]  }
0xaf: {  	v46 =	vld [tilespmem:$0x500]  }
0xb0: {  	v63 =	vld [tilespmem:$0x580]  }
0xb1: {  	v9 =	vld [tilespmem:$0x600]  }
0xb2: {  	v10 =	vld [tilespmem:$0x680]  }
0xb3: {  	v11 =	vld [tilespmem:$0x700]  }
0xb4: {  	v12 =	vld [tilespmem:$0x780]  }
0xb5: {  	v13 =	vld [tilespmem:$0x800]  }
0xb6: {  	v2 =	vld [tilespmem:$0x880]  }
0xb7: {  	v14 =	vld [tilespmem:$0x110]  }
0xb8: {  	v17 =	vld [tilespmem:$0x190]  }
0xb9: {  	v26 =	vld [tilespmem:$0x210]  }
0xba: {  	v15 =	vld [tilespmem:$0x290]  }
0xbb: {  	v29 =	vld [tilespmem:$0x310]  }
0xbc: {  	v16 =	vld [tilespmem:$0x390]  }
0xbd: {  	v32 =	vld [tilespmem:$0x410]  }
0xbe: {  	v35 =	vld [tilespmem:$0x490]  }
0xbf: {  	v38 =	vld [tilespmem:$0x510]  }
0xc0: {  	v18 =	vld [tilespmem:$0x590]  }
0xc1: {  	v19 =	vld [tilespmem:$0x610]  }
0xc2: {  	v20 =	vld [tilespmem:$0x690]  }
0xc3: {  	v21 =	vld [tilespmem:$0x710]  }
0xc4: {  	v4 =	vld [tilespmem:$0x790]  }
0xc5: {  	v1 =	vld [tilespmem:$0x810]  }
0xc6: {  	v43 =	vld [tilespmem:$0x890]  }
0xc7: {  	v22 =	vld [tilespmem:$0x120]  }
0xc8: {  	v23 =	vld [tilespmem:$0x1A0]  }
0xc9: {  	v24 =	vld [tilespmem:$0x220]  }
0xca: {  	v25 =	vld [tilespmem:$0x2A0]  }
0xcb: {  	v27 =	vld [tilespmem:$0x320]  }
0xcc: {  	v28 =	vld [tilespmem:$0x3A0]  }
0xcd: {  	v30 =	vld [tilespmem:$0x420]  }
0xce: {  	v31 =	vld [tilespmem:$0x4A0]  }
0xcf: {  	v33 =	vld [tilespmem:$0x520]  }
0xd0: {  	v34 =	vld [tilespmem:$0x5A0]  }
0xd1: {  	v36 =	vld [tilespmem:$0x620]  }
0xd2: {  	v7 =	vld [tilespmem:$0x6A0];
	v0 =	vmul.f32 v0, v61;
	v3 =	vmul.f32 v3, v62  }
0xd3: {  	v41 =	vld [tilespmem:$0x8A0];
	v44 =	vmul.f32 v5, v60;
	v6 =	vmul.f32 v6, v59  }
0xd4: {  	v37 =	vmul.f32 v8, v58;
	v8 =	vld [tilespmem:$0x130];
	v14 =	vmul.f32 v14, v61  }
0xd5: {  	v17 =	vmul.f32 v17, v62;
	v39 =	vmul.f32 v45, v55;
	v45 =	vld [tilespmem:$0x330];
	v0 =	vadd.f32 v3, v0  }
0xd6: {  	v22 =	vmul.f32 v22, v61;
	v23 =	vmul.f32 v23, v62;
	v3 =	vld [tilespmem:$0x720]  }
0xd7: {  	v14 =	vadd.f32 v17, v14;
	v17 =	vmul.f32 v26, v60;
	v26 =	vld [tilespmem:$0x3B0];
	v5 =	vadd.f32 v44, v0  }
0xd8: {  	v22 =	vadd.f32 v23, v22;
	v23 =	vmul.f32 v24, v60;
	v24 =	vld [tilespmem:$0x140]  }
0xd9: {  	v0 =	vld [tilespmem:$0x7A0];
	v5 =	vadd.f32 v6, v5  }
0xda: {  	v15 =	vmul.f32 v15, v59;
	v44 =	vld [tilespmem:$0x820];
	v14 =	vadd.f32 v17, v14  }
0xdb: {  	v17 =	vld [tilespmem:$0x4B0];
	v5 =	vadd.f32 v37, v5;
	v37 =	vmul.f32 v40, v57  }
0xdc: {  	v22 =	vadd.f32 v23, v22;
	v23 =	vld [tilespmem:$0x440];
	v14 =	vadd.f32 v15, v14;
	v15 =	vmul.f32 v29, v58  }
0xdd: {  	v6 =	vmul.f32 v42, v56;
	v40 =	vld [tilespmem:$0x1B0];
	v5 =	vadd.f32 v37, v5  }
0xde: {  	v42 =	vld [tilespmem:$0x230];
	v14 =	vadd.f32 v15, v14;
	v15 =	vmul.f32 v16, v57  }
0xdf: {  	v29 =	vld [tilespmem:$0x5B0];
	v5 =	vadd.f32 v6, v5  }
0xe0: {  	v16 =	vld [tilespmem:$0x6B0];
	v14 =	vadd.f32 v15, v14  }
0xe1: {  	v37 =	vld [tilespmem:$0x2B0];
	v15 =	vmul.f32 v32, v56;
	v5 =	vadd.f32 v39, v5;
	v39 =	vmul.f32 v46, v54  }
0xe2: {  	v8 =	vmul.f32 v8, v61;
	v32 =	vld [tilespmem:$0x7B0];
	v40 =	vmul.f32 v40, v62  }
0xe3: {  	v63 =	vmul.f32 v63, v53;
	v14 =	vadd.f32 v15, v14;
	v15 =	vld [tilespmem:$0x1C0];
	v5 =	vadd.f32 v39, v5  }
0xe4: {  	v46 =	vld [tilespmem:$0x430];
	v8 =	vadd.f32 v40, v8;
	v40 =	vmul.f32 v42, v60  }
0xe5: {  	v39 =	vld [tilespmem:$0x530];
	v5 =	vadd.f32 v63, v5;
	v63 =	vmul.f32 v9, v52  }
0xe6: {  	v8 =	vadd.f32 v40, v8;
	v40 =	vmul.f32 v37, v59;
	v37 =	vmul.f32 v45, v58;
	v45 =	vld [tilespmem:$0x7C0]  }
0xe7: {  	v9 =	vld [tilespmem:$0x630];
	v5 =	vadd.f32 v63, v5;
	v63 =	vmul.f32 v10, v51  }
0xe8: {  	v8 =	vadd.f32 v40, v8;
	v40 =	vmul.f32 v26, v57;
	v26 =	vld [tilespmem:$0x6C0]  }
0xe9: {  	v11 =	vmul.f32 v11, v50;
	v10 =	vld [tilespmem:$0x730];
	v6 =	vadd.f32 v63, v5  }
0xea: {  	v35 =	vmul.f32 v35, v55;
	v63 =	vld [tilespmem:$0x830]  }
0xeb: {  	v5 =	vld [tilespmem:$0x8B0];
	v6 =	vadd.f32 v11, v6  }
0xec: {  	v11 =	vadd.f32 v35, v14;
	v35 =	vmul.f32 v38, v54;
	v38 =	vmul.f32 v25, v59;
	v25 =	vld [tilespmem:$0x240]  }
0xed: {  	v12 =	vmul.f32 v12, v49;
	v14 =	vld [tilespmem:$0x3C0]  }
0xee: {  	v11 =	vadd.f32 v35, v11;
	v35 =	vld [tilespmem:$0x2C0];
	v22 =	vadd.f32 v38, v22;
	v38 =	vmul.f32 v27, v58  }
0xef: {  	v13 =	vmul.f32 v13, v48;
	v27 =	vld [tilespmem:$0x340];
	v6 =	vadd.f32 v12, v6  }
0xf0: {  	v18 =	vmul.f32 v18, v53;
	v42 =	vadd.f32 v38, v22;
	v38 =	vmul.f32 v28, v57;
	v28 =	vld [tilespmem:$0x4C0]  }
0xf1: {  	v13 =	vadd.f32 v13, v6;
	v6 =	vld [tilespmem:$0x740]  }
0xf2: {  	v19 =	vmul.f32 v19, v52;
	v2 =	vmul.f32 v2, v47;
	v11 =	vadd.f32 v18, v11;
	v22 =	vld [tilespmem:$0x7D0]  }
0xf3: {  	v8 =	vadd.f32 v37, v8;
	v18 =	vadd.f32 v38, v42;
	v42 =	vmul.f32 v30, v56;
	v30 =	vld [tilespmem:$0x540]  }
0xf4: {  	v20 =	vmul.f32 v20, v51;
	v11 =	vadd.f32 v19, v11;
	v19 =	vld [tilespmem:$0x5C0]  }
0xf5: {  	v8 =	vadd.f32 v40, v8;
	v38 =	vmul.f32 v31, v55;
	v31 =	vld [tilespmem:$0x640];
	v40 =	vadd.f32 v2, v13  }
0xf6: {  	v13 =	vld [tilespmem:$0x1D0];
	v18 =	vadd.f32 v42, v18;
	v42 =	vmul.f32 v33, v54;
	v33 =	vmul.f32 v46, v56  }
0xf7: {  	v21 =	vmul.f32 v21, v50;
	v11 =	vadd.f32 v20, v11;
	v20 =	vld [tilespmem:$0x350]  }
0xf8: {  	v18 =	vadd.f32 v38, v18;
	v12 =	vadd.f32 v33, v8;
	v8 =	vld [tilespmem:$0x8C0]  }
0xf9: {  	v17 =	vmul.f32 v17, v55;
	v11 =	vadd.f32 v21, v11;
	v21 =	vld [tilespmem:$0x150]  }
0xfa: {  	v34 =	vmul.f32 v34, v53;
	v4 =	vmul.f32 v4, v49;
	v18 =	vadd.f32 v42, v18;
	v42 =	vld [tilespmem:$0x840]  }
0xfb: {  	v1 =	vmul.f32 v1, v48;
	v15 =	vmul.f32 v15, v62;
	v37 =	vadd.f32 v17, v12;
	v17 =	vld [tilespmem:$0x250]  }
0xfc: {  	v46 =	vmul.f32 v29, v53;
	v29 =	vmul.f32 v24, v61;
	v4 =	vadd.f32 v4, v11;
	v11 =	vld [tilespmem:$0x3D0]  }
0xfd: {  	v36 =	vmul.f32 v36, v52;
	v7 =	vmul.f32 v7, v51;
	v12 =	vld [tilespmem:$0x550];
	v18 =	vadd.f32 v34, v18  }
0xfe: {  	v38 =	vmul.f32 v39, v54;
	v1 =	vadd.f32 v1, v4;
	v4 =	vadd.f32 v15, v29;
	v15 =	vld [tilespmem:$0x450]  }
0xff: {  	v9 =	vmul.f32 v9, v52;
	v33 =	vmul.f32 v25, v60;
	v39 =	vadd.f32 v36, v18;
	v18 =	vld [tilespmem:$0x2D0]  }
0x100: {  	v2 =	vadd.f32 v38, v37;
	v34 =	vmul.f32 v43, v47;
	v36 =	vmul.f32 v16, v51;
	v16 =	vld [tilespmem:$0x4D0]  }
0x101: {  	v38 =	vmul.f32 v0, v49;
	v4 =	vadd.f32 v33, v4;
	v33 =	vmul.f32 v14, v57;
	v14 =	vld [tilespmem:$0x750]  }
0x102: {  	v2 =	vadd.f32 v46, v2;
	v0 =	vadd.f32 v34, v1;
	v34 =	vmul.f32 v63, v48;
	v63 =	vld [tilespmem:$0x260]  }
0x103: {  	v37 =	vmul.f32 v35, v59;
	v7 =	vadd.f32 v7, v39;
	v39 =	vmul.f32 v10, v50;
	v10 =	vld [tilespmem:$0x5D0]  }
0x104: {  	v3 =	vmul.f32 v3, v50;
	v2 =	vadd.f32 v9, v2;
	v9 =	vld [tilespmem:$0x6D0]  }
0x105: {  	v46 =	vmul.f32 v27, v58;
	v43 =	vadd.f32 v37, v4;
	v37 =	vld [tilespmem:$0x160]  }
0x106: {  	v3 =	vadd.f32 v3, v7;
	v7 =	vld [tilespmem:$0x650]  }
0x107: {  	v1 =	vadd.f32 v46, v43;
	v43 =	vld [tilespmem:$0x170]  }
0x108: {  	v46 =	vld [tilespmem:$0x1F0]  }
0x109: {  	v2 =	vadd.f32 v36, v2;
	v36 =	vmul.f32 v28, v55;
	v28 =	vmul.f32 v31, v52;
	v31 =	vld [tilespmem:$0x2E0]  }
0x10a: {  	v4 =	vadd.f32 v33, v1;
	v1 =	vld [tilespmem:$0x8D0]  }
0x10b: {  	v32 =	vmul.f32 v32, v49;
	v2 =	vadd.f32 v39, v2;
	v39 =	vld [tilespmem:$0x1E0]  }
0x10c: {  	v29 =	vmul.f32 v44, v48;
	v3 =	vadd.f32 v38, v3;
	v33 =	vld [tilespmem:$0x2F0]  }
0x10d: {  	v13 =	vmul.f32 v13, v62;
	v21 =	vmul.f32 v21, v61;
	v24 =	vadd.f32 v32, v2;
	v2 =	vld [tilespmem:$0x850]  }
0x10e: {  	v23 =	vmul.f32 v23, v56;
	v3 =	vadd.f32 v29, v3;
	v29 =	vld [tilespmem:$0x270]  }
0x10f: {  	v44 =	vmul.f32 v20, v58;
	v13 =	vadd.f32 v13, v21;
	v32 =	vmul.f32 v37, v61;
	v37 =	vld [tilespmem:$0x3E0]  }
0x110: {  	v17 =	vmul.f32 v17, v60;
	v4 =	vadd.f32 v23, v4;
	v20 =	vmul.f32 v46, v62;
	v46 =	vld [tilespmem:$0x470]  }
0x111: {  	v35 =	vmul.f32 v41, v47;
	v24 =	vadd.f32 v34, v24;
	v34 =	vld [tilespmem:$0x360]  }
0x112: {  	v13 =	vadd.f32 v17, v13;
	v4 =	vadd.f32 v36, v4;
	v36 =	vld [tilespmem:$0x370]  }
0x113: {  	v38 =	vmul.f32 v18, v59;
	v3 =	vadd.f32 v35, v3;
	v35 =	vmul.f32 v63, v60;
	v63 =	vld [tilespmem:$0x560]  }
0x114: {  	v25 =	vmul.f32 v43, v61;
	v18 =	vmul.f32 v39, v62;
	v39 =	vld [tilespmem:$0x3F0]  }
0x115: {  	v13 =	vadd.f32 v38, v13;
	v38 =	vmul.f32 v31, v59;
	v43 =	vmul.f32 v33, v59;
	v59 =	vld [tilespmem:$0x4E0]  }
0x116: {  	v41 =	vmul.f32 v30, v54;
	v62 =	vld [tilespmem:$0x4F0]  }
0x117: {  	v33 =	vld [tilespmem:$0x5F0]  }
0x118: {  	v4 =	vadd.f32 v41, v4;
	v41 =	vld [tilespmem:$0x460]  }
0x119: {  	v5 =	vmul.f32 v5, v47;
	[tilespmem:$0x1120] =	vst v3;
	v3 =	vld [tilespmem:$0xF20]  }
0x11a: {  	v11 =	vmul.f32 v11, v57;
	v13 =	vadd.f32 v44, v13;
	v17 =	vmul.f32 v29, v60;
	v29 =	vld [tilespmem:$0x5E0]  }
0x11b: {  	v6 =	vmul.f32 v6, v50;
	v5 =	vadd.f32 v5, v24;
	v61 =	vmul.f32 v37, v57;
	v37 =	vld [tilespmem:$0x670]  }
0x11c: {  	v11 =	vadd.f32 v11, v13;
	v13 =	vadd.f32 v18, v32;
	v31 =	vmul.f32 v46, v56;
	v46 =	vld [tilespmem:$0x770]  }
0x11d: {  	v19 =	vmul.f32 v19, v53;
	v30 =	vmul.f32 v26, v51;
	[tilespmem:$0x1130] =	vst v5;
	v5 =	vld [tilespmem:$0xE20]  }
0x11e: {  	v8 =	vmul.f32 v8, v47;
	v12 =	vmul.f32 v12, v54;
	v13 =	vadd.f32 v35, v13;
	v35 =	vld [tilespmem:$0x660]  }
0x11f: {  	v4 =	vadd.f32 v19, v4;
	v44 =	vmul.f32 v34, v58;
	v18 =	vmul.f32 v36, v58;
	v58 =	vld [tilespmem:$0x860]  }
0x120: {  	v15 =	vmul.f32 v15, v56;
	v36 =	vmul.f32 v63, v54;
	v63 =	vld [tilespmem:$0x8F0]  }
0x121: {  	v16 =	vmul.f32 v16, v55;
	v20 =	vadd.f32 v20, v25;
	v4 =	vadd.f32 v28, v4;
	v28 =	vld [tilespmem:$0x570]  }
0x122: {  	v10 =	vmul.f32 v10, v53;
	v11 =	vadd.f32 v15, v11;
	v32 =	vmul.f32 v59, v55;
	v59 =	vld [tilespmem:$0x870]  }
0x123: {  	v9 =	vmul.f32 v9, v51;
	v17 =	vadd.f32 v17, v20;
	v13 =	vadd.f32 v38, v13;
	v38 =	vld [tilespmem:$0x6E0]  }
0x124: {  	v7 =	vmul.f32 v7, v52;
	v27 =	vmul.f32 v41, v56;
	v41 =	vld [tilespmem:$0x6F0]  }
0x125: {  	v34 =	vmul.f32 v45, v49;
	v11 =	vadd.f32 v16, v11;
	v17 =	vadd.f32 v43, v17;
	v43 =	vld [tilespmem:$0x760]  }
0x126: {  	v25 =	vmul.f32 v39, v57;
	v56 =	vld [tilespmem:$0x7F0];
	v4 =	vadd.f32 v30, v4;
	v60 =	vadd.f32 v44, v13  }
0x127: {  	v11 =	vadd.f32 v12, v11;
	v17 =	vadd.f32 v18, v17;
	v13 =	vmul.f32 v28, v54;
	v54 =	vld [tilespmem:$0x7E0]  }
0x128: {  	v39 =	vmul.f32 v29, v53;
	v4 =	vadd.f32 v6, v4;
	v26 =	vadd.f32 v61, v60;
	v60 =	vld [tilespmem:$0x8E0]  }
0x129: {  	v10 =	vadd.f32 v10, v11;
	v30 =	vadd.f32 v25, v17;
	v61 =	vmul.f32 v46, v50;
	v46 =	vld [tilespmem:$0x980]  }
0x12a: {  	v44 =	vmul.f32 v33, v53;
	v53 =	vmul.f32 v42, v48;
	v17 =	vld [tilespmem:$0xF80];
	v4 =	vadd.f32 v34, v4  }
0x12b: {  	v15 =	vmul.f32 v62, v55;
	v7 =	vadd.f32 v7, v10;
	v10 =	vld [tilespmem:$0xC00];
	v16 =	vadd.f32 v31, v30  }
0x12c: {  	v6 =	vadd.f32 v27, v26;
	v26 =	vmul.f32 v63, v47;
	v63 =	vld [tilespmem:$0x1010];
	v4 =	vadd.f32 v53, v4  }
0x12d: {  	v14 =	vmul.f32 v14, v50;
	v7 =	vadd.f32 v9, v7;
	v15 =	vadd.f32 v15, v16;
	v16 =	vld [tilespmem:$0xF00]  }
0x12e: {  	v6 =	vadd.f32 v32, v6;
	v23 =	vadd.f32 v8, v4;
	v4 =	vld [tilespmem:$0xA00]  }
0x12f: {  	v57 =	vmul.f32 v22, v49;
	v7 =	vadd.f32 v14, v7;
	v14 =	vld [tilespmem:$0xE00]  }
0x130: {  	v8 =	vld [tilespmem:$0xDA0];
	v6 =	vadd.f32 v36, v6;
	v13 =	vadd.f32 v13, v15  }
0x131: {  	v2 =	vmul.f32 v2, v48;
	v12 =	vmul.f32 v37, v52;
	v15 =	vld [tilespmem:$0xE80];
	v7 =	vadd.f32 v57, v7  }
0x132: {  	v45 =	vmul.f32 v35, v52;
	[tilespmem:$0x1140] =	vst v23;
	v23 =	vld [tilespmem:$0xB90];
	v6 =	vadd.f32 v39, v6;
	v13 =	vadd.f32 v44, v13  }
0x133: {  	v20 =	vmul.f32 v1, v47;
	v55 =	vmul.f32 v38, v51;
	v2 =	vadd.f32 v2, v7;
	v7 =	vld [tilespmem:$0xB00]  }
0x134: {  	v11 =	vmul.f32 v41, v51;
	v6 =	vadd.f32 v45, v6;
	v12 =	vadd.f32 v12, v13;
	v45 =	vld [tilespmem:$0x900]  }
0x135: {  	[tilespmem:$0x1110] =	vst v0;
	v13 =	vld [tilespmem:$0xD80];
	v0 =	vadd.f32 v20, v2  }
0x136: {  	v9 =	vmul.f32 v43, v50;
	v20 =	vld [tilespmem:$0xA10];
	v6 =	vadd.f32 v55, v6;
	v11 =	vadd.f32 v11, v12  }
0x137: {  	v18 =	vmul.f32 v56, v49;
	v2 =	vld [tilespmem:$0xEA0]  }
0x138: {  	v62 =	vmul.f32 v54, v49;
	v12 =	vld [tilespmem:$0xD00];
	v6 =	vadd.f32 v9, v6;
	v11 =	vadd.f32 v61, v11  }
0x139: {  	v9 =	vld [tilespmem:$0xB80]  }
0x13a: {  	v19 =	vmul.f32 v58, v48;
	v6 =	vadd.f32 v62, v6;
	v21 =	vadd.f32 v18, v11;
	v11 =	vld [tilespmem:$0xC80]  }
0x13b: {  	v18 =	vld [tilespmem:$0x910]  }
0x13c: {  	v22 =	vmul.f32 v59, v48;
	v24 =	vadd.f32 v19, v6;
	v6 =	vld [tilespmem:$0xA80]  }
0x13d: {  	v19 =	vld [tilespmem:$0x990]  }
0x13e: {  	v25 =	vmul.f32 v60, v47;
	v1 =	vadd.f32 v22, v21;
	v21 =	vld [tilespmem:$0xA90]  }
0x13f: {  	v22 =	vld [tilespmem:$0xB10]  }
0x140: {  	v29 =	vimm.s32 $0x10;
	v27 =	vadd.f32 v25, v24;
	v24 =	vld [tilespmem:$0xC10]  }
0x141: {  	[tilespmem:$0x1100] =	vst v40;
	v30 =	vimm.s32 $0x11;
	v25 =	vld [tilespmem:$0xC90]  }
0x142: {  	v31 =	vimm.s32 $0x12;
	[tilespmem:$0x1150] =	vst v0;
	v28 =	vadd.f32 v26, v1;
	v26 =	vld [tilespmem:$0xD10]  }
0x143: {  	v32 =	vimm.s32 $0x13;
	[tilespmem:$0x1160] =	vst v27;
	v27 =	vld [tilespmem:$0xD90]  }
0x144: {  	v33 =	vimm.s32 $0x14;
	[tilespmem:$0x1170] =	vst v28;
	v28 =	vld [tilespmem:$0xE10]  }
0x145: {  	v34 =	vimm.s32 $0x15;
	v61 =	vld.idx.msk [tilespmem:v29+s11+$0x0], $0xffff  }
0x146: {  	v35 =	vimm.s32 $0x16;
	v62 =	vld.idx.msk [tilespmem:v30+s11+$0x0], $0xffff  }
0x147: {  	v36 =	vimm.s32 $0x17;
	v60 =	vld.idx.msk [tilespmem:v31+s11+$0x0], $0xffff  }
0x148: {  	v37 =	vimm.s32 $0x18;
	v59 =	vld.idx.msk [tilespmem:v32+s11+$0x0], $0xffff  }
0x149: {  	v38 =	vimm.s32 $0x19;
	v58 =	vld.idx.msk [tilespmem:v33+s11+$0x0], $0xffff  }
0x14a: {  	v39 =	vimm.s32 $0x1A;
	v57 =	vld.idx.msk [tilespmem:v34+s11+$0x0], $0xffff  }
0x14b: {  	v40 =	vimm.s32 $0x1B;
	v56 =	vld.idx.msk [tilespmem:v35+s11+$0x0], $0xffff  }
0x14c: {  	v41 =	vimm.s32 $0x1C;
	v55 =	vld.idx.msk [tilespmem:v36+s11+$0x0], $0xffff  }
0x14d: {  	v42 =	vimm.s32 $0x1D;
	v54 =	vld.idx.msk [tilespmem:v37+s11+$0x0], $0xffff  }
0x14e: {  	v43 =	vimm.s32 $0x1E;
	v53 =	vld.idx.msk [tilespmem:v38+s11+$0x0], $0xffff  }
0x14f: {  	v44 =	vimm.s32 $0x1F;
	v52 =	vld.idx.msk [tilespmem:v39+s11+$0x0], $0xffff  }
0x150: {  	v51 =	vld.idx.msk [tilespmem:v40+s11+$0x0], $0xffff  }
0x151: {  	v50 =	vld.idx.msk [tilespmem:v41+s11+$0x0], $0xffff  }
0x152: {  	v49 =	vld.idx.msk [tilespmem:v42+s11+$0x0], $0xffff  }
0x153: {  	v48 =	vld.idx.msk [tilespmem:v43+s11+$0x0], $0xffff  }
0x154: {  	v47 =	vld.idx.msk [tilespmem:v44+s11+$0x0], $0xffff  }
0x155: {  	v41 =	vld [tilespmem:$0x1000]  }
0x156: {  	v42 =	vld [tilespmem:$0x1080]  }
0x157: {  	v29 =	vld [tilespmem:$0xE90]  }
0x158: {  	v30 =	vld [tilespmem:$0xF10]  }
0x159: {  	v31 =	vld [tilespmem:$0xF90]  }
0x15a: {  	v43 =	vld [tilespmem:$0x1090]  }
0x15b: {  	v32 =	vld [tilespmem:$0x920]  }
0x15c: {  	v33 =	vld [tilespmem:$0x9A0]  }
0x15d: {  	v34 =	vld [tilespmem:$0xA20]  }
0x15e: {  	v35 =	vld [tilespmem:$0xAA0]  }
0x15f: {  	v36 =	vld [tilespmem:$0xB20]  }
0x160: {  	v37 =	vld [tilespmem:$0xBA0]  }
0x161: {  	v38 =	vld [tilespmem:$0xC20]  }
0x162: {  	v39 =	vld [tilespmem:$0xCA0]  }
0x163: {  	v40 =	vld [tilespmem:$0xD20]  }
0x164: {  	v44 =	vld [tilespmem:$0x1020];
	v0 =	vmul.f32 v45, v61;
	v1 =	vmul.f32 v46, v62  }
0x165: {  	v46 =	vld [tilespmem:$0xFA0];
	v45 =	vmul.f32 v18, v61;
	v19 =	vmul.f32 v19, v62  }
0x166: {  	v18 =	vld [tilespmem:$0x10A0];
	v0 =	vadd.f32 v1, v0;
	v1 =	vmul.f32 v4, v60  }
0x167: {  	v4 =	vadd.f32 v19, v45;
	v19 =	vmul.f32 v20, v60;
	v20 =	vld [tilespmem:$0x930]  }
0x168: {  	v45 =	vmul.f32 v6, v59;
	v6 =	vld [tilespmem:$0x9B0];
	v0 =	vadd.f32 v1, v0  }
0x169: {  	v4 =	vadd.f32 v19, v4;
	v19 =	vmul.f32 v21, v59;
	v21 =	vld [tilespmem:$0xA30]  }
0x16a: {  	v1 =	vmul.f32 v7, v58;
	v7 =	vmul.f32 v23, v57;
	v23 =	vld [tilespmem:$0xD30];
	v0 =	vadd.f32 v45, v0  }
0x16b: {  	v22 =	vmul.f32 v22, v58;
	v45 =	vld [tilespmem:$0xAB0];
	v4 =	vadd.f32 v19, v4  }
0x16c: {  	v19 =	vld [tilespmem:$0xB30];
	v0 =	vadd.f32 v1, v0;
	v1 =	vmul.f32 v9, v57  }
0x16d: {  	v20 =	vmul.f32 v20, v61;
	v6 =	vmul.f32 v6, v62;
	v9 =	vld [tilespmem:$0xBB0];
	v4 =	vadd.f32 v22, v4  }
0x16e: {  	v22 =	vld [tilespmem:$0xC30];
	v0 =	vadd.f32 v1, v0;
	v1 =	vmul.f32 v10, v56  }
0x16f: {  	v24 =	vmul.f32 v24, v56;
	v6 =	vadd.f32 v6, v20;
	v20 =	vld [tilespmem:$0xD40];
	v4 =	vadd.f32 v7, v4  }
0x170: {  	v10 =	vld [tilespmem:$0xCB0];
	v0 =	vadd.f32 v1, v0;
	v1 =	vmul.f32 v11, v55  }
0x171: {  	v7 =	vmul.f32 v25, v55;
	v25 =	vld [tilespmem:$0xF30];
	v4 =	vadd.f32 v24, v4  }
0x172: {  	v11 =	vld [tilespmem:$0xDB0];
	v0 =	vadd.f32 v1, v0;
	v1 =	vmul.f32 v12, v54  }
0x173: {  	v24 =	vld [tilespmem:$0xE30];
	v4 =	vadd.f32 v7, v4;
	v7 =	vmul.f32 v26, v54  }
0x174: {  	v12 =	vld [tilespmem:$0xEB0];
	v0 =	vadd.f32 v1, v0;
	v1 =	vmul.f32 v13, v53  }
0x175: {  	v27 =	vmul.f32 v27, v53;
	v13 =	vld [tilespmem:$0xFB0];
	v26 =	vadd.f32 v7, v4  }
0x176: {  	v16 =	vmul.f32 v16, v50;
	v7 =	vld [tilespmem:$0x1030];
	v0 =	vadd.f32 v1, v0;
	v1 =	vmul.f32 v14, v52  }
0x177: {  	v4 =	vld [tilespmem:$0x10B0];
	v14 =	vmul.f32 v15, v51;
	v15 =	vadd.f32 v27, v26;
	v26 =	vmul.f32 v28, v52  }
0x178: {  	v27 =	vmul.f32 v29, v51;
	v28 =	vld [tilespmem:$0x940];
	v29 =	vmul.f32 v33, v62  }
0x179: {  	v33 =	vmul.f32 v34, v60;
	v34 =	vmul.f32 v21, v60;
	v21 =	vld [tilespmem:$0xB40]  }
0x17a: {  	v30 =	vmul.f32 v30, v50;
	v0 =	vadd.f32 v1, v0;
	v1 =	vmul.f32 v32, v61;
	v32 =	vld [tilespmem:$0x9C0]  }
0x17b: {  	v36 =	vmul.f32 v36, v58;
	v17 =	vmul.f32 v17, v49;
	v15 =	vadd.f32 v26, v15;
	v26 =	vld [tilespmem:$0xA40]  }
0x17c: {  	v45 =	vmul.f32 v45, v59;
	v6 =	vadd.f32 v34, v6;
	v1 =	vadd.f32 v29, v1;
	v29 =	vld [tilespmem:$0xAC0]  }
0x17d: {  	v37 =	vmul.f32 v37, v57;
	v31 =	vmul.f32 v31, v49;
	v15 =	vadd.f32 v27, v15;
	v27 =	vld [tilespmem:$0xBC0]  }
0x17e: {  	v6 =	vadd.f32 v45, v6;
	v45 =	vmul.f32 v38, v56;
	v38 =	vmul.f32 v63, v48;
	v63 =	vld [tilespmem:$0x10C0]  }
0x17f: {  	v8 =	vmul.f32 v8, v53;
	v0 =	vadd.f32 v14, v0;
	v14 =	vmul.f32 v35, v59;
	v35 =	vld [tilespmem:$0xA50]  }
0x180: {  	v5 =	vmul.f32 v5, v52;
	v2 =	vmul.f32 v2, v51;
	v1 =	vadd.f32 v33, v1;
	v33 =	vld [tilespmem:$0xC40]  }
0x181: {  	v3 =	vmul.f32 v3, v50;
	v19 =	vmul.f32 v19, v58;
	v0 =	vadd.f32 v16, v0;
	v16 =	vld [tilespmem:$0xCC0]  }
0x182: {  	v9 =	vmul.f32 v9, v57;
	v10 =	vmul.f32 v10, v55;
	v15 =	vadd.f32 v30, v15;
	v30 =	vld [tilespmem:$0xDC0]  }
0x183: {  	v34 =	vmul.f32 v11, v53;
	v13 =	vmul.f32 v13, v49;
	v19 =	vadd.f32 v19, v6;
	v6 =	vld [tilespmem:$0xE40]  }
0x184: {  	v7 =	vmul.f32 v7, v48;
	v1 =	vadd.f32 v14, v1;
	v17 =	vadd.f32 v17, v0;
	v0 =	vld [tilespmem:$0xF40]  }
0x185: {  	v15 =	vadd.f32 v31, v15;
	v9 =	vadd.f32 v9, v19;
	v19 =	vmul.f32 v22, v56;
	v22 =	vld [tilespmem:$0x950]  }
0x186: {  	v11 =	vmul.f32 v35, v60;
	v35 =	vmul.f32 v29, v59;
	v29 =	vld [tilespmem:$0x970];
	v1 =	vadd.f32 v36, v1  }
0x187: {  	v4 =	vmul.f32 v4, v47;
	v36 =	vmul.f32 v41, v48;
	v9 =	vadd.f32 v19, v9;
	v41 =	vld [tilespmem:$0x1040]  }
0x188: {  	v15 =	vadd.f32 v38, v15;
	v38 =	vmul.f32 v42, v47;
	v19 =	vld [tilespmem:$0x9D0];
	v14 =	vadd.f32 v37, v1  }
0x189: {  	v1 =	vld [tilespmem:$0xEC0];
	v37 =	vmul.f32 v39, v55;
	v39 =	vmul.f32 v43, v47  }
0x18a: {  	v16 =	vmul.f32 v16, v55;
	v17 =	vadd.f32 v36, v17;
	v14 =	vadd.f32 v45, v14;
	v45 =	vld [tilespmem:$0xFC0]  }
0x18b: {  	v6 =	vmul.f32 v6, v52;
	v36 =	vmul.f32 v40, v54;
	v43 =	vadd.f32 v39, v15;
	v15 =	vld [tilespmem:$0xB50]  }
0x18c: {  	v40 =	vmul.f32 v32, v62;
	v32 =	vmul.f32 v26, v60;
	v42 =	vadd.f32 v38, v17;
	v17 =	vld [tilespmem:$0xC50]  }
0x18d: {  	v39 =	vmul.f32 v28, v61;
	v28 =	vmul.f32 v22, v61;
	v22 =	vld [tilespmem:$0xD50];
	v14 =	vadd.f32 v37, v14  }
0x18e: {  	v9 =	vadd.f32 v10, v9;
	v38 =	vmul.f32 v25, v50;
	v25 =	vld [tilespmem:$0xED0];
	v37 =	vmul.f32 v23, v54  }
0x18f: {  	v26 =	vmul.f32 v33, v56;
	v0 =	vmul.f32 v0, v50;
	v23 =	vld [tilespmem:$0xDD0];
	v14 =	vadd.f32 v36, v14  }
0x190: {  	v19 =	vmul.f32 v19, v62;
	v9 =	vadd.f32 v37, v9;
	v36 =	vmul.f32 v24, v52;
	v24 =	vld [tilespmem:$0xCD0]  }
0x191: {  	v31 =	vadd.f32 v40, v39;
	v40 =	vmul.f32 v44, v48;
	v8 =	vadd.f32 v8, v14;
	v14 =	vld [tilespmem:$0xAD0]  }
0x192: {  	v10 =	vadd.f32 v19, v28;
	v9 =	vadd.f32 v34, v9;
	v34 =	vmul.f32 v46, v49;
	v46 =	vld [tilespmem:$0x960]  }
0x193: {  	v44 =	vmul.f32 v27, v57;
	v27 =	vld [tilespmem:$0x9E0];
	v1 =	vmul.f32 v1, v51;
	v5 =	vadd.f32 v5, v8  }
0x194: {  	v37 =	vmul.f32 v12, v51;
	v12 =	vld [tilespmem:$0xE50];
	v10 =	vadd.f32 v11, v10;
	v9 =	vadd.f32 v36, v9  }
0x195: {  	v39 =	vmul.f32 v15, v58;
	v28 =	vmul.f32 v17, v56;
	v8 =	vld [tilespmem:$0xBD0];
	v2 =	vadd.f32 v2, v5  }
0x196: {  	v33 =	vmul.f32 v24, v55;
	v24 =	vmul.f32 v30, v53;
	v30 =	vld [tilespmem:$0xBF0];
	v9 =	vadd.f32 v37, v9  }
0x197: {  	v5 =	vld [tilespmem:$0xFD0];
	v36 =	vmul.f32 v14, v59;
	v11 =	vmul.f32 v46, v61;
	v2 =	vadd.f32 v3, v2  }
0x198: {  	v14 =	vld [tilespmem:$0xF50];
	v46 =	vmul.f32 v29, v61;
	v9 =	vadd.f32 v38, v9;
	v3 =	vadd.f32 v32, v31  }
0x199: {  	v29 =	vld [tilespmem:$0xBE0];
	v38 =	vmul.f32 v21, v58;
	v31 =	vmul.f32 v18, v47;
	v10 =	vadd.f32 v36, v10  }
0x19a: {  	v32 =	vld [tilespmem:$0x9F0];
	v8 =	vmul.f32 v8, v57;
	v19 =	vadd.f32 v34, v2;
	v37 =	vadd.f32 v35, v3  }
0x19b: {  	v9 =	vadd.f32 v13, v9;
	v34 =	vld [tilespmem:$0xA60];
	v35 =	vmul.f32 v20, v54;
	v10 =	vadd.f32 v39, v10  }
0x19c: {  	v36 =	vld [tilespmem:$0xA70];
	v5 =	vmul.f32 v5, v49;
	v3 =	vadd.f32 v38, v37;
	v15 =	vadd.f32 v40, v19  }
0x19d: {  	v39 =	vld [tilespmem:$0xAE0];
	v7 =	vadd.f32 v7, v9;
	v38 =	vmul.f32 v22, v54;
	v8 =	vadd.f32 v8, v10  }
0x19e: {  	v40 =	vmul.f32 v27, v62;
	v3 =	vadd.f32 v44, v3;
	v15 =	vadd.f32 v31, v15;
	v44 =	vld [tilespmem:$0xAF0]  }
0x19f: {  	v61 =	vmul.f32 v32, v62;
	v62 =	vld [tilespmem:$0xB60];
	v4 =	vadd.f32 v4, v7;
	v8 =	vadd.f32 v28, v8  }
0x1a0: {  	v27 =	vld [tilespmem:$0xB70];
	v11 =	vadd.f32 v40, v11;
	v3 =	vadd.f32 v26, v3;
	v26 =	vmul.f32 v34, v60  }
0x1a1: {  	v2 =	vld [tilespmem:$0x10D0];
	v17 =	vmul.f32 v36, v60;
	v37 =	vadd.f32 v33, v8;
	v8 =	vadd.f32 v61, v46  }
0x1a2: {  	v32 =	vld [tilespmem:$0xC60];
	v9 =	vmul.f32 v39, v59;
	v3 =	vadd.f32 v16, v3;
	v11 =	vadd.f32 v26, v11  }
0x1a3: {  	v40 =	vld [tilespmem:$0xCF0];
	v28 =	vmul.f32 v23, v53;
	v8 =	vadd.f32 v17, v8;
	v31 =	vmul.f32 v44, v59  }
0x1a4: {  	v34 =	vld [tilespmem:$0xC70];
	v33 =	vmul.f32 v62, v58;
	v3 =	vadd.f32 v35, v3;
	v9 =	vadd.f32 v9, v11  }
0x1a5: {  	v36 =	vmul.f32 v27, v58;
	v7 =	vadd.f32 v38, v37;
	v37 =	vld [tilespmem:$0xCE0];
	v8 =	vadd.f32 v31, v8  }
0x1a6: {  	v23 =	vld [tilespmem:$0xE60];
	v39 =	vmul.f32 v29, v57;
	v3 =	vadd.f32 v24, v3;
	v38 =	vadd.f32 v33, v9  }
0x1a7: {  	v2 =	vmul.f32 v2, v47;
	v46 =	vld [tilespmem:$0xD60];
	v44 =	vmul.f32 v30, v57;
	v8 =	vadd.f32 v36, v8  }
0x1a8: {  	v58 =	vld [tilespmem:$0xD70];
	v57 =	vmul.f32 v32, v56;
	v3 =	vadd.f32 v6, v3;
	v6 =	vadd.f32 v39, v38  }
0x1a9: {  	v61 =	vld [tilespmem:$0xDE0];
	v26 =	vmul.f32 v14, v50;
	v60 =	vmul.f32 v34, v56;
	v8 =	vadd.f32 v44, v8  }
0x1aa: {  	v21 =	vld [tilespmem:$0xDF0];
	v59 =	vmul.f32 v25, v51;
	v20 =	vmul.f32 v37, v55;
	v62 =	vadd.f32 v57, v6  }
0x1ab: {  	v22 =	vmul.f32 v40, v55;
	v25 =	vld [tilespmem:$0xE70];
	v35 =	vmul.f32 v12, v52;
	v8 =	vadd.f32 v60, v8  }
0x1ac: {  	v32 =	vld [tilespmem:$0xF60];
	v24 =	vmul.f32 v46, v54;
	v1 =	vadd.f32 v1, v3;
	v3 =	vadd.f32 v20, v62  }
0x1ad: {  	v7 =	vadd.f32 v28, v7;
	v28 =	vld [tilespmem:$0xEE0];
	v27 =	vmul.f32 v58, v54;
	v8 =	vadd.f32 v22, v8  }
0x1ae: {  	v31 =	vld [tilespmem:$0xEF0];
	v34 =	vmul.f32 v23, v52;
	v30 =	vmul.f32 v61, v53;
	v29 =	vadd.f32 v24, v3  }
0x1af: {  	v13 =	vld [tilespmem:$0x1050];
	v9 =	vmul.f32 v21, v53;
	v7 =	vadd.f32 v35, v7;
	v8 =	vadd.f32 v27, v8  }
0x1b0: {  	v33 =	vmul.f32 v45, v49;
	v35 =	vld [tilespmem:$0xF70];
	v0 =	vadd.f32 v0, v1;
	v1 =	vadd.f32 v30, v29  }
0x1b1: {  	v45 =	vmul.f32 v41, v48;
	v36 =	vmul.f32 v25, v52;
	v37 =	vld [tilespmem:$0xFE0];
	v8 =	vadd.f32 v9, v8  }
0x1b2: {  	v39 =	vld [tilespmem:$0xFF0];
	v7 =	vadd.f32 v59, v7;
	v38 =	vmul.f32 v28, v51;
	v1 =	vadd.f32 v34, v1  }
0x1b3: {  	v46 =	vmul.f32 v32, v50;
	v44 =	vld [tilespmem:$0x1060];
	v6 =	vmul.f32 v31, v51;
	v40 =	vadd.f32 v36, v8  }
0x1b4: {  	v52 =	vmul.f32 v13, v48;
	v51 =	vld [tilespmem:$0x1070];
	v7 =	vadd.f32 v26, v7;
	v1 =	vadd.f32 v38, v1  }
0x1b5: {  	v53 =	vld [tilespmem:$0x10E0];
	v57 =	vmul.f32 v63, v47;
	v11 =	vmul.f32 v35, v50;
	v6 =	vadd.f32 v6, v40  }
0x1b6: {  	v55 =	vld [tilespmem:$0x10F0];
	v5 =	vadd.f32 v5, v7;
	v54 =	vmul.f32 v37, v49;
	v1 =	vadd.f32 v46, v1  }
0x1b7: {  	v56 =	vmul.f32 v39, v49;
	v0 =	vadd.f32 v33, v0;
	v6 =	vadd.f32 v11, v6  }
0x1b8: {  	[tilespmem:$0x1180] =	vst v42;
	v5 =	vadd.f32 v52, v5;
	v8 =	vmul.f32 v44, v48;
	v1 =	vadd.f32 v54, v1  }
0x1b9: {  	[tilespmem:$0x1190] =	vst v43;
	v58 =	vmul.f32 v51, v48;
	v0 =	vadd.f32 v45, v0;
	v6 =	vadd.f32 v56, v6  }
0x1ba: {  	[tilespmem:$0x11A0] =	vst v15;
	v59 =	vmul.f32 v53, v47;
	v2 =	vadd.f32 v2, v5;
	v1 =	vadd.f32 v8, v1  }
0x1bb: {  	[tilespmem:$0x11B0] =	vst v4;
	v61 =	vmul.f32 v55, v47;
	v0 =	vadd.f32 v57, v0;
	v60 =	vadd.f32 v58, v6  }
0x1bc: {  	[tilespmem:$0x11D0] =	vst v2;
	v62 =	vadd.f32 v59, v1  }
0x1bd: {  	[tilespmem:$0x11C0] =	vst v0;
	v63 =	vadd.f32 v61, v60  }
0x1be: {  	p0 =	sne.s32 s6, $0x1;
	[tilespmem:$0x11E0] =	vst v62  }
.Ltmp0:
0x1bf: {  	[tilespmem:$0x11F0] =	vst v63;
	(pc) =	sbr.rel @p0 .LBB2_1-.Ltmp0, $4  }
0x1c0: {  	[hbm4b:s5+s3] =	stream.linear.scatter [tilespmem:s12], [sflag:$0x2], $0x100, $0x38;
	[tilespmem:$0x1200] =	vst v63  }
0x1c1: {  	_ =	swait.ge [sflag:s7], $0x100  }
0x1c2: {  	[sflag:s7] =	ssyncset.done $0x0  }
0x1c3: {  	s6 =	sadd.s32 $0xFFFFFFFF, s6;
	[sflag:s7] =	ssyncadd.s32 $0xFFFFFF00  }
0x1c4: {  	_ =	sfence.sel $0x180000  }
0x1c5: {  	[bflag:$0x0] =	sbarrier.arrive $0xFFFF  }
0x1c6: {  	p0 =	sne.s32 s2, $0x0;
	_ =	strace $0x90000047  }
0x1c7: {  	s0 =	sadd.s32 @!p0 $0x100000, s1;
	[bflag:$0x2] =	sbarrier.arrive $0xFFFF  }
0x1c8: {  	[sflag:s0] =	ssyncadd.tile.s32 @!p0 $0x1;
	_ =	shalt  }
.Lfunc_end2:
_tile_overlayer_lowered:
.L_overlay_start_2:
0x1c9: {  	(tag) =	ssettag $0x2  }
0x1ca: {  	s0 =	rddreg [dreg:$0x0];
	s2 =	stileid.u32  }
0x1cb: {  	s1 =	rddreg [dreg:$0x1];
	p0 =	sne.s32 s2, $0x0  }
0x1cc: {  	s3 =	rddreg [dreg:$0x2];
	[bflag:$0x3] =	sbarrier.arrive $0xFFFF;
	s2 =	simm.s32 @!p0 $0x1C02  }
0x1cd: {  	[timem:s3], [sflag:s2] =	dma.local @!p0 [hbm:s0], s1  }
0x1ce: {  	s0 =	simm.s32 @!p0 $0x2  }
0x1cf: {  	_ =	swait.ge @!p0 [sflag:s0], s1  }
0x1d0: {  	s1 =	ssub.s32 @!p0 $0x0, s1;
	[sflag:s0] =	ssyncset.done @!p0 $0x0  }
0x1d1: {  	[sflag:s0] =	ssyncadd.s32 @!p0 s1  }
0x1d2: {  	[bflag:$0x3] =	sbarrier.arrive $0xFFFF  }
0x1d3: {  	_ =	shalt  }

</sc_bundles>
